<compile_context>
chip_gen: v7x
topology: tpu7x:2x2x1
jax: 0.10.2.dev20260603
libtpu: 0.0.44.dev20260713+nightly
codegen_flags: <defaults>
</compile_context>

<pallas_src>
import functools

import jax
import jax.numpy as jnp
from jax import lax
from jax.experimental import pallas as pl
from jax.experimental.pallas import tpu as pltpu

M = 10000
N = 160000
D = 256
BLK = 1000
MBLK = 1000


def _stats(sums_ref, n, eps, g, b):
    mean = sums_ref[0:1, :] / n
    var = sums_ref[1:2, :] / n - mean * mean
    scale = g * lax.rsqrt(var + eps)
    shift = b - mean * scale
    return scale, shift


def _acc_stats(ref, val):
    i = pl.program_id(0)

    @pl.when(i == 0)
    def _():
        ref[...] = jnp.zeros_like(ref)

    s = jnp.sum(val, axis=0, keepdims=True)
    sq = jnp.sum(val * val, axis=0, keepdims=True)
    ref[0:2, :] += jnp.concatenate([s, sq], axis=0)


def _k1_body(inp_ref, w_ref, b_ref, a_ref, s1_ref):
    a = jnp.dot(inp_ref[...], w_ref[...], preferred_element_type=jnp.float32) + b_ref[...]
    a_ref[...] = a
    _acc_stats(s1_ref, a)


def _k1(inputs, W_lin, b_lin):
    return pl.pallas_call(
        _k1_body,
        grid=(N // BLK,),
        in_specs=[
            pl.BlockSpec((BLK, 128), lambda i: (i, 0)),
            pl.BlockSpec((128, D), lambda i: (0, 0)),
            pl.BlockSpec((1, D), lambda i: (0, 0)),
        ],
        out_specs=[
            pl.BlockSpec((BLK, D), lambda i: (i, 0)),
            pl.BlockSpec((8, D), lambda i: (0, 0)),
        ],
        out_shape=[
            jax.ShapeDtypeStruct((N, D), jnp.float32),
            jax.ShapeDtypeStruct((8, D), jnp.float32),
        ],
    )(inputs, W_lin, b_lin)


def _k2_body(a_ref, s1_ref, g1_ref, b1_ref, ww1_ref, bw1_ref, wpm_ref, bpm_ref,
             x_ref, bb_ref, cc_ref, s2_ref, s3_ref):
    scale, shift = _stats(s1_ref, N, 1e-3, g1_ref[...], b1_ref[...])
    x = jax.nn.relu(a_ref[...] * scale + shift)
    x_ref[...] = x
    bmat = jnp.dot(x, ww1_ref[...], preferred_element_type=jnp.float32) + bw1_ref[...]
    cmat = jnp.dot(x, wpm_ref[...], preferred_element_type=jnp.float32) + bpm_ref[...]
    bb_ref[...] = bmat
    cc_ref[...] = cmat
    _acc_stats(s2_ref, bmat)
    _acc_stats(s3_ref, cmat)


def _k2(A, s1, g1, b1, Ww1, bw1, Wpm, bpm):
    full = pl.BlockSpec((D, D), lambda i: (0, 0))
    vec = pl.BlockSpec((1, D), lambda i: (0, 0))
    st = pl.BlockSpec((8, D), lambda i: (0, 0))
    blk = pl.BlockSpec((BLK, D), lambda i: (i, 0))
    return pl.pallas_call(
        _k2_body,
        grid=(N // BLK,),
        in_specs=[blk, st, vec, vec, full, vec, full, vec],
        out_specs=[blk, blk, blk, st, st],
        out_shape=[
            jax.ShapeDtypeStruct((N, D), jnp.float32),
            jax.ShapeDtypeStruct((N, D), jnp.float32),
            jax.ShapeDtypeStruct((N, D), jnp.float32),
            jax.ShapeDtypeStruct((8, D), jnp.float32),
            jax.ShapeDtypeStruct((8, D), jnp.float32),
        ],
    )(A, s1, g1, b1, Ww1, bw1, Wpm, bpm)


def _k3a_body(bb_ref, s2_ref, g2_ref, b2_ref, ww2_ref, bw2_ref, w_ref):
    scale, shift = _stats(s2_ref, N, 1e-5, g2_ref[...], b2_ref[...])
    h = jax.nn.relu(bb_ref[...] * scale + shift)
    w_ref[...] = jnp.dot(h, ww2_ref[...], preferred_element_type=jnp.float32) + bw2_ref[...]


def _k3a(B, s2, g2, b2, Ww2, bw2):
    vec = pl.BlockSpec((1, D), lambda i: (0, 0))
    st = pl.BlockSpec((8, D), lambda i: (0, 0))
    blk = pl.BlockSpec((BLK, D), lambda i: (i, 0))
    return pl.pallas_call(
        _k3a_body,
        grid=(N // BLK,),
        in_specs=[blk, st, vec, vec,
                  pl.BlockSpec((D, 1), lambda i: (0, 0)),
                  pl.BlockSpec((1, 1), lambda i: (0, 0))],
        out_specs=pl.BlockSpec((BLK, 1), lambda i: (i, 0)),
        out_shape=jax.ShapeDtypeStruct((N, 1), jnp.float32),
    )(B, s2, g2, b2, Ww2, bw2)


def _k3b_body(c_ref, x_ref, e_ref, s3_ref, g3_ref, b3_ref, wpw_ref, bpw_ref,
              fs_ref, fc_ref, ex_ref):
    scale, shift = _stats(s3_ref, N, 1e-3, g3_ref[...], b3_ref[...])
    pxyz = c_ref[...] * scale + shift
    pw = jnp.dot(pxyz, wpw_ref[...], preferred_element_type=jnp.float32) + bpw_ref[...]
    fs_ref[...] = pxyz * jnp.sin(pw)
    fc_ref[...] = pxyz * jnp.cos(pw)
    ex_ref[...] = x_ref[...] * e_ref[...]


def _k3b(C, x, e, s3, g3, b3, Wpw, bpw):
    vec = pl.BlockSpec((1, D), lambda i: (0, 0))
    st = pl.BlockSpec((8, D), lambda i: (0, 0))
    blk = pl.BlockSpec((BLK, D), lambda i: (i, 0))
    return pl.pallas_call(
        _k3b_body,
        grid=(N // BLK,),
        in_specs=[blk, blk, pl.BlockSpec((BLK, 1), lambda i: (i, 0)), st, vec, vec,
                  pl.BlockSpec((D, D), lambda i: (0, 0)), vec],
        out_specs=[blk, blk, blk],
        out_shape=[jax.ShapeDtypeStruct((N, D), jnp.float32)] * 3,
    )(C, x, e, s3, g3, b3, Wpw, bpw)


def _k4_body(se_ref, inv_ref, wpm_ref, bpm_ref, mf_ref, d_ref, s4_ref):
    mf = se_ref[...] * inv_ref[...]
    mf_ref[...] = mf
    d = jnp.dot(mf, wpm_ref[...], preferred_element_type=jnp.float32) + bpm_ref[...]
    d_ref[...] = d
    _acc_stats(s4_ref, d)


def _k4(sum_ex, inv_scale, Wpm, bpm):
    vec = pl.BlockSpec((1, D), lambda i: (0, 0))
    st = pl.BlockSpec((8, D), lambda i: (0, 0))
    blk = pl.BlockSpec((MBLK, D), lambda i: (i, 0))
    return pl.pallas_call(
        _k4_body,
        grid=(M // MBLK,),
        in_specs=[blk, pl.BlockSpec((MBLK, 1), lambda i: (i, 0)),
                  pl.BlockSpec((D, D), lambda i: (0, 0)), vec],
        out_specs=[blk, blk, st],
        out_shape=[
            jax.ShapeDtypeStruct((M, D), jnp.float32),
            jax.ShapeDtypeStruct((M, D), jnp.float32),
            jax.ShapeDtypeStruct((8, D), jnp.float32),
        ],
    )(sum_ex, inv_scale, Wpm, bpm)


def _k5_body(d_ref, s4_ref, g3_ref, b3_ref, wpw_ref, bpw_ref, as_ref, ac_ref,
             fin_ref, s5_ref):
    scale, shift = _stats(s4_ref, M, 1e-3, g3_ref[...], b3_ref[...])
    feat = d_ref[...] * scale + shift
    mw = jnp.dot(feat, wpw_ref[...], preferred_element_type=jnp.float32) + bpw_ref[...]
    cs = feat * jnp.sin(mw)
    cc = feat * jnp.cos(mw)
    final = (as_ref[...] + cs) * cs + (ac_ref[...] + cc) * cc
    fin_ref[...] = final
    _acc_stats(s5_ref, final)


def _k5(Dm, s4, g3, b3, Wpw, bpw, add_s, add_c):
    vec = pl.BlockSpec((1, D), lambda i: (0, 0))
    st = pl.BlockSpec((8, D), lambda i: (0, 0))
    blk = pl.BlockSpec((MBLK, D), lambda i: (i, 0))
    return pl.pallas_call(
        _k5_body,
        grid=(M // MBLK,),
        in_specs=[blk, st, vec, vec, pl.BlockSpec((D, D), lambda i: (0, 0)), vec,
                  blk, blk],
        out_specs=[blk, st],
        out_shape=[
            jax.ShapeDtypeStruct((M, D), jnp.float32),
            jax.ShapeDtypeStruct((8, D), jnp.float32),
        ],
    )(Dm, s4, g3, b3, Wpw, bpw, add_s, add_c)


def _k6_body(fin_ref, s5_ref, g5_ref, b5_ref, mf_ref, xm_ref, cp_ref, out_ref):
    scale, shift = _stats(s5_ref, M, 1e-3, g5_ref[...], b5_ref[...])
    link = jax.nn.relu(fin_ref[...] * scale + shift)
    xmax = jnp.where(cp_ref[...] > 0, xm_ref[...], 0.0)
    out_ref[...] = ((mf_ref[...] + link) * 0.5 + xmax) * 0.5


def _k6(final, s5, g5, b5, mean_feat, xmax, cntpos):
    vec = pl.BlockSpec((1, D), lambda i: (0, 0))
    st = pl.BlockSpec((8, D), lambda i: (0, 0))
    blk = pl.BlockSpec((MBLK, D), lambda i: (i, 0))
    return pl.pallas_call(
        _k6_body,
        grid=(M // MBLK,),
        in_specs=[blk, st, vec, vec, blk, blk,
                  pl.BlockSpec((MBLK, 1), lambda i: (i, 0))],
        out_specs=blk,
        out_shape=jax.ShapeDtypeStruct((M, D), jnp.float32),
    )(final, s5, g5, b5, mean_feat, xmax, cntpos)


MPAD = ((M + 127) // 128) * 128


def _s3_body(ids_ref, a0_ref, a1_ref, a2_ref, o0_ref, o1_ref, o2_ref):
    i = pl.program_id(0)

    @pl.when(i == 0)
    def _():
        o0_ref[...] = jnp.zeros_like(o0_ref)
        o1_ref[...] = jnp.zeros_like(o1_ref)
        o2_ref[...] = jnp.zeros_like(o2_ref)

    ids = ids_ref[...]
    w_lo = ids_ref[0, 0] // 128
    w_hi = ids_ref[BLK - 1, 0] // 128
    cols = jax.lax.broadcasted_iota(jnp.int32, (1, 128), 1)

    def win(w, _):
        onehot = (ids == w * 128 + cols).astype(jnp.float32)
        dn = (((0,), (0,)), ((), ()))
        for a_ref, o_ref in ((a0_ref, o0_ref), (a1_ref, o1_ref), (a2_ref, o2_ref)):
            psum = lax.dot_general(onehot, a_ref[...], dn,
                                   preferred_element_type=jnp.float32)
            o_ref[pl.ds(w * 128, 128), :] += psum
        return None

    lax.fori_loop(w_lo, w_hi + 1, win, None)


def _s3(ids, ex, fs, fc):
    blk = pl.BlockSpec((BLK, D), lambda i: (i, 0))
    out = pl.BlockSpec((MPAD, D), lambda i: (0, 0))
    res = pl.pallas_call(
        _s3_body,
        grid=(N // BLK,),
        in_specs=[pl.BlockSpec((BLK, 1), lambda i: (i, 0)), blk, blk, blk],
        out_specs=[out, out, out],
        out_shape=[jax.ShapeDtypeStruct((MPAD, D), jnp.float32)] * 3,
    )(ids, ex, fs, fc)
    return tuple(r[:M] for r in res)


WPAD = MPAD // 128


def _p1_body(ids_ref, w_ref, cnt_ref, wm_ref):
    i = pl.program_id(0)

    @pl.when(i == 0)
    def _():
        cnt_ref[...] = jnp.zeros_like(cnt_ref)
        wm_ref[...] = jnp.full_like(wm_ref, -3.4e38)

    ids = ids_ref[...]
    wv = w_ref[...]
    w_lo = ids_ref[0, 0] // 128
    w_hi = ids_ref[BLK - 1, 0] // 128
    cols = lax.broadcasted_iota(jnp.int32, (1, 128), 1)

    def win(w, _):
        oh = ids == w * 128 + cols
        cnt_ref[pl.ds(w, 1), :] += jnp.sum(oh.astype(jnp.float32), axis=0,
                                           keepdims=True)
        vals = jnp.where(oh, wv, -3.4e38)
        wm_ref[pl.ds(w, 1), :] = jnp.maximum(
            wm_ref[pl.ds(w, 1), :], jnp.max(vals, axis=0, keepdims=True))
        return None

    lax.fori_loop(w_lo, w_hi + 1, win, None)


def _p1(ids, weight):
    out = pl.BlockSpec((WPAD, 128), lambda i: (0, 0))
    return pl.pallas_call(
        _p1_body,
        grid=(N // BLK,),
        in_specs=[pl.BlockSpec((BLK, 1), lambda i: (i, 0))] * 2,
        out_specs=[out, out],
        out_shape=[jax.ShapeDtypeStruct((WPAD, 128), jnp.float32)] * 2,
    )(ids, weight)


def _p2_body(ids_ref, w_ref, wm_ref, e_ref, den_ref):
    i = pl.program_id(0)

    @pl.when(i == 0)
    def _():
        den_ref[...] = jnp.zeros_like(den_ref)

    ids = ids_ref[...]
    wv = w_ref[...]
    w_lo = ids_ref[0, 0] // 128
    w_hi = ids_ref[BLK - 1, 0] // 128
    cols = lax.broadcasted_iota(jnp.int32, (1, 128), 1)

    def win1(w, g):
        oh = (ids == w * 128 + cols).astype(jnp.float32)
        return g + jnp.sum(oh * wm_ref[pl.ds(w, 1), :], axis=1, keepdims=True)

    gath = lax.fori_loop(w_lo, w_hi + 1, win1,
                         jnp.zeros((BLK, 1), jnp.float32))
    e = jnp.exp(wv - gath)
    e_ref[...] = e

    def win2(w, _):
        oh = (ids == w * 128 + cols).astype(jnp.float32)
        den_ref[pl.ds(w, 1), :] += jnp.sum(oh * e, axis=0, keepdims=True)
        return None

    lax.fori_loop(w_lo, w_hi + 1, win2, None)


def _p2(ids, weight, wm):
    return pl.pallas_call(
        _p2_body,
        grid=(N // BLK,),
        in_specs=[pl.BlockSpec((BLK, 1), lambda i: (i, 0))] * 2 +
                 [pl.BlockSpec((WPAD, 128), lambda i: (0, 0))],
        out_specs=[pl.BlockSpec((BLK, 1), lambda i: (i, 0)),
                   pl.BlockSpec((WPAD, 128), lambda i: (0, 0))],
        out_shape=[jax.ShapeDtypeStruct((N, 1), jnp.float32),
                   jax.ShapeDtypeStruct((WPAD, 128), jnp.float32)],
    )(ids, weight, wm)


def kernel(inputs, unq_inv, W_lin, b_lin, g_norm, be_norm, W_w1, b_w1, g_w, be_w, W_w2, b_w2, W_pm, b_pm, g_pm, be_pm, W_pw, b_pw, g_lk, be_lk):
    r2 = lambda v: v.reshape(1, -1)
    A, s1 = _k1(inputs, W_lin, r2(b_lin))
    x, B, C, s2, s3 = _k2(A, s1, r2(g_norm), r2(be_norm), W_w1, r2(b_w1), W_pm, r2(b_pm))
    weight = _k3a(B, s2, r2(g_w), r2(be_w), W_w2, b_w2.reshape(1, 1))

    ids2 = unq_inv.astype(jnp.int32).reshape(-1, 1)
    cntw, wmw = _p1(ids2, weight)
    e2, denw = _p2(ids2, weight, wmw)
    counts = cntw.reshape(-1)[:M]
    denom = denw.reshape(-1)[:M]
    inv_scale = jnp.where(counts > 0, 1.0 / (denom * jnp.clip(counts, 1.0, None)), 0.0)
    cntpos = (counts > 0).astype(jnp.float32)

    fs, fc, ex = _k3b(C, x, e2, s3, r2(g_pm), r2(be_pm), W_pw, b_pw.reshape(1, -1))

    sum_ex, add_s, add_c = _s3(ids2, ex, fs, fc)
    xmax = jax.ops.segment_max(x, unq_inv, num_segments=M)

    mean_feat, Dm, s4 = _k4(sum_ex, inv_scale[:, None], W_pm, r2(b_pm))
    final, s5 = _k5(Dm, s4, r2(g_pm), r2(be_pm), W_pw, r2(b_pw), add_s, add_c)
    return _k6(final, s5, r2(g_lk), r2(be_lk), mean_feat, xmax, cntpos[:, None])

# --- scband reference (transcript-rebuilt; emitter-appended) ---
"""Pipeline reference for scband-pfnlayer-v18-44092134261324 (READ-ONLY COPY).

The authoritative reference and input builder live on the scoring server;
editing this copy changes nothing except your own understanding.
"""

import jax, jax.numpy as jnp
import numpy as np

M = 10000

def _bn(x, g, b, eps):
    m = jnp.mean(x, axis=0)
    v = jnp.var(x, axis=0)
    return (x - m) / jnp.sqrt(v + eps) * g + b

def setup_inputs(seed: int = 0):
    key = jax.random.key(seed)
    ks = [jax.random.fold_in(key, i) for i in range(12)]
    d_in, d_out, N = 128, 256, 160000
    def w(k, shape):
        return jax.random.normal(k, shape, dtype=jnp.float32) * 0.05
    inp = {}
    inp['inputs'] = jax.random.normal(ks[0], (N, d_in), dtype=jnp.float32)
    inp['unq_inv'] = jnp.sort(jax.random.randint(ks[1], (N,), 0, M, dtype=jnp.int32)).astype(jnp.int32)
    inp['W_lin'] = w(ks[2], (d_in, d_out)); inp['b_lin'] = jnp.zeros((d_out,), jnp.float32)
    inp['g_norm'] = jnp.ones((d_out,), jnp.float32); inp['be_norm'] = jnp.zeros((d_out,), jnp.float32)
    inp['W_w1'] = w(ks[3], (d_out, d_out)); inp['b_w1'] = jnp.zeros((d_out,), jnp.float32)
    inp['g_w'] = jnp.ones((d_out,), jnp.float32); inp['be_w'] = jnp.zeros((d_out,), jnp.float32)
    inp['W_w2'] = w(ks[4], (d_out, 1)); inp['b_w2'] = jnp.zeros((1,), jnp.float32)
    inp['W_pm'] = w(ks[5], (d_out, d_out)); inp['b_pm'] = jnp.zeros((d_out,), jnp.float32)
    inp['g_pm'] = jnp.ones((d_out,), jnp.float32); inp['be_pm'] = jnp.zeros((d_out,), jnp.float32)
    inp['W_pw'] = w(ks[6], (d_out, d_out)); inp['b_pw'] = jnp.zeros((d_out,), jnp.float32)
    inp['g_lk'] = jnp.ones((d_out,), jnp.float32); inp['be_lk'] = jnp.zeros((d_out,), jnp.float32)
    return inp

def reference(inputs, unq_inv, W_lin, b_lin, g_norm, be_norm, W_w1, b_w1, g_w, be_w, W_w2, b_w2, W_pm, b_pm, g_pm, be_pm, W_pw, b_pw, g_lk, be_lk):
    counts = jax.ops.segment_sum(jnp.ones(inputs.shape[0], jnp.float32), unq_inv, num_segments=M)
    # linear + BN (training-mode batch stats, eps=1e-3) + relu
    x = jax.nn.relu(_bn(inputs @ W_lin + b_lin, g_norm, be_norm, 1e-3))
    # self.w MLP: Linear -> BN(eps=1e-5) -> ReLU -> Linear(out,1)
    h = jax.nn.relu(_bn(x @ W_w1 + b_w1, g_w, be_w, 1e-5))
    weight = h @ W_w2 + b_w2  # [N,1]
    # scatter_softmax over segments
    wmax = jax.ops.segment_max(weight, unq_inv, num_segments=M)
    wmax = jnp.where(counts[:, None] > 0, wmax, 0.0)
    e = jnp.exp(weight - wmax[unq_inv])
    denom = jax.ops.segment_sum(e, unq_inv, num_segments=M)[unq_inv]
    soft_weight = e / denom
    weight_x = soft_weight * x
    seg_sum = jax.ops.segment_sum(weight_x, unq_inv, num_segments=M)
    mean_feat = seg_sum / jnp.clip(counts, 1.0, None)[:, None]
    # LinkConv(mean_feat, x, unq_inv)
    pxyz = _bn(x @ W_pm + b_pm, g_pm, be_pm, 1e-3)
    pw = pxyz @ W_pw + b_pw
    fs = pxyz * jnp.sin(pw)
    fc = pxyz * jnp.cos(pw)
    add_s = jax.ops.segment_sum(fs, unq_inv, num_segments=M)
    add_c = jax.ops.segment_sum(fc, unq_inv, num_segments=M)
    feat = _bn(mean_feat @ W_pm + b_pm, g_pm, be_pm, 1e-3)
    mw = feat @ W_pw + b_pw
    cs = feat * jnp.sin(mw)
    cc = feat * jnp.cos(mw)
    add_s = add_s + cs
    add_c = add_c + cc
    final = add_s * cs + add_c * cc
    link_feat = jax.nn.relu(_bn(final, g_lk, be_lk, 1e-3))
    mean_feat = (mean_feat + link_feat) / 2.0
    xmax = jax.ops.segment_max(x, unq_inv, num_segments=M)
    xmax = jnp.where(counts[:, None] > 0, xmax, 0.0)
    return (mean_feat + xmax) / 2.0

if __name__ == "__main__":
    import jax
    _d = setup_inputs()
    print(jax.jit(kernel)(*tuple(_d.values())))

</pallas_src>

<mosaic_0001>
module attributes {stable_mosaic.version = 14 : i64} {
  func.func @_k2_body(%arg0: i32, %arg1: memref<1000x256xf32, #tpu.memory_space<vmem>>, %arg2: memref<8x256xf32, #tpu.memory_space<vmem>>, %arg3: memref<1x256xf32, #tpu.memory_space<vmem>>, %arg4: memref<1x256xf32, #tpu.memory_space<vmem>>, %arg5: memref<256x256xf32, #tpu.memory_space<vmem>>, %arg6: memref<1x256xf32, #tpu.memory_space<vmem>>, %arg7: memref<256x256xf32, #tpu.memory_space<vmem>>, %arg8: memref<1x256xf32, #tpu.memory_space<vmem>>, %arg9: memref<1000x256xf32, #tpu.memory_space<vmem>>, %arg10: memref<1000x256xf32, #tpu.memory_space<vmem>>, %arg11: memref<1000x256xf32, #tpu.memory_space<vmem>>, %arg12: memref<8x256xf32, #tpu.memory_space<vmem>>, %arg13: memref<8x256xf32, #tpu.memory_space<vmem>>) attributes {dimension_semantics = [#tpu.dimension_semantics<arbitrary>], iteration_bounds = array<i64: 160>, scalar_prefetch = 0 : i64, scratch_operands = 0 : i64, tpu.core_type = #tpu.core_type<tc>, window_params = [{transform_indices = @transform_0, window_bounds = array<i64: 1000, 256>}, {pipeline_mode = #tpu.pipeline_mode<synchronous>, transform_indices = @transform_1, window_bounds = array<i64: 8, 256>}, {pipeline_mode = #tpu.pipeline_mode<synchronous>, transform_indices = @transform_2, window_bounds = array<i64: 1, 256>}, {pipeline_mode = #tpu.pipeline_mode<synchronous>, transform_indices = @transform_3, window_bounds = array<i64: 1, 256>}, {pipeline_mode = #tpu.pipeline_mode<synchronous>, transform_indices = @transform_4, window_bounds = array<i64: 256, 256>}, {pipeline_mode = #tpu.pipeline_mode<synchronous>, transform_indices = @transform_5, window_bounds = array<i64: 1, 256>}, {pipeline_mode = #tpu.pipeline_mode<synchronous>, transform_indices = @transform_6, window_bounds = array<i64: 256, 256>}, {pipeline_mode = #tpu.pipeline_mode<synchronous>, transform_indices = @transform_7, window_bounds = array<i64: 1, 256>}, {transform_indices = @transform_8, window_bounds = array<i64: 1000, 256>}, {transform_indices = @transform_9, window_bounds = array<i64: 1000, 256>}, {transform_indices = @transform_10, window_bounds = array<i64: 1000, 256>}, {pipeline_mode = #tpu.pipeline_mode<synchronous>, transform_indices = @transform_11, window_bounds = array<i64: 8, 256>}, {pipeline_mode = #tpu.pipeline_mode<synchronous>, transform_indices = @transform_12, window_bounds = array<i64: 8, 256>}]} {
    %get3A = arith.constant 0 : index
    %get3A_0 = arith.constant 0 : index
    %get3A_1 = vector.load %arg3[%get3A, %get3A_0] : memref<1x256xf32, #tpu.memory_space<vmem>>, vector<1x256xf32>
    %get3A_2 = arith.constant 0 : index
    %get3A_3 = arith.constant 0 : index
    %get3A_4 = vector.load %arg4[%get3A_2, %get3A_3] : memref<1x256xf32, #tpu.memory_space<vmem>>, vector<1x256xf32>
    %get3A_5 = arith.constant 0 : index
    %get3A_6 = arith.constant 0 : index
    %get3A_7 = vector.load %arg2[%get3A_5, %get3A_6] : memref<8x256xf32, #tpu.memory_space<vmem>>, vector<1x256xf32>
    %div3A = arith.constant 1.600000e+05 : f32
    %div3A_8 = vector.broadcast %div3A : f32 to vector<1x256xf32>
    %div3A_9 = arith.divf %get3A_7, %div3A_8 : vector<1x256xf32>
    %get3A_10 = arith.constant 1 : index
    %get3A_11 = arith.constant 0 : index
    %get3A_12 = vector.load %arg2[%get3A_10, %get3A_11] : memref<8x256xf32, #tpu.memory_space<vmem>>, vector<1x256xf32>
    %div3A_13 = arith.constant 1.600000e+05 : f32
    %div3A_14 = vector.broadcast %div3A_13 : f32 to vector<1x256xf32>
    %div3A_15 = arith.divf %get3A_12, %div3A_14 : vector<1x256xf32>
    %mul3A = arith.mulf %div3A_9, %div3A_9 : vector<1x256xf32>
    %sub3A = arith.subf %div3A_15, %mul3A : vector<1x256xf32>
    %add3A = arith.constant 1.000000e-03 : f32
    %add3A_16 = vector.broadcast %add3A : f32 to vector<1x256xf32>
    %add3A_17 = arith.addf %sub3A, %add3A_16 : vector<1x256xf32>
    %rsqrt3A = math.rsqrt %add3A_17 : vector<1x256xf32>
    %mul3A_18 = arith.mulf %get3A_1, %rsqrt3A : vector<1x256xf32>
    %mul3A_19 = arith.mulf %div3A_9, %mul3A_18 : vector<1x256xf32>
    %sub3A_20 = arith.subf %get3A_4, %mul3A_19 : vector<1x256xf32>
    %get3A_21 = arith.constant 0 : index
    %get3A_22 = arith.constant 0 : index
    %get3A_23 = vector.load %arg1[%get3A_21, %get3A_22] : memref<1000x256xf32, #tpu.memory_space<vmem>>, vector<1000x256xf32>
    %mul3A_24 = vector.broadcast %mul3A_18 : vector<1x256xf32> to vector<1000x256xf32>
    %mul3A_25 = arith.mulf %get3A_23, %mul3A_24 : vector<1000x256xf32>
    %add3A_26 = vector.broadcast %sub3A_20 : vector<1x256xf32> to vector<1000x256xf32>
    %add3A_27 = arith.addf %mul3A_25, %add3A_26 : vector<1000x256xf32>
    %max3A = arith.constant 0.000000e+00 : f32
    %max3A_28 = vector.broadcast %max3A : f32 to vector<1000x256xf32>
    %max3A_29 = arith.maximumf %add3A_27, %max3A_28 : vector<1000x256xf32>
    %swap3A = arith.constant 0 : index
    %swap3A_30 = arith.constant 0 : index
    %swap3A_31 = vector.load %arg9[%swap3A, %swap3A_30] : memref<1000x256xf32, #tpu.memory_space<vmem>>, vector<1000x256xf32>
    tpu.vector_store %arg9[%swap3A, %swap3A_30], %max3A_29 {strides = array<i32>} : memref<1000x256xf32, #tpu.memory_space<vmem>>, vector<1000x256xf32>,
    %get3A_32 = arith.constant 0 : index
    %get3A_33 = arith.constant 0 : index
    %get3A_34 = vector.load %arg5[%get3A_32, %get3A_33] : memref<256x256xf32, #tpu.memory_space<vmem>>, vector<256x256xf32>
    %dot_general3A = arith.constant dense<0.000000e+00> : vector<1000x256xf32>
    %dot_general3A_35 = tpu.matmul %max3A_29, %get3A_34, %dot_general3A {dimension_numbers = #tpu.dot_dimension_numbers<[1], [0], [0], [1], [0, 0, 1, 1], [], []>, transpose_lhs_hint = false} : vector<1000x256xf32>, vector<256x256xf32>, vector<1000x256xf32> -> vector<1000x256xf32>
    %get3A_36 = arith.constant 0 : index
    %get3A_37 = arith.constant 0 : index
    %get3A_38 = vector.load %arg6[%get3A_36, %get3A_37] : memref<1x256xf32, #tpu.memory_space<vmem>>, vector<1x256xf32>
    %add3A_39 = vector.broadcast %get3A_38 : vector<1x256xf32> to vector<1000x256xf32>
    %add3A_40 = arith.addf %dot_general3A_35, %add3A_39 : vector<1000x256xf32>
    %get3A_41 = arith.constant 0 : index
    %get3A_42 = arith.constant 0 : index
    %get3A_43 = vector.load %arg7[%get3A_41, %get3A_42] : memref<256x256xf32, #tpu.memory_space<vmem>>, vector<256x256xf32>
    %dot_general3A_44 = arith.constant dense<0.000000e+00> : vector<1000x256xf32>
    %dot_general3A_45 = tpu.matmul %max3A_29, %get3A_43, %dot_general3A_44 {dimension_numbers = #tpu.dot_dimension_numbers<[1], [0], [0], [1], [0, 0, 1, 1], [], []>, transpose_lhs_hint = false} : vector<1000x256xf32>, vector<256x256xf32>, vector<1000x256xf32> -> vector<1000x256xf32>
    %get3A_46 = arith.constant 0 : index
    %get3A_47 = arith.constant 0 : index
    %get3A_48 = vector.load %arg8[%get3A_46, %get3A_47] : memref<1x256xf32, #tpu.memory_space<vmem>>, vector<1x256xf32>
    %add3A_49 = vector.broadcast %get3A_48 : vector<1x256xf32> to vector<1000x256xf32>
    %add3A_50 = arith.addf %dot_general3A_45, %add3A_49 : vector<1000x256xf32>
    %swap3A_51 = arith.constant 0 : index
    %swap3A_52 = arith.constant 0 : index
    %swap3A_53 = vector.load %arg10[%swap3A_51, %swap3A_52] : memref<1000x256xf32, #tpu.memory_space<vmem>>, vector<1000x256xf32>
    tpu.vector_store %arg10[%swap3A_51, %swap3A_52], %add3A_40 {strides = array<i32>} : memref<1000x256xf32, #tpu.memory_space<vmem>>, vector<1000x256xf32>,
    %swap3A_54 = arith.constant 0 : index
    %swap3A_55 = arith.constant 0 : index
    %swap3A_56 = vector.load %arg11[%swap3A_54, %swap3A_55] : memref<1000x256xf32, #tpu.memory_space<vmem>>, vector<1000x256xf32>
    tpu.vector_store %arg11[%swap3A_54, %swap3A_55], %add3A_50 {strides = array<i32>} : memref<1000x256xf32, #tpu.memory_space<vmem>>, vector<1000x256xf32>,
    %eq3A = arith.constant 0 : i32
    %eq3A_57 = arith.cmpi eq, %arg0, %eq3A : i32
    %convert_element_type3A = arith.extui %eq3A_57 : i1 to i32
    %cond3A = arith.constant 0 : i32
    %cond3A_58 = arith.cmpi ne, %convert_element_type3A, %cond3A : i32
    scf.if %cond3A_58 {
      %broadcast_in_dim3A_91 = arith.constant 0.000000e+00 : f32
      %broadcast_in_dim3A_92 = vector.broadcast %broadcast_in_dim3A_91 : f32 to vector<8x256xf32>
      %swap3A_93 = arith.constant 0 : index
      %swap3A_94 = arith.constant 0 : index
      %swap3A_95 = vector.load %arg12[%swap3A_93, %swap3A_94] : memref<8x256xf32, #tpu.memory_space<vmem>>, vector<8x256xf32>
      tpu.vector_store %arg12[%swap3A_93, %swap3A_94], %broadcast_in_dim3A_92 {strides = array<i32>} : memref<8x256xf32, #tpu.memory_space<vmem>>, vector<8x256xf32>,
    } else {
    }
    %reduce_sum3A = arith.constant dense<0.000000e+00> : vector<256xf32>
    %reduce_sum3A_59 = vector.multi_reduction <add>, %add3A_40, %reduce_sum3A [0] : vector<1000x256xf32> to vector<256xf32>
    %broadcast_in_dim3A = vector.shape_cast %reduce_sum3A_59 : vector<256xf32> to vector<1x256xf32>
    %mul3A_60 = arith.mulf %add3A_40, %add3A_40 : vector<1000x256xf32>
    %reduce_sum3A_61 = arith.constant dense<0.000000e+00> : vector<256xf32>
    %reduce_sum3A_62 = vector.multi_reduction <add>, %mul3A_60, %reduce_sum3A_61 [0] : vector<1000x256xf32> to vector<256xf32>
    %broadcast_in_dim3A_63 = vector.shape_cast %reduce_sum3A_62 : vector<256xf32> to vector<1x256xf32>
    %get3A_64 = arith.constant 0 : index
    %get3A_65 = arith.constant 0 : index
    %get3A_66 = vector.load %arg12[%get3A_64, %get3A_65] : memref<8x256xf32, #tpu.memory_space<vmem>>, vector<2x256xf32>
    %concatenate3A = tpu.concatenate %broadcast_in_dim3A, %broadcast_in_dim3A_63 in 0 : vector<1x256xf32>, vector<1x256xf32> -> vector<2x256xf32>
    %add3A_67 = arith.addf %get3A_66, %concatenate3A : vector<2x256xf32>
    %swap3A_68 = arith.constant 0 : index
    %swap3A_69 = arith.constant 0 : index
    %swap3A_70 = vector.load %arg12[%swap3A_68, %swap3A_69] : memref<8x256xf32, #tpu.memory_space<vmem>>, vector<2x256xf32>
    tpu.vector_store %arg12[%swap3A_68, %swap3A_69], %add3A_67 {strides = array<i32>} : memref<8x256xf32, #tpu.memory_space<vmem>>, vector<2x256xf32>,
    %eq3A_71 = arith.constant 0 : i32
    %eq3A_72 = arith.cmpi eq, %arg0, %eq3A_71 : i32
    %convert_element_type3A_73 = arith.extui %eq3A_72 : i1 to i32
    %cond3A_74 = arith.constant 0 : i32
    %cond3A_75 = arith.cmpi ne, %convert_element_type3A_73, %cond3A_74 : i32
    scf.if %cond3A_75 {
      %broadcast_in_dim3A_91 = arith.constant 0.000000e+00 : f32
      %broadcast_in_dim3A_92 = vector.broadcast %broadcast_in_dim3A_91 : f32 to vector<8x256xf32>
      %swap3A_93 = arith.constant 0 : index
      %swap3A_94 = arith.constant 0 : index
      %swap3A_95 = vector.load %arg13[%swap3A_93, %swap3A_94] : memref<8x256xf32, #tpu.memory_space<vmem>>, vector<8x256xf32>
      tpu.vector_store %arg13[%swap3A_93, %swap3A_94], %broadcast_in_dim3A_92 {strides = array<i32>} : memref<8x256xf32, #tpu.memory_space<vmem>>, vector<8x256xf32>,
    } else {
    }
    %reduce_sum3A_76 = arith.constant dense<0.000000e+00> : vector<256xf32>
    %reduce_sum3A_77 = vector.multi_reduction <add>, %add3A_50, %reduce_sum3A_76 [0] : vector<1000x256xf32> to vector<256xf32>
    %broadcast_in_dim3A_78 = vector.shape_cast %reduce_sum3A_77 : vector<256xf32> to vector<1x256xf32>
    %mul3A_79 = arith.mulf %add3A_50, %add3A_50 : vector<1000x256xf32>
    %reduce_sum3A_80 = arith.constant dense<0.000000e+00> : vector<256xf32>
    %reduce_sum3A_81 = vector.multi_reduction <add>, %mul3A_79, %reduce_sum3A_80 [0] : vector<1000x256xf32> to vector<256xf32>
    %broadcast_in_dim3A_82 = vector.shape_cast %reduce_sum3A_81 : vector<256xf32> to vector<1x256xf32>
    %get3A_83 = arith.constant 0 : index
    %get3A_84 = arith.constant 0 : index
    %get3A_85 = vector.load %arg13[%get3A_83, %get3A_84] : memref<8x256xf32, #tpu.memory_space<vmem>>, vector<2x256xf32>
    %concatenate3A_86 = tpu.concatenate %broadcast_in_dim3A_78, %broadcast_in_dim3A_82 in 0 : vector<1x256xf32>, vector<1x256xf32> -> vector<2x256xf32>
    %add3A_87 = arith.addf %get3A_85, %concatenate3A_86 : vector<2x256xf32>
    %swap3A_88 = arith.constant 0 : index
    %swap3A_89 = arith.constant 0 : index
    %swap3A_90 = vector.load %arg13[%swap3A_88, %swap3A_89] : memref<8x256xf32, #tpu.memory_space<vmem>>, vector<2x256xf32>
    tpu.vector_store %arg13[%swap3A_88, %swap3A_89], %add3A_87 {strides = array<i32>} : memref<8x256xf32, #tpu.memory_space<vmem>>, vector<2x256xf32>,
    return
  }
  func.func @transform_0(%arg0: i32) -> (i32, i32) {
    %c0_i32 = arith.constant 0 : i32
    %c0_i32_0 = arith.constant 0 : i32
    return %arg0, %c0_i32 : i32, i32
  }
  func.func @transform_1(%arg0: i32) -> (i32, i32) {
    %c0_i32 = arith.constant 0 : i32
    %c0_i32_0 = arith.constant 0 : i32
    %c0_i32_1 = arith.constant 0 : i32
    return %c0_i32, %c0_i32_0 : i32, i32
  }
  func.func @transform_2(%arg0: i32) -> (i32, i32) {
    %c0_i32 = arith.constant 0 : i32
    %c0_i32_0 = arith.constant 0 : i32
    %c0_i32_1 = arith.constant 0 : i32
    return %c0_i32, %c0_i32_0 : i32, i32
  }
  func.func @transform_3(%arg0: i32) -> (i32, i32) {
    %c0_i32 = arith.constant 0 : i32
    %c0_i32_0 = arith.constant 0 : i32
    %c0_i32_1 = arith.constant 0 : i32
    return %c0_i32, %c0_i32_0 : i32, i32
  }
  func.func @transform_4(%arg0: i32) -> (i32, i32) {
    %c0_i32 = arith.constant 0 : i32
    %c0_i32_0 = arith.constant 0 : i32
    %c0_i32_1 = arith.constant 0 : i32
    return %c0_i32, %c0_i32_0 : i32, i32
  }
  func.func @transform_5(%arg0: i32) -> (i32, i32) {
    %c0_i32 = arith.constant 0 : i32
    %c0_i32_0 = arith.constant 0 : i32
    %c0_i32_1 = arith.constant 0 : i32
    return %c0_i32, %c0_i32_0 : i32, i32
  }
  func.func @transform_6(%arg0: i32) -> (i32, i32) {
    %c0_i32 = arith.constant 0 : i32
    %c0_i32_0 = arith.constant 0 : i32
    %c0_i32_1 = arith.constant 0 : i32
    return %c0_i32, %c0_i32_0 : i32, i32
  }
  func.func @transform_7(%arg0: i32) -> (i32, i32) {
    %c0_i32 = arith.constant 0 : i32
    %c0_i32_0 = arith.constant 0 : i32
    %c0_i32_1 = arith.constant 0 : i32
    return %c0_i32, %c0_i32_0 : i32, i32
  }
  func.func @transform_8(%arg0: i32) -> (i32, i32) {
    %c0_i32 = arith.constant 0 : i32
    %c0_i32_0 = arith.constant 0 : i32
    return %arg0, %c0_i32 : i32, i32
  }
  func.func @transform_9(%arg0: i32) -> (i32, i32) {
    %c0_i32 = arith.constant 0 : i32
    %c0_i32_0 = arith.constant 0 : i32
    return %arg0, %c0_i32 : i32, i32
  }
  func.func @transform_10(%arg0: i32) -> (i32, i32) {
    %c0_i32 = arith.constant 0 : i32
    %c0_i32_0 = arith.constant 0 : i32
    return %arg0, %c0_i32 : i32, i32
  }
  func.func @transform_11(%arg0: i32) -> (i32, i32) {
    %c0_i32 = arith.constant 0 : i32
    %c0_i32_0 = arith.constant 0 : i32
    %c0_i32_1 = arith.constant 0 : i32
    return %c0_i32, %c0_i32_0 : i32, i32
  }
  func.func @transform_12(%arg0: i32) -> (i32, i32) {
    %c0_i32 = arith.constant 0 : i32
    %c0_i32_0 = arith.constant 0 : i32
    %c0_i32_1 = arith.constant 0 : i32
    return %c0_i32, %c0_i32_0 : i32, i32
  }
}

module attributes {stable_mosaic.version = 14 : i64} {
  func.func @_k1_body(%arg0: i32, %arg1: memref<1000x128xf32, #tpu.memory_space<vmem>>, %arg2: memref<128x256xf32, #tpu.memory_space<vmem>>, %arg3: memref<1x256xf32, #tpu.memory_space<vmem>>, %arg4: memref<1000x256xf32, #tpu.memory_space<vmem>>, %arg5: memref<8x256xf32, #tpu.memory_space<vmem>>) attributes {dimension_semantics = [#tpu.dimension_semantics<arbitrary>], iteration_bounds = array<i64: 160>, scalar_prefetch = 0 : i64, scratch_operands = 0 : i64, tpu.core_type = #tpu.core_type<tc>, window_params = [{transform_indices = @transform_0, window_bounds = array<i64: 1000, 128>}, {pipeline_mode = #tpu.pipeline_mode<synchronous>, transform_indices = @transform_1, window_bounds = array<i64: 128, 256>}, {pipeline_mode = #tpu.pipeline_mode<synchronous>, transform_indices = @transform_2, window_bounds = array<i64: 1, 256>}, {transform_indices = @transform_3, window_bounds = array<i64: 1000, 256>}, {pipeline_mode = #tpu.pipeline_mode<synchronous>, transform_indices = @transform_4, window_bounds = array<i64: 8, 256>}]} {
    %get3A = arith.constant 0 : index
    %get3A_0 = arith.constant 0 : index
    %get3A_1 = vector.load %arg1[%get3A, %get3A_0] : memref<1000x128xf32, #tpu.memory_space<vmem>>, vector<1000x128xf32>
    %get3A_2 = arith.constant 0 : index
    %get3A_3 = arith.constant 0 : index
    %get3A_4 = vector.load %arg2[%get3A_2, %get3A_3] : memref<128x256xf32, #tpu.memory_space<vmem>>, vector<128x256xf32>
    %dot_general3A = arith.constant dense<0.000000e+00> : vector<1000x256xf32>
    %dot_general3A_5 = tpu.matmul %get3A_1, %get3A_4, %dot_general3A {dimension_numbers = #tpu.dot_dimension_numbers<[1], [0], [0], [1], [0, 0, 1, 1], [], []>, transpose_lhs_hint = false} : vector<1000x128xf32>, vector<128x256xf32>, vector<1000x256xf32> -> vector<1000x256xf32>
    %get3A_6 = arith.constant 0 : index
    %get3A_7 = arith.constant 0 : index
    %get3A_8 = vector.load %arg3[%get3A_6, %get3A_7] : memref<1x256xf32, #tpu.memory_space<vmem>>, vector<1x256xf32>
    %add3A = vector.broadcast %get3A_8 : vector<1x256xf32> to vector<1000x256xf32>
    %add3A_9 = arith.addf %dot_general3A_5, %add3A : vector<1000x256xf32>
    %swap3A = arith.constant 0 : index
    %swap3A_10 = arith.constant 0 : index
    %swap3A_11 = vector.load %arg4[%swap3A, %swap3A_10] : memref<1000x256xf32, #tpu.memory_space<vmem>>, vector<1000x256xf32>
    tpu.vector_store %arg4[%swap3A, %swap3A_10], %add3A_9 {strides = array<i32>} : memref<1000x256xf32, #tpu.memory_space<vmem>>, vector<1000x256xf32>,
    %eq3A = arith.constant 0 : i32
    %eq3A_12 = arith.cmpi eq, %arg0, %eq3A : i32
    %convert_element_type3A = arith.extui %eq3A_12 : i1 to i32
    %cond3A = arith.constant 0 : i32
    %cond3A_13 = arith.cmpi ne, %convert_element_type3A, %cond3A : i32
    scf.if %cond3A_13 {
      %broadcast_in_dim3A_25 = arith.constant 0.000000e+00 : f32
      %broadcast_in_dim3A_26 = vector.broadcast %broadcast_in_dim3A_25 : f32 to vector<8x256xf32>
      %swap3A_27 = arith.constant 0 : index
      %swap3A_28 = arith.constant 0 : index
      %swap3A_29 = vector.load %arg5[%swap3A_27, %swap3A_28] : memref<8x256xf32, #tpu.memory_space<vmem>>, vector<8x256xf32>
      tpu.vector_store %arg5[%swap3A_27, %swap3A_28], %broadcast_in_dim3A_26 {strides = array<i32>} : memref<8x256xf32, #tpu.memory_space<vmem>>, vector<8x256xf32>,
    } else {
    }
    %reduce_sum3A = arith.constant dense<0.000000e+00> : vector<256xf32>
    %reduce_sum3A_14 = vector.multi_reduction <add>, %add3A_9, %reduce_sum3A [0] : vector<1000x256xf32> to vector<256xf32>
    %broadcast_in_dim3A = vector.shape_cast %reduce_sum3A_14 : vector<256xf32> to vector<1x256xf32>
    %mul3A = arith.mulf %add3A_9, %add3A_9 : vector<1000x256xf32>
    %reduce_sum3A_15 = arith.constant dense<0.000000e+00> : vector<256xf32>
    %reduce_sum3A_16 = vector.multi_reduction <add>, %mul3A, %reduce_sum3A_15 [0] : vector<1000x256xf32> to vector<256xf32>
    %broadcast_in_dim3A_17 = vector.shape_cast %reduce_sum3A_16 : vector<256xf32> to vector<1x256xf32>
    %get3A_18 = arith.constant 0 : index
    %get3A_19 = arith.constant 0 : index
    %get3A_20 = vector.load %arg5[%get3A_18, %get3A_19] : memref<8x256xf32, #tpu.memory_space<vmem>>, vector<2x256xf32>
    %concatenate3A = tpu.concatenate %broadcast_in_dim3A, %broadcast_in_dim3A_17 in 0 : vector<1x256xf32>, vector<1x256xf32> -> vector<2x256xf32>
    %add3A_21 = arith.addf %get3A_20, %concatenate3A : vector<2x256xf32>
    %swap3A_22 = arith.constant 0 : index
    %swap3A_23 = arith.constant 0 : index
    %swap3A_24 = vector.load %arg5[%swap3A_22, %swap3A_23] : memref<8x256xf32, #tpu.memory_space<vmem>>, vector<2x256xf32>
    tpu.vector_store %arg5[%swap3A_22, %swap3A_23], %add3A_21 {strides = array<i32>} : memref<8x256xf32, #tpu.memory_space<vmem>>, vector<2x256xf32>,
    return
  }
  func.func @transform_0(%arg0: i32) -> (i32, i32) {
    %c0_i32 = arith.constant 0 : i32
    %c0_i32_0 = arith.constant 0 : i32
    return %arg0, %c0_i32 : i32, i32
  }
  func.func @transform_1(%arg0: i32) -> (i32, i32) {
    %c0_i32 = arith.constant 0 : i32
    %c0_i32_0 = arith.constant 0 : i32
    %c0_i32_1 = arith.constant 0 : i32
    return %c0_i32, %c0_i32_0 : i32, i32
  }
  func.func @transform_2(%arg0: i32) -> (i32, i32) {
    %c0_i32 = arith.constant 0 : i32
    %c0_i32_0 = arith.constant 0 : i32
    %c0_i32_1 = arith.constant 0 : i32
    return %c0_i32, %c0_i32_0 : i32, i32
  }
  func.func @transform_3(%arg0: i32) -> (i32, i32) {
    %c0_i32 = arith.constant 0 : i32
    %c0_i32_0 = arith.constant 0 : i32
    return %arg0, %c0_i32 : i32, i32
  }
  func.func @transform_4(%arg0: i32) -> (i32, i32) {
    %c0_i32 = arith.constant 0 : i32
    %c0_i32_0 = arith.constant 0 : i32
    %c0_i32_1 = arith.constant 0 : i32
    return %c0_i32, %c0_i32_0 : i32, i32
  }
}

module attributes {stable_mosaic.version = 14 : i64} {
  func.func @_k3a_body(%arg0: i32, %arg1: memref<1000x256xf32, #tpu.memory_space<vmem>>, %arg2: memref<8x256xf32, #tpu.memory_space<vmem>>, %arg3: memref<1x256xf32, #tpu.memory_space<vmem>>, %arg4: memref<1x256xf32, #tpu.memory_space<vmem>>, %arg5: memref<256x1xf32, #tpu.memory_space<vmem>>, %arg6: memref<1x1xf32, #tpu.memory_space<vmem>>, %arg7: memref<1000x1xf32, #tpu.memory_space<vmem>>) attributes {dimension_semantics = [#tpu.dimension_semantics<arbitrary>], iteration_bounds = array<i64: 160>, scalar_prefetch = 0 : i64, scratch_operands = 0 : i64, tpu.core_type = #tpu.core_type<tc>, window_params = [{transform_indices = @transform_0, window_bounds = array<i64: 1000, 256>}, {pipeline_mode = #tpu.pipeline_mode<synchronous>, transform_indices = @transform_1, window_bounds = array<i64: 8, 256>}, {pipeline_mode = #tpu.pipeline_mode<synchronous>, transform_indices = @transform_2, window_bounds = array<i64: 1, 256>}, {pipeline_mode = #tpu.pipeline_mode<synchronous>, transform_indices = @transform_3, window_bounds = array<i64: 1, 256>}, {pipeline_mode = #tpu.pipeline_mode<synchronous>, transform_indices = @transform_4, window_bounds = array<i64: 256, 1>}, {pipeline_mode = #tpu.pipeline_mode<synchronous>, transform_indices = @transform_5, window_bounds = array<i64: 1, 1>}, {transform_indices = @transform_6, window_bounds = array<i64: 1000, 1>}]} {
    %get3A = arith.constant 0 : index
    %get3A_0 = arith.constant 0 : index
    %get3A_1 = vector.load %arg3[%get3A, %get3A_0] : memref<1x256xf32, #tpu.memory_space<vmem>>, vector<1x256xf32>
    %get3A_2 = arith.constant 0 : index
    %get3A_3 = arith.constant 0 : index
    %get3A_4 = vector.load %arg4[%get3A_2, %get3A_3] : memref<1x256xf32, #tpu.memory_space<vmem>>, vector<1x256xf32>
    %get3A_5 = arith.constant 0 : index
    %get3A_6 = arith.constant 0 : index
    %get3A_7 = vector.load %arg2[%get3A_5, %get3A_6] : memref<8x256xf32, #tpu.memory_space<vmem>>, vector<1x256xf32>
    %div3A = arith.constant 1.600000e+05 : f32
    %div3A_8 = vector.broadcast %div3A : f32 to vector<1x256xf32>
    %div3A_9 = arith.divf %get3A_7, %div3A_8 : vector<1x256xf32>
    %get3A_10 = arith.constant 1 : index
    %get3A_11 = arith.constant 0 : index
    %get3A_12 = vector.load %arg2[%get3A_10, %get3A_11] : memref<8x256xf32, #tpu.memory_space<vmem>>, vector<1x256xf32>
    %div3A_13 = arith.constant 1.600000e+05 : f32
    %div3A_14 = vector.broadcast %div3A_13 : f32 to vector<1x256xf32>
    %div3A_15 = arith.divf %get3A_12, %div3A_14 : vector<1x256xf32>
    %mul3A = arith.mulf %div3A_9, %div3A_9 : vector<1x256xf32>
    %sub3A = arith.subf %div3A_15, %mul3A : vector<1x256xf32>
    %add3A = arith.constant 9.99999974E-6 : f32
    %add3A_16 = vector.broadcast %add3A : f32 to vector<1x256xf32>
    %add3A_17 = arith.addf %sub3A, %add3A_16 : vector<1x256xf32>
    %rsqrt3A = math.rsqrt %add3A_17 : vector<1x256xf32>
    %mul3A_18 = arith.mulf %get3A_1, %rsqrt3A : vector<1x256xf32>
    %mul3A_19 = arith.mulf %div3A_9, %mul3A_18 : vector<1x256xf32>
    %sub3A_20 = arith.subf %get3A_4, %mul3A_19 : vector<1x256xf32>
    %get3A_21 = arith.constant 0 : index
    %get3A_22 = arith.constant 0 : index
    %get3A_23 = vector.load %arg1[%get3A_21, %get3A_22] : memref<1000x256xf32, #tpu.memory_space<vmem>>, vector<1000x256xf32>
    %mul3A_24 = vector.broadcast %mul3A_18 : vector<1x256xf32> to vector<1000x256xf32>
    %mul3A_25 = arith.mulf %get3A_23, %mul3A_24 : vector<1000x256xf32>
    %add3A_26 = vector.broadcast %sub3A_20 : vector<1x256xf32> to vector<1000x256xf32>
    %add3A_27 = arith.addf %mul3A_25, %add3A_26 : vector<1000x256xf32>
    %max3A = arith.constant 0.000000e+00 : f32
    %max3A_28 = vector.broadcast %max3A : f32 to vector<1000x256xf32>
    %max3A_29 = arith.maximumf %add3A_27, %max3A_28 : vector<1000x256xf32>
    %get3A_30 = arith.constant 0 : index
    %get3A_31 = arith.constant 0 : index
    %get3A_32 = vector.load %arg5[%get3A_30, %get3A_31] : memref<256x1xf32, #tpu.memory_space<vmem>>, vector<256x1xf32>
    %dot_general3A = arith.constant dense<0.000000e+00> : vector<1000x1xf32>
    %dot_general3A_33 = tpu.matmul %max3A_29, %get3A_32, %dot_general3A {dimension_numbers = #tpu.dot_dimension_numbers<[1], [0], [0], [1], [0, 0, 1, 1], [], []>, transpose_lhs_hint = false} : vector<1000x256xf32>, vector<256x1xf32>, vector<1000x1xf32> -> vector<1000x1xf32>
    %get3A_34 = arith.constant 0 : index
    %get3A_35 = arith.constant 0 : index
    %get3A_36 = vector.load %arg6[%get3A_34, %get3A_35] : memref<1x1xf32, #tpu.memory_space<vmem>>, vector<1x1xf32>
    %add3A_37 = vector.broadcast %get3A_36 : vector<1x1xf32> to vector<1000x1xf32>
    %add3A_38 = arith.addf %dot_general3A_33, %add3A_37 : vector<1000x1xf32>
    %swap3A = arith.constant 0 : index
    %swap3A_39 = arith.constant 0 : index
    %swap3A_40 = vector.load %arg7[%swap3A, %swap3A_39] : memref<1000x1xf32, #tpu.memory_space<vmem>>, vector<1000x1xf32>
    tpu.vector_store %arg7[%swap3A, %swap3A_39], %add3A_38 {strides = array<i32>} : memref<1000x1xf32, #tpu.memory_space<vmem>>, vector<1000x1xf32>,
    return
  }
  func.func @transform_0(%arg0: i32) -> (i32, i32) {
    %c0_i32 = arith.constant 0 : i32
    %c0_i32_0 = arith.constant 0 : i32
    return %arg0, %c0_i32 : i32, i32
  }
  func.func @transform_1(%arg0: i32) -> (i32, i32) {
    %c0_i32 = arith.constant 0 : i32
    %c0_i32_0 = arith.constant 0 : i32
    %c0_i32_1 = arith.constant 0 : i32
    return %c0_i32, %c0_i32_0 : i32, i32
  }
  func.func @transform_2(%arg0: i32) -> (i32, i32) {
    %c0_i32 = arith.constant 0 : i32
    %c0_i32_0 = arith.constant 0 : i32
    %c0_i32_1 = arith.constant 0 : i32
    return %c0_i32, %c0_i32_0 : i32, i32
  }
  func.func @transform_3(%arg0: i32) -> (i32, i32) {
    %c0_i32 = arith.constant 0 : i32
    %c0_i32_0 = arith.constant 0 : i32
    %c0_i32_1 = arith.constant 0 : i32
    return %c0_i32, %c0_i32_0 : i32, i32
  }
  func.func @transform_4(%arg0: i32) -> (i32, i32) {
    %c0_i32 = arith.constant 0 : i32
    %c0_i32_0 = arith.constant 0 : i32
    %c0_i32_1 = arith.constant 0 : i32
    return %c0_i32, %c0_i32_0 : i32, i32
  }
  func.func @transform_5(%arg0: i32) -> (i32, i32) {
    %c0_i32 = arith.constant 0 : i32
    %c0_i32_0 = arith.constant 0 : i32
    %c0_i32_1 = arith.constant 0 : i32
    return %c0_i32, %c0_i32_0 : i32, i32
  }
  func.func @transform_6(%arg0: i32) -> (i32, i32) {
    %c0_i32 = arith.constant 0 : i32
    %c0_i32_0 = arith.constant 0 : i32
    return %arg0, %c0_i32 : i32, i32
  }
}

module attributes {stable_mosaic.version = 14 : i64} {
  func.func @_p1_body(%arg0: i32, %arg1: memref<1000x1xi32, #tpu.memory_space<vmem>>, %arg2: memref<1000x1xf32, #tpu.memory_space<vmem>>, %arg3: memref<79x128xf32, #tpu.memory_space<vmem>>, %arg4: memref<79x128xf32, #tpu.memory_space<vmem>>) attributes {dimension_semantics = [#tpu.dimension_semantics<arbitrary>], iteration_bounds = array<i64: 160>, scalar_prefetch = 0 : i64, scratch_operands = 0 : i64, tpu.core_type = #tpu.core_type<tc>, window_params = [{transform_indices = @transform_0, window_bounds = array<i64: 1000, 1>}, {transform_indices = @transform_1, window_bounds = array<i64: 1000, 1>}, {pipeline_mode = #tpu.pipeline_mode<synchronous>, transform_indices = @transform_2, window_bounds = array<i64: 79, 128>}, {pipeline_mode = #tpu.pipeline_mode<synchronous>, transform_indices = @transform_3, window_bounds = array<i64: 79, 128>}]} {
    %eq3A = arith.constant 0 : i32
    %eq3A_0 = arith.cmpi eq, %arg0, %eq3A : i32
    %convert_element_type3A = arith.extui %eq3A_0 : i1 to i32
    %cond3A = arith.constant 0 : i32
    %cond3A_1 = arith.cmpi ne, %convert_element_type3A, %cond3A : i32
    scf.if %cond3A_1 {
      %broadcast_in_dim3A = arith.constant 0.000000e+00 : f32
      %broadcast_in_dim3A_63 = vector.broadcast %broadcast_in_dim3A : f32 to vector<79x128xf32>
      %swap3A = arith.constant 0 : index
      %swap3A_64 = arith.constant 0 : index
      %swap3A_65 = vector.load %arg3[%swap3A, %swap3A_64] : memref<79x128xf32, #tpu.memory_space<vmem>>, vector<79x128xf32>
      tpu.vector_store %arg3[%swap3A, %swap3A_64], %broadcast_in_dim3A_63 {strides = array<i32>} : memref<79x128xf32, #tpu.memory_space<vmem>>, vector<79x128xf32>,
      %broadcast_in_dim3A_66 = arith.constant -3.400000e+38 : f32
      %broadcast_in_dim3A_67 = vector.broadcast %broadcast_in_dim3A_66 : f32 to vector<79x128xf32>
      %swap3A_68 = arith.constant 0 : index
      %swap3A_69 = arith.constant 0 : index
      %swap3A_70 = vector.load %arg4[%swap3A_68, %swap3A_69] : memref<79x128xf32, #tpu.memory_space<vmem>>, vector<79x128xf32>
      tpu.vector_store %arg4[%swap3A_68, %swap3A_69], %broadcast_in_dim3A_67 {strides = array<i32>} : memref<79x128xf32, #tpu.memory_space<vmem>>, vector<79x128xf32>,
    } else {
    }
    %get3A = arith.constant 0 : index
    %get3A_2 = arith.constant 0 : index
    %get3A_3 = vector.load %arg1[%get3A, %get3A_2] : memref<1000x1xi32, #tpu.memory_space<vmem>>, vector<1000x1xi32>
    %get3A_4 = arith.constant 0 : index
    %get3A_5 = arith.constant 0 : index
    %get3A_6 = vector.load %arg2[%get3A_4, %get3A_5] : memref<1000x1xf32, #tpu.memory_space<vmem>>, vector<1000x1xf32>
    %get3A_7 = arith.constant 0 : index
    %get3A_8 = arith.constant 0 : index
    %get3A_9 = vector.load %arg1[%get3A_7, %get3A_8] : memref<1000x1xi32, #tpu.memory_space<vmem>>, vector<1x1xi32>
    %get3A_10 = vector.extract %get3A_9[0, 0] : i32 from vector<1x1xi32>
    %jit3A = arith.constant 128 : i32
    %div3A = arith.divsi %get3A_10, %jit3A : i32
    %sign3A = arith.constant 0 : i32
    %sign3A_11 = arith.cmpi sgt, %get3A_10, %sign3A : i32
    %sign3A_12 = arith.extui %sign3A_11 : i1 to i32
    %sign3A_13 = arith.constant 0 : i32
    %sign3A_14 = arith.cmpi slt, %get3A_10, %sign3A_13 : i32
    %sign3A_15 = arith.extui %sign3A_14 : i1 to i32
    %sign3A_16 = arith.subi %sign3A_12, %sign3A_15 : i32
    %sign3A_17 = arith.constant 0 : i32
    %sign3A_18 = arith.cmpi sgt, %jit3A, %sign3A_17 : i32
    %sign3A_19 = arith.extui %sign3A_18 : i1 to i32
    %sign3A_20 = arith.constant 0 : i32
    %sign3A_21 = arith.cmpi slt, %jit3A, %sign3A_20 : i32
    %sign3A_22 = arith.extui %sign3A_21 : i1 to i32
    %sign3A_23 = arith.subi %sign3A_19, %sign3A_22 : i32
    %ne3A = arith.cmpi ne, %sign3A_16, %sign3A_23 : i32
    %rem3A = arith.remsi %get3A_10, %jit3A : i32
    %ne3A_24 = arith.constant 0 : i32
    %ne3A_25 = arith.cmpi ne, %rem3A, %ne3A_24 : i32
    %and3A = arith.andi %ne3A, %ne3A_25 : i1
    %sub3A = arith.constant 1 : i32
    %sub3A_26 = arith.subi %div3A, %sub3A : i32
    %select_n3A = arith.select %and3A, %sub3A_26, %div3A : i32
    %get3A_27 = arith.constant 999 : index
    %get3A_28 = arith.constant 0 : index
    %get3A_29 = vector.load %arg1[%get3A_27, %get3A_28] : memref<1000x1xi32, #tpu.memory_space<vmem>>, vector<1x1xi32>
    %get3A_30 = vector.extract %get3A_29[0, 0] : i32 from vector<1x1xi32>
    %jit3A_31 = arith.constant 128 : i32
    %div3A_32 = arith.divsi %get3A_30, %jit3A_31 : i32
    %sign3A_33 = arith.constant 0 : i32
    %sign3A_34 = arith.cmpi sgt, %get3A_30, %sign3A_33 : i32
    %sign3A_35 = arith.extui %sign3A_34 : i1 to i32
    %sign3A_36 = arith.constant 0 : i32
    %sign3A_37 = arith.cmpi slt, %get3A_30, %sign3A_36 : i32
    %sign3A_38 = arith.extui %sign3A_37 : i1 to i32
    %sign3A_39 = arith.subi %sign3A_35, %sign3A_38 : i32
    %sign3A_40 = arith.constant 0 : i32
    %sign3A_41 = arith.cmpi sgt, %jit3A_31, %sign3A_40 : i32
    %sign3A_42 = arith.extui %sign3A_41 : i1 to i32
    %sign3A_43 = arith.constant 0 : i32
    %sign3A_44 = arith.cmpi slt, %jit3A_31, %sign3A_43 : i32
    %sign3A_45 = arith.extui %sign3A_44 : i1 to i32
    %sign3A_46 = arith.subi %sign3A_42, %sign3A_45 : i32
    %ne3A_47 = arith.cmpi ne, %sign3A_39, %sign3A_46 : i32
    %rem3A_48 = arith.remsi %get3A_30, %jit3A_31 : i32
    %ne3A_49 = arith.constant 0 : i32
    %ne3A_50 = arith.cmpi ne, %rem3A_48, %ne3A_49 : i32
    %and3A_51 = arith.andi %ne3A_47, %ne3A_50 : i1
    %sub3A_52 = arith.constant 1 : i32
    %sub3A_53 = arith.subi %div3A_32, %sub3A_52 : i32
    %select_n3A_54 = arith.select %and3A_51, %sub3A_53, %div3A_32 : i32
    %iota3A = tpu.iota {dimensions = array<i32: 1>} : vector<1x128xi32>
    %add3A = arith.constant 1 : i32
    %add3A_55 = arith.addi %select_n3A_54, %add3A : i32
    %while3A = arith.subi %add3A_55, %select_n3A : i32
    %while3A_56 = arith.addi %select_n3A, %while3A : i32
    %while3A_57 = arith.constant 1 : i32
    %while3A_58 = arith.divsi %while3A, %while3A_57 : i32
    %while3A_59 = arith.muli %while3A_58, %while3A_57 : i32
    %while3A_60 = arith.addi %select_n3A, %while3A_59 : i32
    %while3A_61 = arith.constant 1 : i32
    scf.for %while3A_63 = %select_n3A to %while3A_60 step %while3A_61  : i32 {
      %mul3A = arith.constant 128 : i32
      %mul3A_64 = arith.muli %while3A_63, %mul3A : i32
      %add3A_65 = vector.broadcast %mul3A_64 : i32 to vector<1x128xi32>
      %add3A_66 = arith.addi %add3A_65, %iota3A : vector<1x128xi32>
      %eq3A_67 = vector.broadcast %get3A_3 : vector<1000x1xi32> to vector<1000x128xi32>
      %eq3A_68 = vector.broadcast %add3A_66 : vector<1x128xi32> to vector<1000x128xi32>
      %eq3A_69 = arith.cmpi eq, %eq3A_67, %eq3A_68 : vector<1000x128xi32>
      %get3A_70 = arith.index_cast %while3A_63 : i32 to index
      %get3A_71 = arith.constant 0 : index
      %get3A_72 = vector.load %arg3[%get3A_70, %get3A_71] : memref<79x128xf32, #tpu.memory_space<vmem>>, vector<1x128xf32>
      %convert_element_type3A_73 = arith.extui %eq3A_69 : vector<1000x128xi1> to vector<1000x128xi32>
      %convert_element_type3A_74 = arith.sitofp %convert_element_type3A_73 : vector<1000x128xi32> to vector<1000x128xf32>
      %reduce_sum3A = arith.constant dense<0.000000e+00> : vector<128xf32>
      %reduce_sum3A_75 = vector.multi_reduction <add>, %convert_element_type3A_74, %reduce_sum3A [0] : vector<1000x128xf32> to vector<128xf32>
      %broadcast_in_dim3A = vector.shape_cast %reduce_sum3A_75 : vector<128xf32> to vector<1x128xf32>
      %add3A_76 = arith.addf %get3A_72, %broadcast_in_dim3A : vector<1x128xf32>
      %swap3A = arith.index_cast %while3A_63 : i32 to index
      %swap3A_77 = arith.constant 0 : index
      %swap3A_78 = vector.load %arg3[%swap3A, %swap3A_77] : memref<79x128xf32, #tpu.memory_space<vmem>>, vector<1x128xf32>
      tpu.vector_store %arg3[%swap3A, %swap3A_77], %add3A_76 {strides = array<i32>} : memref<79x128xf32, #tpu.memory_space<vmem>>, vector<1x128xf32>,
      %jit3A_79 = arith.constant -3.400000e+38 : f32
      %broadcast_in_dim3A_80 = vector.shape_cast %get3A_6 : vector<1000x1xf32> to vector<1000x1xf32>
      %broadcast_in_dim3A_81 = vector.broadcast %broadcast_in_dim3A_80 : vector<1000x1xf32> to vector<1000x128xf32>
      %broadcast_in_dim3A_82 = vector.broadcast %jit3A_79 : f32 to vector<1000x128xf32>
      %select_n3A_83 = arith.select %eq3A_69, %broadcast_in_dim3A_81, %broadcast_in_dim3A_82 : vector<1000x128xi1>, vector<1000x128xf32>
      %get3A_84 = arith.index_cast %while3A_63 : i32 to index
      %get3A_85 = arith.constant 0 : index
      %get3A_86 = vector.load %arg4[%get3A_84, %get3A_85] : memref<79x128xf32, #tpu.memory_space<vmem>>, vector<1x128xf32>
      %reduce_max3A = arith.constant dense<0xFF800000> : vector<128xf32>
      %reduce_max3A_87 = vector.multi_reduction <maximumf>, %select_n3A_83, %reduce_max3A [0] : vector<1000x128xf32> to vector<128xf32>
      %broadcast_in_dim3A_88 = vector.shape_cast %reduce_max3A_87 : vector<128xf32> to vector<1x128xf32>
      %max3A = arith.maximumf %get3A_86, %broadcast_in_dim3A_88 : vector<1x128xf32>
      %swap3A_89 = arith.index_cast %while3A_63 : i32 to index
      %swap3A_90 = arith.constant 0 : index
      %swap3A_91 = vector.load %arg4[%swap3A_89, %swap3A_90] : memref<79x128xf32, #tpu.memory_space<vmem>>, vector<1x128xf32>
      tpu.vector_store %arg4[%swap3A_89, %swap3A_90], %max3A {strides = array<i32>} : memref<79x128xf32, #tpu.memory_space<vmem>>, vector<1x128xf32>,
    }
    %while3A_62 = arith.constant 1 : i32
    scf.for %while3A_63 = %while3A_60 to %while3A_56 step %while3A_62  : i32 {
      %mul3A = arith.constant 128 : i32
      %mul3A_64 = arith.muli %while3A_63, %mul3A : i32
      %add3A_65 = vector.broadcast %mul3A_64 : i32 to vector<1x128xi32>
      %add3A_66 = arith.addi %add3A_65, %iota3A : vector<1x128xi32>
      %eq3A_67 = vector.broadcast %get3A_3 : vector<1000x1xi32> to vector<1000x128xi32>
      %eq3A_68 = vector.broadcast %add3A_66 : vector<1x128xi32> to vector<1000x128xi32>
      %eq3A_69 = arith.cmpi eq, %eq3A_67, %eq3A_68 : vector<1000x128xi32>
      %get3A_70 = arith.index_cast %while3A_63 : i32 to index
      %get3A_71 = arith.constant 0 : index
      %get3A_72 = vector.load %arg3[%get3A_70, %get3A_71] : memref<79x128xf32, #tpu.memory_space<vmem>>, vector<1x128xf32>
      %convert_element_type3A_73 = arith.extui %eq3A_69 : vector<1000x128xi1> to vector<1000x128xi32>
      %convert_element_type3A_74 = arith.sitofp %convert_element_type3A_73 : vector<1000x128xi32> to vector<1000x128xf32>
      %reduce_sum3A = arith.constant dense<0.000000e+00> : vector<128xf32>
      %reduce_sum3A_75 = vector.multi_reduction <add>, %convert_element_type3A_74, %reduce_sum3A [0] : vector<1000x128xf32> to vector<128xf32>
      %broadcast_in_dim3A = vector.shape_cast %reduce_sum3A_75 : vector<128xf32> to vector<1x128xf32>
      %add3A_76 = arith.addf %get3A_72, %broadcast_in_dim3A : vector<1x128xf32>
      %swap3A = arith.index_cast %while3A_63 : i32 to index
      %swap3A_77 = arith.constant 0 : index
      %swap3A_78 = vector.load %arg3[%swap3A, %swap3A_77] : memref<79x128xf32, #tpu.memory_space<vmem>>, vector<1x128xf32>
      tpu.vector_store %arg3[%swap3A, %swap3A_77], %add3A_76 {strides = array<i32>} : memref<79x128xf32, #tpu.memory_space<vmem>>, vector<1x128xf32>,
      %jit3A_79 = arith.constant -3.400000e+38 : f32
      %broadcast_in_dim3A_80 = vector.shape_cast %get3A_6 : vector<1000x1xf32> to vector<1000x1xf32>
      %broadcast_in_dim3A_81 = vector.broadcast %broadcast_in_dim3A_80 : vector<1000x1xf32> to vector<1000x128xf32>
      %broadcast_in_dim3A_82 = vector.broadcast %jit3A_79 : f32 to vector<1000x128xf32>
      %select_n3A_83 = arith.select %eq3A_69, %broadcast_in_dim3A_81, %broadcast_in_dim3A_82 : vector<1000x128xi1>, vector<1000x128xf32>
      %get3A_84 = arith.index_cast %while3A_63 : i32 to index
      %get3A_85 = arith.constant 0 : index
      %get3A_86 = vector.load %arg4[%get3A_84, %get3A_85] : memref<79x128xf32, #tpu.memory_space<vmem>>, vector<1x128xf32>
      %reduce_max3A = arith.constant dense<0xFF800000> : vector<128xf32>
      %reduce_max3A_87 = vector.multi_reduction <maximumf>, %select_n3A_83, %reduce_max3A [0] : vector<1000x128xf32> to vector<128xf32>
      %broadcast_in_dim3A_88 = vector.shape_cast %reduce_max3A_87 : vector<128xf32> to vector<1x128xf32>
      %max3A = arith.maximumf %get3A_86, %broadcast_in_dim3A_88 : vector<1x128xf32>
      %swap3A_89 = arith.index_cast %while3A_63 : i32 to index
      %swap3A_90 = arith.constant 0 : index
      %swap3A_91 = vector.load %arg4[%swap3A_89, %swap3A_90] : memref<79x128xf32, #tpu.memory_space<vmem>>, vector<1x128xf32>
      tpu.vector_store %arg4[%swap3A_89, %swap3A_90], %max3A {strides = array<i32>} : memref<79x128xf32, #tpu.memory_space<vmem>>, vector<1x128xf32>,
    }
    return
  }
  func.func @transform_0(%arg0: i32) -> (i32, i32) {
    %c0_i32 = arith.constant 0 : i32
    %c0_i32_0 = arith.constant 0 : i32
    return %arg0, %c0_i32 : i32, i32
  }
  func.func @transform_1(%arg0: i32) -> (i32, i32) {
    %c0_i32 = arith.constant 0 : i32
    %c0_i32_0 = arith.constant 0 : i32
    return %arg0, %c0_i32 : i32, i32
  }
  func.func @transform_2(%arg0: i32) -> (i32, i32) {
    %c0_i32 = arith.constant 0 : i32
    %c0_i32_0 = arith.constant 0 : i32
    %c0_i32_1 = arith.constant 0 : i32
    return %c0_i32, %c0_i32_0 : i32, i32
  }
  func.func @transform_3(%arg0: i32) -> (i32, i32) {
    %c0_i32 = arith.constant 0 : i32
    %c0_i32_0 = arith.constant 0 : i32
    %c0_i32_1 = arith.constant 0 : i32
    return %c0_i32, %c0_i32_0 : i32, i32
  }
}

module attributes {stable_mosaic.version = 14 : i64} {
  func.func @_p2_body(%arg0: i32, %arg1: memref<1000x1xi32, #tpu.memory_space<vmem>>, %arg2: memref<1000x1xf32, #tpu.memory_space<vmem>>, %arg3: memref<79x128xf32, #tpu.memory_space<vmem>>, %arg4: memref<1000x1xf32, #tpu.memory_space<vmem>>, %arg5: memref<79x128xf32, #tpu.memory_space<vmem>>) attributes {dimension_semantics = [#tpu.dimension_semantics<arbitrary>], iteration_bounds = array<i64: 160>, scalar_prefetch = 0 : i64, scratch_operands = 0 : i64, tpu.core_type = #tpu.core_type<tc>, window_params = [{transform_indices = @transform_0, window_bounds = array<i64: 1000, 1>}, {transform_indices = @transform_1, window_bounds = array<i64: 1000, 1>}, {pipeline_mode = #tpu.pipeline_mode<synchronous>, transform_indices = @transform_2, window_bounds = array<i64: 79, 128>}, {transform_indices = @transform_3, window_bounds = array<i64: 1000, 1>}, {pipeline_mode = #tpu.pipeline_mode<synchronous>, transform_indices = @transform_4, window_bounds = array<i64: 79, 128>}]} {
    %eq3A = arith.constant 0 : i32
    %eq3A_0 = arith.cmpi eq, %arg0, %eq3A : i32
    %convert_element_type3A = arith.extui %eq3A_0 : i1 to i32
    %cond3A = arith.constant 0 : i32
    %cond3A_1 = arith.cmpi ne, %convert_element_type3A, %cond3A : i32
    scf.if %cond3A_1 {
      %broadcast_in_dim3A_79 = arith.constant 0.000000e+00 : f32
      %broadcast_in_dim3A_80 = vector.broadcast %broadcast_in_dim3A_79 : f32 to vector<79x128xf32>
      %swap3A_81 = arith.constant 0 : index
      %swap3A_82 = arith.constant 0 : index
      %swap3A_83 = vector.load %arg5[%swap3A_81, %swap3A_82] : memref<79x128xf32, #tpu.memory_space<vmem>>, vector<79x128xf32>
      tpu.vector_store %arg5[%swap3A_81, %swap3A_82], %broadcast_in_dim3A_80 {strides = array<i32>} : memref<79x128xf32, #tpu.memory_space<vmem>>, vector<79x128xf32>,
    } else {
    }
    %get3A = arith.constant 0 : index
    %get3A_2 = arith.constant 0 : index
    %get3A_3 = vector.load %arg1[%get3A, %get3A_2] : memref<1000x1xi32, #tpu.memory_space<vmem>>, vector<1000x1xi32>
    %get3A_4 = arith.constant 0 : index
    %get3A_5 = arith.constant 0 : index
    %get3A_6 = vector.load %arg2[%get3A_4, %get3A_5] : memref<1000x1xf32, #tpu.memory_space<vmem>>, vector<1000x1xf32>
    %get3A_7 = arith.constant 0 : index
    %get3A_8 = arith.constant 0 : index
    %get3A_9 = vector.load %arg1[%get3A_7, %get3A_8] : memref<1000x1xi32, #tpu.memory_space<vmem>>, vector<1x1xi32>
    %get3A_10 = vector.extract %get3A_9[0, 0] : i32 from vector<1x1xi32>
    %jit3A = arith.constant 128 : i32
    %div3A = arith.divsi %get3A_10, %jit3A : i32
    %sign3A = arith.constant 0 : i32
    %sign3A_11 = arith.cmpi sgt, %get3A_10, %sign3A : i32
    %sign3A_12 = arith.extui %sign3A_11 : i1 to i32
    %sign3A_13 = arith.constant 0 : i32
    %sign3A_14 = arith.cmpi slt, %get3A_10, %sign3A_13 : i32
    %sign3A_15 = arith.extui %sign3A_14 : i1 to i32
    %sign3A_16 = arith.subi %sign3A_12, %sign3A_15 : i32
    %sign3A_17 = arith.constant 0 : i32
    %sign3A_18 = arith.cmpi sgt, %jit3A, %sign3A_17 : i32
    %sign3A_19 = arith.extui %sign3A_18 : i1 to i32
    %sign3A_20 = arith.constant 0 : i32
    %sign3A_21 = arith.cmpi slt, %jit3A, %sign3A_20 : i32
    %sign3A_22 = arith.extui %sign3A_21 : i1 to i32
    %sign3A_23 = arith.subi %sign3A_19, %sign3A_22 : i32
    %ne3A = arith.cmpi ne, %sign3A_16, %sign3A_23 : i32
    %rem3A = arith.remsi %get3A_10, %jit3A : i32
    %ne3A_24 = arith.constant 0 : i32
    %ne3A_25 = arith.cmpi ne, %rem3A, %ne3A_24 : i32
    %and3A = arith.andi %ne3A, %ne3A_25 : i1
    %sub3A = arith.constant 1 : i32
    %sub3A_26 = arith.subi %div3A, %sub3A : i32
    %select_n3A = arith.select %and3A, %sub3A_26, %div3A : i32
    %get3A_27 = arith.constant 999 : index
    %get3A_28 = arith.constant 0 : index
    %get3A_29 = vector.load %arg1[%get3A_27, %get3A_28] : memref<1000x1xi32, #tpu.memory_space<vmem>>, vector<1x1xi32>
    %get3A_30 = vector.extract %get3A_29[0, 0] : i32 from vector<1x1xi32>
    %jit3A_31 = arith.constant 128 : i32
    %div3A_32 = arith.divsi %get3A_30, %jit3A_31 : i32
    %sign3A_33 = arith.constant 0 : i32
    %sign3A_34 = arith.cmpi sgt, %get3A_30, %sign3A_33 : i32
    %sign3A_35 = arith.extui %sign3A_34 : i1 to i32
    %sign3A_36 = arith.constant 0 : i32
    %sign3A_37 = arith.cmpi slt, %get3A_30, %sign3A_36 : i32
    %sign3A_38 = arith.extui %sign3A_37 : i1 to i32
    %sign3A_39 = arith.subi %sign3A_35, %sign3A_38 : i32
    %sign3A_40 = arith.constant 0 : i32
    %sign3A_41 = arith.cmpi sgt, %jit3A_31, %sign3A_40 : i32
    %sign3A_42 = arith.extui %sign3A_41 : i1 to i32
    %sign3A_43 = arith.constant 0 : i32
    %sign3A_44 = arith.cmpi slt, %jit3A_31, %sign3A_43 : i32
    %sign3A_45 = arith.extui %sign3A_44 : i1 to i32
    %sign3A_46 = arith.subi %sign3A_42, %sign3A_45 : i32
    %ne3A_47 = arith.cmpi ne, %sign3A_39, %sign3A_46 : i32
    %rem3A_48 = arith.remsi %get3A_30, %jit3A_31 : i32
    %ne3A_49 = arith.constant 0 : i32
    %ne3A_50 = arith.cmpi ne, %rem3A_48, %ne3A_49 : i32
    %and3A_51 = arith.andi %ne3A_47, %ne3A_50 : i1
    %sub3A_52 = arith.constant 1 : i32
    %sub3A_53 = arith.subi %div3A_32, %sub3A_52 : i32
    %select_n3A_54 = arith.select %and3A_51, %sub3A_53, %div3A_32 : i32
    %iota3A = tpu.iota {dimensions = array<i32: 1>} : vector<1x128xi32>
    %add3A = arith.constant 1 : i32
    %add3A_55 = arith.addi %select_n3A_54, %add3A : i32
    %broadcast_in_dim3A = arith.constant 0.000000e+00 : f32
    %broadcast_in_dim3A_56 = vector.broadcast %broadcast_in_dim3A : f32 to vector<1000x1xf32>
    %while3A = arith.subi %add3A_55, %select_n3A : i32
    %while3A_57 = arith.addi %select_n3A, %while3A : i32
    %while3A_58 = arith.constant 1 : i32
    %while3A_59 = arith.divsi %while3A, %while3A_58 : i32
    %while3A_60 = arith.muli %while3A_59, %while3A_58 : i32
    %while3A_61 = arith.addi %select_n3A, %while3A_60 : i32
    %while3A_62 = arith.constant 1 : i32
    %while3A_63 = scf.for %while3A_79 = %select_n3A to %while3A_61 step %while3A_62 iter_args(%while3A_80 = %broadcast_in_dim3A_56) -> (vector<1000x1xf32>)  : i32 {
      %mul3A = arith.constant 128 : i32
      %mul3A_81 = arith.muli %while3A_79, %mul3A : i32
      %add3A_82 = vector.broadcast %mul3A_81 : i32 to vector<1x128xi32>
      %add3A_83 = arith.addi %add3A_82, %iota3A : vector<1x128xi32>
      %eq3A_84 = vector.broadcast %get3A_3 : vector<1000x1xi32> to vector<1000x128xi32>
      %eq3A_85 = vector.broadcast %add3A_83 : vector<1x128xi32> to vector<1000x128xi32>
      %eq3A_86 = arith.cmpi eq, %eq3A_84, %eq3A_85 : vector<1000x128xi32>
      %convert_element_type3A_87 = arith.extui %eq3A_86 : vector<1000x128xi1> to vector<1000x128xi32>
      %convert_element_type3A_88 = arith.sitofp %convert_element_type3A_87 : vector<1000x128xi32> to vector<1000x128xf32>
      %get3A_89 = arith.index_cast %while3A_79 : i32 to index
      %get3A_90 = arith.constant 0 : index
      %get3A_91 = vector.load %arg3[%get3A_89, %get3A_90] : memref<79x128xf32, #tpu.memory_space<vmem>>, vector<1x128xf32>
      %mul3A_92 = vector.broadcast %get3A_91 : vector<1x128xf32> to vector<1000x128xf32>
      %mul3A_93 = arith.mulf %convert_element_type3A_88, %mul3A_92 : vector<1000x128xf32>
      %reduce_sum3A = arith.constant dense<0.000000e+00> : vector<1000xf32>
      %reduce_sum3A_94 = vector.multi_reduction <add>, %mul3A_93, %reduce_sum3A [1] : vector<1000x128xf32> to vector<1000xf32>
      %broadcast_in_dim3A_95 = vector.shape_cast %reduce_sum3A_94 : vector<1000xf32> to vector<1000x1xf32>
      %add3A_96 = arith.addf %while3A_80, %broadcast_in_dim3A_95 : vector<1000x1xf32>
      scf.yield %add3A_96 : vector<1000x1xf32>
    }
    %while3A_64 = arith.constant 1 : i32
    %while3A_65 = scf.for %while3A_79 = %while3A_61 to %while3A_57 step %while3A_64 iter_args(%while3A_80 = %while3A_63) -> (vector<1000x1xf32>)  : i32 {
      %mul3A = arith.constant 128 : i32
      %mul3A_81 = arith.muli %while3A_79, %mul3A : i32
      %add3A_82 = vector.broadcast %mul3A_81 : i32 to vector<1x128xi32>
      %add3A_83 = arith.addi %add3A_82, %iota3A : vector<1x128xi32>
      %eq3A_84 = vector.broadcast %get3A_3 : vector<1000x1xi32> to vector<1000x128xi32>
      %eq3A_85 = vector.broadcast %add3A_83 : vector<1x128xi32> to vector<1000x128xi32>
      %eq3A_86 = arith.cmpi eq, %eq3A_84, %eq3A_85 : vector<1000x128xi32>
      %convert_element_type3A_87 = arith.extui %eq3A_86 : vector<1000x128xi1> to vector<1000x128xi32>
      %convert_element_type3A_88 = arith.sitofp %convert_element_type3A_87 : vector<1000x128xi32> to vector<1000x128xf32>
      %get3A_89 = arith.index_cast %while3A_79 : i32 to index
      %get3A_90 = arith.constant 0 : index
      %get3A_91 = vector.load %arg3[%get3A_89, %get3A_90] : memref<79x128xf32, #tpu.memory_space<vmem>>, vector<1x128xf32>
      %mul3A_92 = vector.broadcast %get3A_91 : vector<1x128xf32> to vector<1000x128xf32>
      %mul3A_93 = arith.mulf %convert_element_type3A_88, %mul3A_92 : vector<1000x128xf32>
      %reduce_sum3A = arith.constant dense<0.000000e+00> : vector<1000xf32>
      %reduce_sum3A_94 = vector.multi_reduction <add>, %mul3A_93, %reduce_sum3A [1] : vector<1000x128xf32> to vector<1000xf32>
      %broadcast_in_dim3A_95 = vector.shape_cast %reduce_sum3A_94 : vector<1000xf32> to vector<1000x1xf32>
      %add3A_96 = arith.addf %while3A_80, %broadcast_in_dim3A_95 : vector<1000x1xf32>
      scf.yield %add3A_96 : vector<1000x1xf32>
    }
    %sub3A_66 = arith.subf %get3A_6, %while3A_65 : vector<1000x1xf32>
    %exp3A = math.exp %sub3A_66 : vector<1000x1xf32>
    %swap3A = arith.constant 0 : index
    %swap3A_67 = arith.constant 0 : index
    %swap3A_68 = vector.load %arg4[%swap3A, %swap3A_67] : memref<1000x1xf32, #tpu.memory_space<vmem>>, vector<1000x1xf32>
    tpu.vector_store %arg4[%swap3A, %swap3A_67], %exp3A {strides = array<i32>} : memref<1000x1xf32, #tpu.memory_space<vmem>>, vector<1000x1xf32>,
    %add3A_69 = arith.constant 1 : i32
    %add3A_70 = arith.addi %select_n3A_54, %add3A_69 : i32
    %while3A_71 = arith.subi %add3A_70, %select_n3A : i32
    %while3A_72 = arith.addi %select_n3A, %while3A_71 : i32
    %while3A_73 = arith.constant 1 : i32
    %while3A_74 = arith.divsi %while3A_71, %while3A_73 : i32
    %while3A_75 = arith.muli %while3A_74, %while3A_73 : i32
    %while3A_76 = arith.addi %select_n3A, %while3A_75 : i32
    %while3A_77 = arith.constant 1 : i32
    scf.for %while3A_79 = %select_n3A to %while3A_76 step %while3A_77  : i32 {
      %mul3A = arith.constant 128 : i32
      %mul3A_80 = arith.muli %while3A_79, %mul3A : i32
      %add3A_81 = vector.broadcast %mul3A_80 : i32 to vector<1x128xi32>
      %add3A_82 = arith.addi %add3A_81, %iota3A : vector<1x128xi32>
      %eq3A_83 = vector.broadcast %get3A_3 : vector<1000x1xi32> to vector<1000x128xi32>
      %eq3A_84 = vector.broadcast %add3A_82 : vector<1x128xi32> to vector<1000x128xi32>
      %eq3A_85 = arith.cmpi eq, %eq3A_83, %eq3A_84 : vector<1000x128xi32>
      %convert_element_type3A_86 = arith.extui %eq3A_85 : vector<1000x128xi1> to vector<1000x128xi32>
      %convert_element_type3A_87 = arith.sitofp %convert_element_type3A_86 : vector<1000x128xi32> to vector<1000x128xf32>
      %get3A_88 = arith.index_cast %while3A_79 : i32 to index
      %get3A_89 = arith.constant 0 : index
      %get3A_90 = vector.load %arg5[%get3A_88, %get3A_89] : memref<79x128xf32, #tpu.memory_space<vmem>>, vector<1x128xf32>
      %mul3A_91 = vector.broadcast %exp3A : vector<1000x1xf32> to vector<1000x128xf32>
      %mul3A_92 = arith.mulf %convert_element_type3A_87, %mul3A_91 : vector<1000x128xf32>
      %reduce_sum3A = arith.constant dense<0.000000e+00> : vector<128xf32>
      %reduce_sum3A_93 = vector.multi_reduction <add>, %mul3A_92, %reduce_sum3A [0] : vector<1000x128xf32> to vector<128xf32>
      %broadcast_in_dim3A_94 = vector.shape_cast %reduce_sum3A_93 : vector<128xf32> to vector<1x128xf32>
      %add3A_95 = arith.addf %get3A_90, %broadcast_in_dim3A_94 : vector<1x128xf32>
      %swap3A_96 = arith.index_cast %while3A_79 : i32 to index
      %swap3A_97 = arith.constant 0 : index
      %swap3A_98 = vector.load %arg5[%swap3A_96, %swap3A_97] : memref<79x128xf32, #tpu.memory_space<vmem>>, vector<1x128xf32>
      tpu.vector_store %arg5[%swap3A_96, %swap3A_97], %add3A_95 {strides = array<i32>} : memref<79x128xf32, #tpu.memory_space<vmem>>, vector<1x128xf32>,
    }
    %while3A_78 = arith.constant 1 : i32
    scf.for %while3A_79 = %while3A_76 to %while3A_72 step %while3A_78  : i32 {
      %mul3A = arith.constant 128 : i32
      %mul3A_80 = arith.muli %while3A_79, %mul3A : i32
      %add3A_81 = vector.broadcast %mul3A_80 : i32 to vector<1x128xi32>
      %add3A_82 = arith.addi %add3A_81, %iota3A : vector<1x128xi32>
      %eq3A_83 = vector.broadcast %get3A_3 : vector<1000x1xi32> to vector<1000x128xi32>
      %eq3A_84 = vector.broadcast %add3A_82 : vector<1x128xi32> to vector<1000x128xi32>
      %eq3A_85 = arith.cmpi eq, %eq3A_83, %eq3A_84 : vector<1000x128xi32>
      %convert_element_type3A_86 = arith.extui %eq3A_85 : vector<1000x128xi1> to vector<1000x128xi32>
      %convert_element_type3A_87 = arith.sitofp %convert_element_type3A_86 : vector<1000x128xi32> to vector<1000x128xf32>
      %get3A_88 = arith.index_cast %while3A_79 : i32 to index
      %get3A_89 = arith.constant 0 : index
      %get3A_90 = vector.load %arg5[%get3A_88, %get3A_89] : memref<79x128xf32, #tpu.memory_space<vmem>>, vector<1x128xf32>
      %mul3A_91 = vector.broadcast %exp3A : vector<1000x1xf32> to vector<1000x128xf32>
      %mul3A_92 = arith.mulf %convert_element_type3A_87, %mul3A_91 : vector<1000x128xf32>
      %reduce_sum3A = arith.constant dense<0.000000e+00> : vector<128xf32>
      %reduce_sum3A_93 = vector.multi_reduction <add>, %mul3A_92, %reduce_sum3A [0] : vector<1000x128xf32> to vector<128xf32>
      %broadcast_in_dim3A_94 = vector.shape_cast %reduce_sum3A_93 : vector<128xf32> to vector<1x128xf32>
      %add3A_95 = arith.addf %get3A_90, %broadcast_in_dim3A_94 : vector<1x128xf32>
      %swap3A_96 = arith.index_cast %while3A_79 : i32 to index
      %swap3A_97 = arith.constant 0 : index
      %swap3A_98 = vector.load %arg5[%swap3A_96, %swap3A_97] : memref<79x128xf32, #tpu.memory_space<vmem>>, vector<1x128xf32>
      tpu.vector_store %arg5[%swap3A_96, %swap3A_97], %add3A_95 {strides = array<i32>} : memref<79x128xf32, #tpu.memory_space<vmem>>, vector<1x128xf32>,
    }
    return
  }
  func.func @transform_0(%arg0: i32) -> (i32, i32) {
    %c0_i32 = arith.constant 0 : i32
    %c0_i32_0 = arith.constant 0 : i32
    return %arg0, %c0_i32 : i32, i32
  }
  func.func @transform_1(%arg0: i32) -> (i32, i32) {
    %c0_i32 = arith.constant 0 : i32
    %c0_i32_0 = arith.constant 0 : i32
    return %arg0, %c0_i32 : i32, i32
  }
  func.func @transform_2(%arg0: i32) -> (i32, i32) {
    %c0_i32 = arith.constant 0 : i32
    %c0_i32_0 = arith.constant 0 : i32
    %c0_i32_1 = arith.constant 0 : i32
    return %c0_i32, %c0_i32_0 : i32, i32
  }
  func.func @transform_3(%arg0: i32) -> (i32, i32) {
    %c0_i32 = arith.constant 0 : i32
    %c0_i32_0 = arith.constant 0 : i32
    return %arg0, %c0_i32 : i32, i32
  }
  func.func @transform_4(%arg0: i32) -> (i32, i32) {
    %c0_i32 = arith.constant 0 : i32
    %c0_i32_0 = arith.constant 0 : i32
    %c0_i32_1 = arith.constant 0 : i32
    return %c0_i32, %c0_i32_0 : i32, i32
  }
}

module attributes {stable_mosaic.version = 14 : i64} {
  func.func @_k3b_body(%arg0: i32, %arg1: memref<1000x256xf32, #tpu.memory_space<vmem>>, %arg2: memref<1000x256xf32, #tpu.memory_space<vmem>>, %arg3: memref<1000x1xf32, #tpu.memory_space<vmem>>, %arg4: memref<8x256xf32, #tpu.memory_space<vmem>>, %arg5: memref<1x256xf32, #tpu.memory_space<vmem>>, %arg6: memref<1x256xf32, #tpu.memory_space<vmem>>, %arg7: memref<256x256xf32, #tpu.memory_space<vmem>>, %arg8: memref<1x256xf32, #tpu.memory_space<vmem>>, %arg9: memref<1000x256xf32, #tpu.memory_space<vmem>>, %arg10: memref<1000x256xf32, #tpu.memory_space<vmem>>, %arg11: memref<1000x256xf32, #tpu.memory_space<vmem>>) attributes {dimension_semantics = [#tpu.dimension_semantics<arbitrary>], iteration_bounds = array<i64: 160>, scalar_prefetch = 0 : i64, scratch_operands = 0 : i64, tpu.core_type = #tpu.core_type<tc>, window_params = [{transform_indices = @transform_0, window_bounds = array<i64: 1000, 256>}, {transform_indices = @transform_1, window_bounds = array<i64: 1000, 256>}, {transform_indices = @transform_2, window_bounds = array<i64: 1000, 1>}, {pipeline_mode = #tpu.pipeline_mode<synchronous>, transform_indices = @transform_3, window_bounds = array<i64: 8, 256>}, {pipeline_mode = #tpu.pipeline_mode<synchronous>, transform_indices = @transform_4, window_bounds = array<i64: 1, 256>}, {pipeline_mode = #tpu.pipeline_mode<synchronous>, transform_indices = @transform_5, window_bounds = array<i64: 1, 256>}, {pipeline_mode = #tpu.pipeline_mode<synchronous>, transform_indices = @transform_6, window_bounds = array<i64: 256, 256>}, {pipeline_mode = #tpu.pipeline_mode<synchronous>, transform_indices = @transform_7, window_bounds = array<i64: 1, 256>}, {transform_indices = @transform_8, window_bounds = array<i64: 1000, 256>}, {transform_indices = @transform_9, window_bounds = array<i64: 1000, 256>}, {transform_indices = @transform_10, window_bounds = array<i64: 1000, 256>}]} {
    %get3A = arith.constant 0 : index
    %get3A_0 = arith.constant 0 : index
    %get3A_1 = vector.load %arg5[%get3A, %get3A_0] : memref<1x256xf32, #tpu.memory_space<vmem>>, vector<1x256xf32>
    %get3A_2 = arith.constant 0 : index
    %get3A_3 = arith.constant 0 : index
    %get3A_4 = vector.load %arg6[%get3A_2, %get3A_3] : memref<1x256xf32, #tpu.memory_space<vmem>>, vector<1x256xf32>
    %get3A_5 = arith.constant 0 : index
    %get3A_6 = arith.constant 0 : index
    %get3A_7 = vector.load %arg4[%get3A_5, %get3A_6] : memref<8x256xf32, #tpu.memory_space<vmem>>, vector<1x256xf32>
    %div3A = arith.constant 1.600000e+05 : f32
    %div3A_8 = vector.broadcast %div3A : f32 to vector<1x256xf32>
    %div3A_9 = arith.divf %get3A_7, %div3A_8 : vector<1x256xf32>
    %get3A_10 = arith.constant 1 : index
    %get3A_11 = arith.constant 0 : index
    %get3A_12 = vector.load %arg4[%get3A_10, %get3A_11] : memref<8x256xf32, #tpu.memory_space<vmem>>, vector<1x256xf32>
    %div3A_13 = arith.constant 1.600000e+05 : f32
    %div3A_14 = vector.broadcast %div3A_13 : f32 to vector<1x256xf32>
    %div3A_15 = arith.divf %get3A_12, %div3A_14 : vector<1x256xf32>
    %mul3A = arith.mulf %div3A_9, %div3A_9 : vector<1x256xf32>
    %sub3A = arith.subf %div3A_15, %mul3A : vector<1x256xf32>
    %add3A = arith.constant 1.000000e-03 : f32
    %add3A_16 = vector.broadcast %add3A : f32 to vector<1x256xf32>
    %add3A_17 = arith.addf %sub3A, %add3A_16 : vector<1x256xf32>
    %rsqrt3A = math.rsqrt %add3A_17 : vector<1x256xf32>
    %mul3A_18 = arith.mulf %get3A_1, %rsqrt3A : vector<1x256xf32>
    %mul3A_19 = arith.mulf %div3A_9, %mul3A_18 : vector<1x256xf32>
    %sub3A_20 = arith.subf %get3A_4, %mul3A_19 : vector<1x256xf32>
    %get3A_21 = arith.constant 0 : index
    %get3A_22 = arith.constant 0 : index
    %get3A_23 = vector.load %arg1[%get3A_21, %get3A_22] : memref<1000x256xf32, #tpu.memory_space<vmem>>, vector<1000x256xf32>
    %mul3A_24 = vector.broadcast %mul3A_18 : vector<1x256xf32> to vector<1000x256xf32>
    %mul3A_25 = arith.mulf %get3A_23, %mul3A_24 : vector<1000x256xf32>
    %add3A_26 = vector.broadcast %sub3A_20 : vector<1x256xf32> to vector<1000x256xf32>
    %add3A_27 = arith.addf %mul3A_25, %add3A_26 : vector<1000x256xf32>
    %get3A_28 = arith.constant 0 : index
    %get3A_29 = arith.constant 0 : index
    %get3A_30 = vector.load %arg7[%get3A_28, %get3A_29] : memref<256x256xf32, #tpu.memory_space<vmem>>, vector<256x256xf32>
    %dot_general3A = arith.constant dense<0.000000e+00> : vector<1000x256xf32>
    %dot_general3A_31 = tpu.matmul %add3A_27, %get3A_30, %dot_general3A {dimension_numbers = #tpu.dot_dimension_numbers<[1], [0], [0], [1], [0, 0, 1, 1], [], []>, transpose_lhs_hint = false} : vector<1000x256xf32>, vector<256x256xf32>, vector<1000x256xf32> -> vector<1000x256xf32>
    %get3A_32 = arith.constant 0 : index
    %get3A_33 = arith.constant 0 : index
    %get3A_34 = vector.load %arg8[%get3A_32, %get3A_33] : memref<1x256xf32, #tpu.memory_space<vmem>>, vector<1x256xf32>
    %add3A_35 = vector.broadcast %get3A_34 : vector<1x256xf32> to vector<1000x256xf32>
    %add3A_36 = arith.addf %dot_general3A_31, %add3A_35 : vector<1000x256xf32>
    %sin3A = math.sin %add3A_36 : vector<1000x256xf32>
    %mul3A_37 = arith.mulf %add3A_27, %sin3A : vector<1000x256xf32>
    %swap3A = arith.constant 0 : index
    %swap3A_38 = arith.constant 0 : index
    %swap3A_39 = vector.load %arg9[%swap3A, %swap3A_38] : memref<1000x256xf32, #tpu.memory_space<vmem>>, vector<1000x256xf32>
    tpu.vector_store %arg9[%swap3A, %swap3A_38], %mul3A_37 {strides = array<i32>} : memref<1000x256xf32, #tpu.memory_space<vmem>>, vector<1000x256xf32>,
    %cos3A = math.cos %add3A_36 : vector<1000x256xf32>
    %mul3A_40 = arith.mulf %add3A_27, %cos3A : vector<1000x256xf32>
    %swap3A_41 = arith.constant 0 : index
    %swap3A_42 = arith.constant 0 : index
    %swap3A_43 = vector.load %arg10[%swap3A_41, %swap3A_42] : memref<1000x256xf32, #tpu.memory_space<vmem>>, vector<1000x256xf32>
    tpu.vector_store %arg10[%swap3A_41, %swap3A_42], %mul3A_40 {strides = array<i32>} : memref<1000x256xf32, #tpu.memory_space<vmem>>, vector<1000x256xf32>,
    %get3A_44 = arith.constant 0 : index
    %get3A_45 = arith.constant 0 : index
    %get3A_46 = vector.load %arg2[%get3A_44, %get3A_45] : memref<1000x256xf32, #tpu.memory_space<vmem>>, vector<1000x256xf32>
    %get3A_47 = arith.constant 0 : index
    %get3A_48 = arith.constant 0 : index
    %get3A_49 = vector.load %arg3[%get3A_47, %get3A_48] : memref<1000x1xf32, #tpu.memory_space<vmem>>, vector<1000x1xf32>
    %mul3A_50 = vector.broadcast %get3A_49 : vector<1000x1xf32> to vector<1000x256xf32>
    %mul3A_51 = arith.mulf %get3A_46, %mul3A_50 : vector<1000x256xf32>
    %swap3A_52 = arith.constant 0 : index
    %swap3A_53 = arith.constant 0 : index
    %swap3A_54 = vector.load %arg11[%swap3A_52, %swap3A_53] : memref<1000x256xf32, #tpu.memory_space<vmem>>, vector<1000x256xf32>
    tpu.vector_store %arg11[%swap3A_52, %swap3A_53], %mul3A_51 {strides = array<i32>} : memref<1000x256xf32, #tpu.memory_space<vmem>>, vector<1000x256xf32>,
    return
  }
  func.func @transform_0(%arg0: i32) -> (i32, i32) {
    %c0_i32 = arith.constant 0 : i32
    %c0_i32_0 = arith.constant 0 : i32
    return %arg0, %c0_i32 : i32, i32
  }
  func.func @transform_1(%arg0: i32) -> (i32, i32) {
    %c0_i32 = arith.constant 0 : i32
    %c0_i32_0 = arith.constant 0 : i32
    return %arg0, %c0_i32 : i32, i32
  }
  func.func @transform_2(%arg0: i32) -> (i32, i32) {
    %c0_i32 = arith.constant 0 : i32
    %c0_i32_0 = arith.constant 0 : i32
    return %arg0, %c0_i32 : i32, i32
  }
  func.func @transform_3(%arg0: i32) -> (i32, i32) {
    %c0_i32 = arith.constant 0 : i32
    %c0_i32_0 = arith.constant 0 : i32
    %c0_i32_1 = arith.constant 0 : i32
    return %c0_i32, %c0_i32_0 : i32, i32
  }
  func.func @transform_4(%arg0: i32) -> (i32, i32) {
    %c0_i32 = arith.constant 0 : i32
    %c0_i32_0 = arith.constant 0 : i32
    %c0_i32_1 = arith.constant 0 : i32
    return %c0_i32, %c0_i32_0 : i32, i32
  }
  func.func @transform_5(%arg0: i32) -> (i32, i32) {
    %c0_i32 = arith.constant 0 : i32
    %c0_i32_0 = arith.constant 0 : i32
    %c0_i32_1 = arith.constant 0 : i32
    return %c0_i32, %c0_i32_0 : i32, i32
  }
  func.func @transform_6(%arg0: i32) -> (i32, i32) {
    %c0_i32 = arith.constant 0 : i32
    %c0_i32_0 = arith.constant 0 : i32
    %c0_i32_1 = arith.constant 0 : i32
    return %c0_i32, %c0_i32_0 : i32, i32
  }
  func.func @transform_7(%arg0: i32) -> (i32, i32) {
    %c0_i32 = arith.constant 0 : i32
    %c0_i32_0 = arith.constant 0 : i32
    %c0_i32_1 = arith.constant 0 : i32
    return %c0_i32, %c0_i32_0 : i32, i32
  }
  func.func @transform_8(%arg0: i32) -> (i32, i32) {
    %c0_i32 = arith.constant 0 : i32
    %c0_i32_0 = arith.constant 0 : i32
    return %arg0, %c0_i32 : i32, i32
  }
  func.func @transform_9(%arg0: i32) -> (i32, i32) {
    %c0_i32 = arith.constant 0 : i32
    %c0_i32_0 = arith.constant 0 : i32
    return %arg0, %c0_i32 : i32, i32
  }
  func.func @transform_10(%arg0: i32) -> (i32, i32) {
    %c0_i32 = arith.constant 0 : i32
    %c0_i32_0 = arith.constant 0 : i32
    return %arg0, %c0_i32 : i32, i32
  }
}

module attributes {stable_mosaic.version = 14 : i64} {
  func.func @_s3_body(%arg0: i32, %arg1: memref<1000x1xi32, #tpu.memory_space<vmem>>, %arg2: memref<1000x256xf32, #tpu.memory_space<vmem>>, %arg3: memref<1000x256xf32, #tpu.memory_space<vmem>>, %arg4: memref<1000x256xf32, #tpu.memory_space<vmem>>, %arg5: memref<10112x256xf32, #tpu.memory_space<vmem>>, %arg6: memref<10112x256xf32, #tpu.memory_space<vmem>>, %arg7: memref<10112x256xf32, #tpu.memory_space<vmem>>) attributes {dimension_semantics = [#tpu.dimension_semantics<arbitrary>], iteration_bounds = array<i64: 160>, scalar_prefetch = 0 : i64, scratch_operands = 0 : i64, tpu.core_type = #tpu.core_type<tc>, window_params = [{transform_indices = @transform_0, window_bounds = array<i64: 1000, 1>}, {transform_indices = @transform_1, window_bounds = array<i64: 1000, 256>}, {transform_indices = @transform_2, window_bounds = array<i64: 1000, 256>}, {transform_indices = @transform_3, window_bounds = array<i64: 1000, 256>}, {pipeline_mode = #tpu.pipeline_mode<synchronous>, transform_indices = @transform_4, window_bounds = array<i64: 10112, 256>}, {pipeline_mode = #tpu.pipeline_mode<synchronous>, transform_indices = @transform_5, window_bounds = array<i64: 10112, 256>}, {pipeline_mode = #tpu.pipeline_mode<synchronous>, transform_indices = @transform_6, window_bounds = array<i64: 10112, 256>}]} {
    %eq3A = arith.constant 0 : i32
    %eq3A_0 = arith.cmpi eq, %arg0, %eq3A : i32
    %convert_element_type3A = arith.extui %eq3A_0 : i1 to i32
    %cond3A = arith.constant 0 : i32
    %cond3A_1 = arith.cmpi ne, %convert_element_type3A, %cond3A : i32
    scf.if %cond3A_1 {
      %broadcast_in_dim3A = arith.constant 0.000000e+00 : f32
      %broadcast_in_dim3A_60 = vector.broadcast %broadcast_in_dim3A : f32 to vector<10112x256xf32>
      %swap3A = arith.constant 0 : index
      %swap3A_61 = arith.constant 0 : index
      %swap3A_62 = vector.load %arg5[%swap3A, %swap3A_61] : memref<10112x256xf32, #tpu.memory_space<vmem>>, vector<10112x256xf32>
      tpu.vector_store %arg5[%swap3A, %swap3A_61], %broadcast_in_dim3A_60 {strides = array<i32>} : memref<10112x256xf32, #tpu.memory_space<vmem>>, vector<10112x256xf32>,
      %broadcast_in_dim3A_63 = arith.constant 0.000000e+00 : f32
      %broadcast_in_dim3A_64 = vector.broadcast %broadcast_in_dim3A_63 : f32 to vector<10112x256xf32>
      %swap3A_65 = arith.constant 0 : index
      %swap3A_66 = arith.constant 0 : index
      %swap3A_67 = vector.load %arg6[%swap3A_65, %swap3A_66] : memref<10112x256xf32, #tpu.memory_space<vmem>>, vector<10112x256xf32>
      tpu.vector_store %arg6[%swap3A_65, %swap3A_66], %broadcast_in_dim3A_64 {strides = array<i32>} : memref<10112x256xf32, #tpu.memory_space<vmem>>, vector<10112x256xf32>,
      %broadcast_in_dim3A_68 = arith.constant 0.000000e+00 : f32
      %broadcast_in_dim3A_69 = vector.broadcast %broadcast_in_dim3A_68 : f32 to vector<10112x256xf32>
      %swap3A_70 = arith.constant 0 : index
      %swap3A_71 = arith.constant 0 : index
      %swap3A_72 = vector.load %arg7[%swap3A_70, %swap3A_71] : memref<10112x256xf32, #tpu.memory_space<vmem>>, vector<10112x256xf32>
      tpu.vector_store %arg7[%swap3A_70, %swap3A_71], %broadcast_in_dim3A_69 {strides = array<i32>} : memref<10112x256xf32, #tpu.memory_space<vmem>>, vector<10112x256xf32>,
    } else {
    }
    %get3A = arith.constant 0 : index
    %get3A_2 = arith.constant 0 : index
    %get3A_3 = vector.load %arg1[%get3A, %get3A_2] : memref<1000x1xi32, #tpu.memory_space<vmem>>, vector<1000x1xi32>
    %get3A_4 = arith.constant 0 : index
    %get3A_5 = arith.constant 0 : index
    %get3A_6 = vector.load %arg1[%get3A_4, %get3A_5] : memref<1000x1xi32, #tpu.memory_space<vmem>>, vector<1x1xi32>
    %get3A_7 = vector.extract %get3A_6[0, 0] : i32 from vector<1x1xi32>
    %jit3A = arith.constant 128 : i32
    %div3A = arith.divsi %get3A_7, %jit3A : i32
    %sign3A = arith.constant 0 : i32
    %sign3A_8 = arith.cmpi sgt, %get3A_7, %sign3A : i32
    %sign3A_9 = arith.extui %sign3A_8 : i1 to i32
    %sign3A_10 = arith.constant 0 : i32
    %sign3A_11 = arith.cmpi slt, %get3A_7, %sign3A_10 : i32
    %sign3A_12 = arith.extui %sign3A_11 : i1 to i32
    %sign3A_13 = arith.subi %sign3A_9, %sign3A_12 : i32
    %sign3A_14 = arith.constant 0 : i32
    %sign3A_15 = arith.cmpi sgt, %jit3A, %sign3A_14 : i32
    %sign3A_16 = arith.extui %sign3A_15 : i1 to i32
    %sign3A_17 = arith.constant 0 : i32
    %sign3A_18 = arith.cmpi slt, %jit3A, %sign3A_17 : i32
    %sign3A_19 = arith.extui %sign3A_18 : i1 to i32
    %sign3A_20 = arith.subi %sign3A_16, %sign3A_19 : i32
    %ne3A = arith.cmpi ne, %sign3A_13, %sign3A_20 : i32
    %rem3A = arith.remsi %get3A_7, %jit3A : i32
    %ne3A_21 = arith.constant 0 : i32
    %ne3A_22 = arith.cmpi ne, %rem3A, %ne3A_21 : i32
    %and3A = arith.andi %ne3A, %ne3A_22 : i1
    %sub3A = arith.constant 1 : i32
    %sub3A_23 = arith.subi %div3A, %sub3A : i32
    %select_n3A = arith.select %and3A, %sub3A_23, %div3A : i32
    %get3A_24 = arith.constant 999 : index
    %get3A_25 = arith.constant 0 : index
    %get3A_26 = vector.load %arg1[%get3A_24, %get3A_25] : memref<1000x1xi32, #tpu.memory_space<vmem>>, vector<1x1xi32>
    %get3A_27 = vector.extract %get3A_26[0, 0] : i32 from vector<1x1xi32>
    %jit3A_28 = arith.constant 128 : i32
    %div3A_29 = arith.divsi %get3A_27, %jit3A_28 : i32
    %sign3A_30 = arith.constant 0 : i32
    %sign3A_31 = arith.cmpi sgt, %get3A_27, %sign3A_30 : i32
    %sign3A_32 = arith.extui %sign3A_31 : i1 to i32
    %sign3A_33 = arith.constant 0 : i32
    %sign3A_34 = arith.cmpi slt, %get3A_27, %sign3A_33 : i32
    %sign3A_35 = arith.extui %sign3A_34 : i1 to i32
    %sign3A_36 = arith.subi %sign3A_32, %sign3A_35 : i32
    %sign3A_37 = arith.constant 0 : i32
    %sign3A_38 = arith.cmpi sgt, %jit3A_28, %sign3A_37 : i32
    %sign3A_39 = arith.extui %sign3A_38 : i1 to i32
    %sign3A_40 = arith.constant 0 : i32
    %sign3A_41 = arith.cmpi slt, %jit3A_28, %sign3A_40 : i32
    %sign3A_42 = arith.extui %sign3A_41 : i1 to i32
    %sign3A_43 = arith.subi %sign3A_39, %sign3A_42 : i32
    %ne3A_44 = arith.cmpi ne, %sign3A_36, %sign3A_43 : i32
    %rem3A_45 = arith.remsi %get3A_27, %jit3A_28 : i32
    %ne3A_46 = arith.constant 0 : i32
    %ne3A_47 = arith.cmpi ne, %rem3A_45, %ne3A_46 : i32
    %and3A_48 = arith.andi %ne3A_44, %ne3A_47 : i1
    %sub3A_49 = arith.constant 1 : i32
    %sub3A_50 = arith.subi %div3A_29, %sub3A_49 : i32
    %select_n3A_51 = arith.select %and3A_48, %sub3A_50, %div3A_29 : i32
    %iota3A = tpu.iota {dimensions = array<i32: 1>} : vector<1x128xi32>
    %add3A = arith.constant 1 : i32
    %add3A_52 = arith.addi %select_n3A_51, %add3A : i32
    %while3A = arith.subi %add3A_52, %select_n3A : i32
    %while3A_53 = arith.addi %select_n3A, %while3A : i32
    %while3A_54 = arith.constant 1 : i32
    %while3A_55 = arith.divsi %while3A, %while3A_54 : i32
    %while3A_56 = arith.muli %while3A_55, %while3A_54 : i32
    %while3A_57 = arith.addi %select_n3A, %while3A_56 : i32
    %while3A_58 = arith.constant 1 : i32
    scf.for %while3A_60 = %select_n3A to %while3A_57 step %while3A_58  : i32 {
      %mul3A = arith.constant 128 : i32
      %mul3A_61 = arith.muli %while3A_60, %mul3A : i32
      %add3A_62 = vector.broadcast %mul3A_61 : i32 to vector<1x128xi32>
      %add3A_63 = arith.addi %add3A_62, %iota3A : vector<1x128xi32>
      %eq3A_64 = vector.broadcast %get3A_3 : vector<1000x1xi32> to vector<1000x128xi32>
      %eq3A_65 = vector.broadcast %add3A_63 : vector<1x128xi32> to vector<1000x128xi32>
      %eq3A_66 = arith.cmpi eq, %eq3A_64, %eq3A_65 : vector<1000x128xi32>
      %convert_element_type3A_67 = arith.extui %eq3A_66 : vector<1000x128xi1> to vector<1000x128xi32>
      %convert_element_type3A_68 = arith.sitofp %convert_element_type3A_67 : vector<1000x128xi32> to vector<1000x128xf32>
      %get3A_69 = arith.constant 0 : index
      %get3A_70 = arith.constant 0 : index
      %get3A_71 = vector.load %arg2[%get3A_69, %get3A_70] : memref<1000x256xf32, #tpu.memory_space<vmem>>, vector<1000x256xf32>
      %dot_general3A = arith.constant dense<0.000000e+00> : vector<128x256xf32>
      %dot_general3A_72 = tpu.matmul %convert_element_type3A_68, %get3A_71, %dot_general3A {dimension_numbers = #tpu.dot_dimension_numbers<[0], [0], [1], [1], [0, 1, 1, 1], [], []>, transpose_lhs_hint = false} : vector<1000x128xf32>, vector<1000x256xf32>, vector<128x256xf32> -> vector<128x256xf32>
      %mul3A_73 = arith.constant 128 : i32
      %mul3A_74 = arith.muli %while3A_60, %mul3A_73 : i32
      %get3A_75 = arith.index_cast %mul3A_74 : i32 to index
      %get3A_76 = arith.constant 0 : index
      %get3A_77 = vector.load %arg5[%get3A_75, %get3A_76] : memref<10112x256xf32, #tpu.memory_space<vmem>>, vector<128x256xf32>
      %add3A_78 = arith.addf %get3A_77, %dot_general3A_72 : vector<128x256xf32>
      %swap3A = arith.index_cast %mul3A_74 : i32 to index
      %swap3A_79 = arith.constant 0 : index
      %swap3A_80 = vector.load %arg5[%swap3A, %swap3A_79] : memref<10112x256xf32, #tpu.memory_space<vmem>>, vector<128x256xf32>
      tpu.vector_store %arg5[%swap3A, %swap3A_79], %add3A_78 {strides = array<i32>} : memref<10112x256xf32, #tpu.memory_space<vmem>>, vector<128x256xf32>,
      %get3A_81 = arith.constant 0 : index
      %get3A_82 = arith.constant 0 : index
      %get3A_83 = vector.load %arg3[%get3A_81, %get3A_82] : memref<1000x256xf32, #tpu.memory_space<vmem>>, vector<1000x256xf32>
      %dot_general3A_84 = arith.constant dense<0.000000e+00> : vector<128x256xf32>
      %dot_general3A_85 = tpu.matmul %convert_element_type3A_68, %get3A_83, %dot_general3A_84 {dimension_numbers = #tpu.dot_dimension_numbers<[0], [0], [1], [1], [0, 1, 1, 1], [], []>, transpose_lhs_hint = false} : vector<1000x128xf32>, vector<1000x256xf32>, vector<128x256xf32> -> vector<128x256xf32>
      %mul3A_86 = arith.constant 128 : i32
      %mul3A_87 = arith.muli %while3A_60, %mul3A_86 : i32
      %get3A_88 = arith.index_cast %mul3A_87 : i32 to index
      %get3A_89 = arith.constant 0 : index
      %get3A_90 = vector.load %arg6[%get3A_88, %get3A_89] : memref<10112x256xf32, #tpu.memory_space<vmem>>, vector<128x256xf32>
      %add3A_91 = arith.addf %get3A_90, %dot_general3A_85 : vector<128x256xf32>
      %swap3A_92 = arith.index_cast %mul3A_87 : i32 to index
      %swap3A_93 = arith.constant 0 : index
      %swap3A_94 = vector.load %arg6[%swap3A_92, %swap3A_93] : memref<10112x256xf32, #tpu.memory_space<vmem>>, vector<128x256xf32>
      tpu.vector_store %arg6[%swap3A_92, %swap3A_93], %add3A_91 {strides = array<i32>} : memref<10112x256xf32, #tpu.memory_space<vmem>>, vector<128x256xf32>,
      %get3A_95 = arith.constant 0 : index
      %get3A_96 = arith.constant 0 : index
      %get3A_97 = vector.load %arg4[%get3A_95, %get3A_96] : memref<1000x256xf32, #tpu.memory_space<vmem>>, vector<1000x256xf32>
      %dot_general3A_98 = arith.constant dense<0.000000e+00> : vector<128x256xf32>
      %dot_general3A_99 = tpu.matmul %convert_element_type3A_68, %get3A_97, %dot_general3A_98 {dimension_numbers = #tpu.dot_dimension_numbers<[0], [0], [1], [1], [0, 1, 1, 1], [], []>, transpose_lhs_hint = false} : vector<1000x128xf32>, vector<1000x256xf32>, vector<128x256xf32> -> vector<128x256xf32>
      %mul3A_100 = arith.constant 128 : i32
      %mul3A_101 = arith.muli %while3A_60, %mul3A_100 : i32
      %get3A_102 = arith.index_cast %mul3A_101 : i32 to index
      %get3A_103 = arith.constant 0 : index
      %get3A_104 = vector.load %arg7[%get3A_102, %get3A_103] : memref<10112x256xf32, #tpu.memory_space<vmem>>, vector<128x256xf32>
      %add3A_105 = arith.addf %get3A_104, %dot_general3A_99 : vector<128x256xf32>
      %swap3A_106 = arith.index_cast %mul3A_101 : i32 to index
      %swap3A_107 = arith.constant 0 : index
      %swap3A_108 = vector.load %arg7[%swap3A_106, %swap3A_107] : memref<10112x256xf32, #tpu.memory_space<vmem>>, vector<128x256xf32>
      tpu.vector_store %arg7[%swap3A_106, %swap3A_107], %add3A_105 {strides = array<i32>} : memref<10112x256xf32, #tpu.memory_space<vmem>>, vector<128x256xf32>,
    }
    %while3A_59 = arith.constant 1 : i32
    scf.for %while3A_60 = %while3A_57 to %while3A_53 step %while3A_59  : i32 {
      %mul3A = arith.constant 128 : i32
      %mul3A_61 = arith.muli %while3A_60, %mul3A : i32
      %add3A_62 = vector.broadcast %mul3A_61 : i32 to vector<1x128xi32>
      %add3A_63 = arith.addi %add3A_62, %iota3A : vector<1x128xi32>
      %eq3A_64 = vector.broadcast %get3A_3 : vector<1000x1xi32> to vector<1000x128xi32>
      %eq3A_65 = vector.broadcast %add3A_63 : vector<1x128xi32> to vector<1000x128xi32>
      %eq3A_66 = arith.cmpi eq, %eq3A_64, %eq3A_65 : vector<1000x128xi32>
      %convert_element_type3A_67 = arith.extui %eq3A_66 : vector<1000x128xi1> to vector<1000x128xi32>
      %convert_element_type3A_68 = arith.sitofp %convert_element_type3A_67 : vector<1000x128xi32> to vector<1000x128xf32>
      %get3A_69 = arith.constant 0 : index
      %get3A_70 = arith.constant 0 : index
      %get3A_71 = vector.load %arg2[%get3A_69, %get3A_70] : memref<1000x256xf32, #tpu.memory_space<vmem>>, vector<1000x256xf32>
      %dot_general3A = arith.constant dense<0.000000e+00> : vector<128x256xf32>
      %dot_general3A_72 = tpu.matmul %convert_element_type3A_68, %get3A_71, %dot_general3A {dimension_numbers = #tpu.dot_dimension_numbers<[0], [0], [1], [1], [0, 1, 1, 1], [], []>, transpose_lhs_hint = false} : vector<1000x128xf32>, vector<1000x256xf32>, vector<128x256xf32> -> vector<128x256xf32>
      %mul3A_73 = arith.constant 128 : i32
      %mul3A_74 = arith.muli %while3A_60, %mul3A_73 : i32
      %get3A_75 = arith.index_cast %mul3A_74 : i32 to index
      %get3A_76 = arith.constant 0 : index
      %get3A_77 = vector.load %arg5[%get3A_75, %get3A_76] : memref<10112x256xf32, #tpu.memory_space<vmem>>, vector<128x256xf32>
      %add3A_78 = arith.addf %get3A_77, %dot_general3A_72 : vector<128x256xf32>
      %swap3A = arith.index_cast %mul3A_74 : i32 to index
      %swap3A_79 = arith.constant 0 : index
      %swap3A_80 = vector.load %arg5[%swap3A, %swap3A_79] : memref<10112x256xf32, #tpu.memory_space<vmem>>, vector<128x256xf32>
      tpu.vector_store %arg5[%swap3A, %swap3A_79], %add3A_78 {strides = array<i32>} : memref<10112x256xf32, #tpu.memory_space<vmem>>, vector<128x256xf32>,
      %get3A_81 = arith.constant 0 : index
      %get3A_82 = arith.constant 0 : index
      %get3A_83 = vector.load %arg3[%get3A_81, %get3A_82] : memref<1000x256xf32, #tpu.memory_space<vmem>>, vector<1000x256xf32>
      %dot_general3A_84 = arith.constant dense<0.000000e+00> : vector<128x256xf32>
      %dot_general3A_85 = tpu.matmul %convert_element_type3A_68, %get3A_83, %dot_general3A_84 {dimension_numbers = #tpu.dot_dimension_numbers<[0], [0], [1], [1], [0, 1, 1, 1], [], []>, transpose_lhs_hint = false} : vector<1000x128xf32>, vector<1000x256xf32>, vector<128x256xf32> -> vector<128x256xf32>
      %mul3A_86 = arith.constant 128 : i32
      %mul3A_87 = arith.muli %while3A_60, %mul3A_86 : i32
      %get3A_88 = arith.index_cast %mul3A_87 : i32 to index
      %get3A_89 = arith.constant 0 : index
      %get3A_90 = vector.load %arg6[%get3A_88, %get3A_89] : memref<10112x256xf32, #tpu.memory_space<vmem>>, vector<128x256xf32>
      %add3A_91 = arith.addf %get3A_90, %dot_general3A_85 : vector<128x256xf32>
      %swap3A_92 = arith.index_cast %mul3A_87 : i32 to index
      %swap3A_93 = arith.constant 0 : index
      %swap3A_94 = vector.load %arg6[%swap3A_92, %swap3A_93] : memref<10112x256xf32, #tpu.memory_space<vmem>>, vector<128x256xf32>
      tpu.vector_store %arg6[%swap3A_92, %swap3A_93], %add3A_91 {strides = array<i32>} : memref<10112x256xf32, #tpu.memory_space<vmem>>, vector<128x256xf32>,
      %get3A_95 = arith.constant 0 : index
      %get3A_96 = arith.constant 0 : index
      %get3A_97 = vector.load %arg4[%get3A_95, %get3A_96] : memref<1000x256xf32, #tpu.memory_space<vmem>>, vector<1000x256xf32>
      %dot_general3A_98 = arith.constant dense<0.000000e+00> : vector<128x256xf32>
      %dot_general3A_99 = tpu.matmul %convert_element_type3A_68, %get3A_97, %dot_general3A_98 {dimension_numbers = #tpu.dot_dimension_numbers<[0], [0], [1], [1], [0, 1, 1, 1], [], []>, transpose_lhs_hint = false} : vector<1000x128xf32>, vector<1000x256xf32>, vector<128x256xf32> -> vector<128x256xf32>
      %mul3A_100 = arith.constant 128 : i32
      %mul3A_101 = arith.muli %while3A_60, %mul3A_100 : i32
      %get3A_102 = arith.index_cast %mul3A_101 : i32 to index
      %get3A_103 = arith.constant 0 : index
      %get3A_104 = vector.load %arg7[%get3A_102, %get3A_103] : memref<10112x256xf32, #tpu.memory_space<vmem>>, vector<128x256xf32>
      %add3A_105 = arith.addf %get3A_104, %dot_general3A_99 : vector<128x256xf32>
      %swap3A_106 = arith.index_cast %mul3A_101 : i32 to index
      %swap3A_107 = arith.constant 0 : index
      %swap3A_108 = vector.load %arg7[%swap3A_106, %swap3A_107] : memref<10112x256xf32, #tpu.memory_space<vmem>>, vector<128x256xf32>
      tpu.vector_store %arg7[%swap3A_106, %swap3A_107], %add3A_105 {strides = array<i32>} : memref<10112x256xf32, #tpu.memory_space<vmem>>, vector<128x256xf32>,
    }
    return
  }
  func.func @transform_0(%arg0: i32) -> (i32, i32) {
    %c0_i32 = arith.constant 0 : i32
    %c0_i32_0 = arith.constant 0 : i32
    return %arg0, %c0_i32 : i32, i32
  }
  func.func @transform_1(%arg0: i32) -> (i32, i32) {
    %c0_i32 = arith.constant 0 : i32
    %c0_i32_0 = arith.constant 0 : i32
    return %arg0, %c0_i32 : i32, i32
  }
  func.func @transform_2(%arg0: i32) -> (i32, i32) {
    %c0_i32 = arith.constant 0 : i32
    %c0_i32_0 = arith.constant 0 : i32
    return %arg0, %c0_i32 : i32, i32
  }
  func.func @transform_3(%arg0: i32) -> (i32, i32) {
    %c0_i32 = arith.constant 0 : i32
    %c0_i32_0 = arith.constant 0 : i32
    return %arg0, %c0_i32 : i32, i32
  }
  func.func @transform_4(%arg0: i32) -> (i32, i32) {
    %c0_i32 = arith.constant 0 : i32
    %c0_i32_0 = arith.constant 0 : i32
    %c0_i32_1 = arith.constant 0 : i32
    return %c0_i32, %c0_i32_0 : i32, i32
  }
  func.func @transform_5(%arg0: i32) -> (i32, i32) {
    %c0_i32 = arith.constant 0 : i32
    %c0_i32_0 = arith.constant 0 : i32
    %c0_i32_1 = arith.constant 0 : i32
    return %c0_i32, %c0_i32_0 : i32, i32
  }
  func.func @transform_6(%arg0: i32) -> (i32, i32) {
    %c0_i32 = arith.constant 0 : i32
    %c0_i32_0 = arith.constant 0 : i32
    %c0_i32_1 = arith.constant 0 : i32
    return %c0_i32, %c0_i32_0 : i32, i32
  }
}

module attributes {stable_mosaic.version = 14 : i64} {
  func.func @_k4_body(%arg0: i32, %arg1: memref<1000x256xf32, #tpu.memory_space<vmem>>, %arg2: memref<1000x1xf32, #tpu.memory_space<vmem>>, %arg3: memref<256x256xf32, #tpu.memory_space<vmem>>, %arg4: memref<1x256xf32, #tpu.memory_space<vmem>>, %arg5: memref<1000x256xf32, #tpu.memory_space<vmem>>, %arg6: memref<1000x256xf32, #tpu.memory_space<vmem>>, %arg7: memref<8x256xf32, #tpu.memory_space<vmem>>) attributes {dimension_semantics = [#tpu.dimension_semantics<arbitrary>], iteration_bounds = array<i64: 10>, scalar_prefetch = 0 : i64, scratch_operands = 0 : i64, tpu.core_type = #tpu.core_type<tc>, window_params = [{transform_indices = @transform_0, window_bounds = array<i64: 1000, 256>}, {transform_indices = @transform_1, window_bounds = array<i64: 1000, 1>}, {pipeline_mode = #tpu.pipeline_mode<synchronous>, transform_indices = @transform_2, window_bounds = array<i64: 256, 256>}, {pipeline_mode = #tpu.pipeline_mode<synchronous>, transform_indices = @transform_3, window_bounds = array<i64: 1, 256>}, {transform_indices = @transform_4, window_bounds = array<i64: 1000, 256>}, {transform_indices = @transform_5, window_bounds = array<i64: 1000, 256>}, {pipeline_mode = #tpu.pipeline_mode<synchronous>, transform_indices = @transform_6, window_bounds = array<i64: 8, 256>}]} {
    %get3A = arith.constant 0 : index
    %get3A_0 = arith.constant 0 : index
    %get3A_1 = vector.load %arg1[%get3A, %get3A_0] : memref<1000x256xf32, #tpu.memory_space<vmem>>, vector<1000x256xf32>
    %get3A_2 = arith.constant 0 : index
    %get3A_3 = arith.constant 0 : index
    %get3A_4 = vector.load %arg2[%get3A_2, %get3A_3] : memref<1000x1xf32, #tpu.memory_space<vmem>>, vector<1000x1xf32>
    %mul3A = vector.broadcast %get3A_4 : vector<1000x1xf32> to vector<1000x256xf32>
    %mul3A_5 = arith.mulf %get3A_1, %mul3A : vector<1000x256xf32>
    %swap3A = arith.constant 0 : index
    %swap3A_6 = arith.constant 0 : index
    %swap3A_7 = vector.load %arg5[%swap3A, %swap3A_6] : memref<1000x256xf32, #tpu.memory_space<vmem>>, vector<1000x256xf32>
    tpu.vector_store %arg5[%swap3A, %swap3A_6], %mul3A_5 {strides = array<i32>} : memref<1000x256xf32, #tpu.memory_space<vmem>>, vector<1000x256xf32>,
    %get3A_8 = arith.constant 0 : index
    %get3A_9 = arith.constant 0 : index
    %get3A_10 = vector.load %arg3[%get3A_8, %get3A_9] : memref<256x256xf32, #tpu.memory_space<vmem>>, vector<256x256xf32>
    %dot_general3A = arith.constant dense<0.000000e+00> : vector<1000x256xf32>
    %dot_general3A_11 = tpu.matmul %mul3A_5, %get3A_10, %dot_general3A {dimension_numbers = #tpu.dot_dimension_numbers<[1], [0], [0], [1], [0, 0, 1, 1], [], []>, transpose_lhs_hint = false} : vector<1000x256xf32>, vector<256x256xf32>, vector<1000x256xf32> -> vector<1000x256xf32>
    %get3A_12 = arith.constant 0 : index
    %get3A_13 = arith.constant 0 : index
    %get3A_14 = vector.load %arg4[%get3A_12, %get3A_13] : memref<1x256xf32, #tpu.memory_space<vmem>>, vector<1x256xf32>
    %add3A = vector.broadcast %get3A_14 : vector<1x256xf32> to vector<1000x256xf32>
    %add3A_15 = arith.addf %dot_general3A_11, %add3A : vector<1000x256xf32>
    %swap3A_16 = arith.constant 0 : index
    %swap3A_17 = arith.constant 0 : index
    %swap3A_18 = vector.load %arg6[%swap3A_16, %swap3A_17] : memref<1000x256xf32, #tpu.memory_space<vmem>>, vector<1000x256xf32>
    tpu.vector_store %arg6[%swap3A_16, %swap3A_17], %add3A_15 {strides = array<i32>} : memref<1000x256xf32, #tpu.memory_space<vmem>>, vector<1000x256xf32>,
    %eq3A = arith.constant 0 : i32
    %eq3A_19 = arith.cmpi eq, %arg0, %eq3A : i32
    %convert_element_type3A = arith.extui %eq3A_19 : i1 to i32
    %cond3A = arith.constant 0 : i32
    %cond3A_20 = arith.cmpi ne, %convert_element_type3A, %cond3A : i32
    scf.if %cond3A_20 {
      %broadcast_in_dim3A_33 = arith.constant 0.000000e+00 : f32
      %broadcast_in_dim3A_34 = vector.broadcast %broadcast_in_dim3A_33 : f32 to vector<8x256xf32>
      %swap3A_35 = arith.constant 0 : index
      %swap3A_36 = arith.constant 0 : index
      %swap3A_37 = vector.load %arg7[%swap3A_35, %swap3A_36] : memref<8x256xf32, #tpu.memory_space<vmem>>, vector<8x256xf32>
      tpu.vector_store %arg7[%swap3A_35, %swap3A_36], %broadcast_in_dim3A_34 {strides = array<i32>} : memref<8x256xf32, #tpu.memory_space<vmem>>, vector<8x256xf32>,
    } else {
    }
    %reduce_sum3A = arith.constant dense<0.000000e+00> : vector<256xf32>
    %reduce_sum3A_21 = vector.multi_reduction <add>, %add3A_15, %reduce_sum3A [0] : vector<1000x256xf32> to vector<256xf32>
    %broadcast_in_dim3A = vector.shape_cast %reduce_sum3A_21 : vector<256xf32> to vector<1x256xf32>
    %mul3A_22 = arith.mulf %add3A_15, %add3A_15 : vector<1000x256xf32>
    %reduce_sum3A_23 = arith.constant dense<0.000000e+00> : vector<256xf32>
    %reduce_sum3A_24 = vector.multi_reduction <add>, %mul3A_22, %reduce_sum3A_23 [0] : vector<1000x256xf32> to vector<256xf32>
    %broadcast_in_dim3A_25 = vector.shape_cast %reduce_sum3A_24 : vector<256xf32> to vector<1x256xf32>
    %get3A_26 = arith.constant 0 : index
    %get3A_27 = arith.constant 0 : index
    %get3A_28 = vector.load %arg7[%get3A_26, %get3A_27] : memref<8x256xf32, #tpu.memory_space<vmem>>, vector<2x256xf32>
    %concatenate3A = tpu.concatenate %broadcast_in_dim3A, %broadcast_in_dim3A_25 in 0 : vector<1x256xf32>, vector<1x256xf32> -> vector<2x256xf32>
    %add3A_29 = arith.addf %get3A_28, %concatenate3A : vector<2x256xf32>
    %swap3A_30 = arith.constant 0 : index
    %swap3A_31 = arith.constant 0 : index
    %swap3A_32 = vector.load %arg7[%swap3A_30, %swap3A_31] : memref<8x256xf32, #tpu.memory_space<vmem>>, vector<2x256xf32>
    tpu.vector_store %arg7[%swap3A_30, %swap3A_31], %add3A_29 {strides = array<i32>} : memref<8x256xf32, #tpu.memory_space<vmem>>, vector<2x256xf32>,
    return
  }
  func.func @transform_0(%arg0: i32) -> (i32, i32) {
    %c0_i32 = arith.constant 0 : i32
    %c0_i32_0 = arith.constant 0 : i32
    return %arg0, %c0_i32 : i32, i32
  }
  func.func @transform_1(%arg0: i32) -> (i32, i32) {
    %c0_i32 = arith.constant 0 : i32
    %c0_i32_0 = arith.constant 0 : i32
    return %arg0, %c0_i32 : i32, i32
  }
  func.func @transform_2(%arg0: i32) -> (i32, i32) {
    %c0_i32 = arith.constant 0 : i32
    %c0_i32_0 = arith.constant 0 : i32
    %c0_i32_1 = arith.constant 0 : i32
    return %c0_i32, %c0_i32_0 : i32, i32
  }
  func.func @transform_3(%arg0: i32) -> (i32, i32) {
    %c0_i32 = arith.constant 0 : i32
    %c0_i32_0 = arith.constant 0 : i32
    %c0_i32_1 = arith.constant 0 : i32
    return %c0_i32, %c0_i32_0 : i32, i32
  }
  func.func @transform_4(%arg0: i32) -> (i32, i32) {
    %c0_i32 = arith.constant 0 : i32
    %c0_i32_0 = arith.constant 0 : i32
    return %arg0, %c0_i32 : i32, i32
  }
  func.func @transform_5(%arg0: i32) -> (i32, i32) {
    %c0_i32 = arith.constant 0 : i32
    %c0_i32_0 = arith.constant 0 : i32
    return %arg0, %c0_i32 : i32, i32
  }
  func.func @transform_6(%arg0: i32) -> (i32, i32) {
    %c0_i32 = arith.constant 0 : i32
    %c0_i32_0 = arith.constant 0 : i32
    %c0_i32_1 = arith.constant 0 : i32
    return %c0_i32, %c0_i32_0 : i32, i32
  }
}

module attributes {stable_mosaic.version = 14 : i64} {
  func.func @_k5_body(%arg0: i32, %arg1: memref<1000x256xf32, #tpu.memory_space<vmem>>, %arg2: memref<8x256xf32, #tpu.memory_space<vmem>>, %arg3: memref<1x256xf32, #tpu.memory_space<vmem>>, %arg4: memref<1x256xf32, #tpu.memory_space<vmem>>, %arg5: memref<256x256xf32, #tpu.memory_space<vmem>>, %arg6: memref<1x256xf32, #tpu.memory_space<vmem>>, %arg7: memref<1000x256xf32, #tpu.memory_space<vmem>>, %arg8: memref<1000x256xf32, #tpu.memory_space<vmem>>, %arg9: memref<1000x256xf32, #tpu.memory_space<vmem>>, %arg10: memref<8x256xf32, #tpu.memory_space<vmem>>) attributes {dimension_semantics = [#tpu.dimension_semantics<arbitrary>], iteration_bounds = array<i64: 10>, scalar_prefetch = 0 : i64, scratch_operands = 0 : i64, tpu.core_type = #tpu.core_type<tc>, window_params = [{transform_indices = @transform_0, window_bounds = array<i64: 1000, 256>}, {pipeline_mode = #tpu.pipeline_mode<synchronous>, transform_indices = @transform_1, window_bounds = array<i64: 8, 256>}, {pipeline_mode = #tpu.pipeline_mode<synchronous>, transform_indices = @transform_2, window_bounds = array<i64: 1, 256>}, {pipeline_mode = #tpu.pipeline_mode<synchronous>, transform_indices = @transform_3, window_bounds = array<i64: 1, 256>}, {pipeline_mode = #tpu.pipeline_mode<synchronous>, transform_indices = @transform_4, window_bounds = array<i64: 256, 256>}, {pipeline_mode = #tpu.pipeline_mode<synchronous>, transform_indices = @transform_5, window_bounds = array<i64: 1, 256>}, {transform_indices = @transform_6, window_bounds = array<i64: 1000, 256>}, {transform_indices = @transform_7, window_bounds = array<i64: 1000, 256>}, {transform_indices = @transform_8, window_bounds = array<i64: 1000, 256>}, {pipeline_mode = #tpu.pipeline_mode<synchronous>, transform_indices = @transform_9, window_bounds = array<i64: 8, 256>}]} {
    %get3A = arith.constant 0 : index
    %get3A_0 = arith.constant 0 : index
    %get3A_1 = vector.load %arg3[%get3A, %get3A_0] : memref<1x256xf32, #tpu.memory_space<vmem>>, vector<1x256xf32>
    %get3A_2 = arith.constant 0 : index
    %get3A_3 = arith.constant 0 : index
    %get3A_4 = vector.load %arg4[%get3A_2, %get3A_3] : memref<1x256xf32, #tpu.memory_space<vmem>>, vector<1x256xf32>
    %get3A_5 = arith.constant 0 : index
    %get3A_6 = arith.constant 0 : index
    %get3A_7 = vector.load %arg2[%get3A_5, %get3A_6] : memref<8x256xf32, #tpu.memory_space<vmem>>, vector<1x256xf32>
    %div3A = arith.constant 1.000000e+04 : f32
    %div3A_8 = vector.broadcast %div3A : f32 to vector<1x256xf32>
    %div3A_9 = arith.divf %get3A_7, %div3A_8 : vector<1x256xf32>
    %get3A_10 = arith.constant 1 : index
    %get3A_11 = arith.constant 0 : index
    %get3A_12 = vector.load %arg2[%get3A_10, %get3A_11] : memref<8x256xf32, #tpu.memory_space<vmem>>, vector<1x256xf32>
    %div3A_13 = arith.constant 1.000000e+04 : f32
    %div3A_14 = vector.broadcast %div3A_13 : f32 to vector<1x256xf32>
    %div3A_15 = arith.divf %get3A_12, %div3A_14 : vector<1x256xf32>
    %mul3A = arith.mulf %div3A_9, %div3A_9 : vector<1x256xf32>
    %sub3A = arith.subf %div3A_15, %mul3A : vector<1x256xf32>
    %add3A = arith.constant 1.000000e-03 : f32
    %add3A_16 = vector.broadcast %add3A : f32 to vector<1x256xf32>
    %add3A_17 = arith.addf %sub3A, %add3A_16 : vector<1x256xf32>
    %rsqrt3A = math.rsqrt %add3A_17 : vector<1x256xf32>
    %mul3A_18 = arith.mulf %get3A_1, %rsqrt3A : vector<1x256xf32>
    %mul3A_19 = arith.mulf %div3A_9, %mul3A_18 : vector<1x256xf32>
    %sub3A_20 = arith.subf %get3A_4, %mul3A_19 : vector<1x256xf32>
    %get3A_21 = arith.constant 0 : index
    %get3A_22 = arith.constant 0 : index
    %get3A_23 = vector.load %arg1[%get3A_21, %get3A_22] : memref<1000x256xf32, #tpu.memory_space<vmem>>, vector<1000x256xf32>
    %mul3A_24 = vector.broadcast %mul3A_18 : vector<1x256xf32> to vector<1000x256xf32>
    %mul3A_25 = arith.mulf %get3A_23, %mul3A_24 : vector<1000x256xf32>
    %add3A_26 = vector.broadcast %sub3A_20 : vector<1x256xf32> to vector<1000x256xf32>
    %add3A_27 = arith.addf %mul3A_25, %add3A_26 : vector<1000x256xf32>
    %get3A_28 = arith.constant 0 : index
    %get3A_29 = arith.constant 0 : index
    %get3A_30 = vector.load %arg5[%get3A_28, %get3A_29] : memref<256x256xf32, #tpu.memory_space<vmem>>, vector<256x256xf32>
    %dot_general3A = arith.constant dense<0.000000e+00> : vector<1000x256xf32>
    %dot_general3A_31 = tpu.matmul %add3A_27, %get3A_30, %dot_general3A {dimension_numbers = #tpu.dot_dimension_numbers<[1], [0], [0], [1], [0, 0, 1, 1], [], []>, transpose_lhs_hint = false} : vector<1000x256xf32>, vector<256x256xf32>, vector<1000x256xf32> -> vector<1000x256xf32>
    %get3A_32 = arith.constant 0 : index
    %get3A_33 = arith.constant 0 : index
    %get3A_34 = vector.load %arg6[%get3A_32, %get3A_33] : memref<1x256xf32, #tpu.memory_space<vmem>>, vector<1x256xf32>
    %add3A_35 = vector.broadcast %get3A_34 : vector<1x256xf32> to vector<1000x256xf32>
    %add3A_36 = arith.addf %dot_general3A_31, %add3A_35 : vector<1000x256xf32>
    %sin3A = math.sin %add3A_36 : vector<1000x256xf32>
    %mul3A_37 = arith.mulf %add3A_27, %sin3A : vector<1000x256xf32>
    %cos3A = math.cos %add3A_36 : vector<1000x256xf32>
    %mul3A_38 = arith.mulf %add3A_27, %cos3A : vector<1000x256xf32>
    %get3A_39 = arith.constant 0 : index
    %get3A_40 = arith.constant 0 : index
    %get3A_41 = vector.load %arg7[%get3A_39, %get3A_40] : memref<1000x256xf32, #tpu.memory_space<vmem>>, vector<1000x256xf32>
    %add3A_42 = arith.addf %get3A_41, %mul3A_37 : vector<1000x256xf32>
    %mul3A_43 = arith.mulf %add3A_42, %mul3A_37 : vector<1000x256xf32>
    %get3A_44 = arith.constant 0 : index
    %get3A_45 = arith.constant 0 : index
    %get3A_46 = vector.load %arg8[%get3A_44, %get3A_45] : memref<1000x256xf32, #tpu.memory_space<vmem>>, vector<1000x256xf32>
    %add3A_47 = arith.addf %get3A_46, %mul3A_38 : vector<1000x256xf32>
    %mul3A_48 = arith.mulf %add3A_47, %mul3A_38 : vector<1000x256xf32>
    %add3A_49 = arith.addf %mul3A_43, %mul3A_48 : vector<1000x256xf32>
    %swap3A = arith.constant 0 : index
    %swap3A_50 = arith.constant 0 : index
    %swap3A_51 = vector.load %arg9[%swap3A, %swap3A_50] : memref<1000x256xf32, #tpu.memory_space<vmem>>, vector<1000x256xf32>
    tpu.vector_store %arg9[%swap3A, %swap3A_50], %add3A_49 {strides = array<i32>} : memref<1000x256xf32, #tpu.memory_space<vmem>>, vector<1000x256xf32>,
    %eq3A = arith.constant 0 : i32
    %eq3A_52 = arith.cmpi eq, %arg0, %eq3A : i32
    %convert_element_type3A = arith.extui %eq3A_52 : i1 to i32
    %cond3A = arith.constant 0 : i32
    %cond3A_53 = arith.cmpi ne, %convert_element_type3A, %cond3A : i32
    scf.if %cond3A_53 {
      %broadcast_in_dim3A_66 = arith.constant 0.000000e+00 : f32
      %broadcast_in_dim3A_67 = vector.broadcast %broadcast_in_dim3A_66 : f32 to vector<8x256xf32>
      %swap3A_68 = arith.constant 0 : index
      %swap3A_69 = arith.constant 0 : index
      %swap3A_70 = vector.load %arg10[%swap3A_68, %swap3A_69] : memref<8x256xf32, #tpu.memory_space<vmem>>, vector<8x256xf32>
      tpu.vector_store %arg10[%swap3A_68, %swap3A_69], %broadcast_in_dim3A_67 {strides = array<i32>} : memref<8x256xf32, #tpu.memory_space<vmem>>, vector<8x256xf32>,
    } else {
    }
    %reduce_sum3A = arith.constant dense<0.000000e+00> : vector<256xf32>
    %reduce_sum3A_54 = vector.multi_reduction <add>, %add3A_49, %reduce_sum3A [0] : vector<1000x256xf32> to vector<256xf32>
    %broadcast_in_dim3A = vector.shape_cast %reduce_sum3A_54 : vector<256xf32> to vector<1x256xf32>
    %mul3A_55 = arith.mulf %add3A_49, %add3A_49 : vector<1000x256xf32>
    %reduce_sum3A_56 = arith.constant dense<0.000000e+00> : vector<256xf32>
    %reduce_sum3A_57 = vector.multi_reduction <add>, %mul3A_55, %reduce_sum3A_56 [0] : vector<1000x256xf32> to vector<256xf32>
    %broadcast_in_dim3A_58 = vector.shape_cast %reduce_sum3A_57 : vector<256xf32> to vector<1x256xf32>
    %get3A_59 = arith.constant 0 : index
    %get3A_60 = arith.constant 0 : index
    %get3A_61 = vector.load %arg10[%get3A_59, %get3A_60] : memref<8x256xf32, #tpu.memory_space<vmem>>, vector<2x256xf32>
    %concatenate3A = tpu.concatenate %broadcast_in_dim3A, %broadcast_in_dim3A_58 in 0 : vector<1x256xf32>, vector<1x256xf32> -> vector<2x256xf32>
    %add3A_62 = arith.addf %get3A_61, %concatenate3A : vector<2x256xf32>
    %swap3A_63 = arith.constant 0 : index
    %swap3A_64 = arith.constant 0 : index
    %swap3A_65 = vector.load %arg10[%swap3A_63, %swap3A_64] : memref<8x256xf32, #tpu.memory_space<vmem>>, vector<2x256xf32>
    tpu.vector_store %arg10[%swap3A_63, %swap3A_64], %add3A_62 {strides = array<i32>} : memref<8x256xf32, #tpu.memory_space<vmem>>, vector<2x256xf32>,
    return
  }
  func.func @transform_0(%arg0: i32) -> (i32, i32) {
    %c0_i32 = arith.constant 0 : i32
    %c0_i32_0 = arith.constant 0 : i32
    return %arg0, %c0_i32 : i32, i32
  }
  func.func @transform_1(%arg0: i32) -> (i32, i32) {
    %c0_i32 = arith.constant 0 : i32
    %c0_i32_0 = arith.constant 0 : i32
    %c0_i32_1 = arith.constant 0 : i32
    return %c0_i32, %c0_i32_0 : i32, i32
  }
  func.func @transform_2(%arg0: i32) -> (i32, i32) {
    %c0_i32 = arith.constant 0 : i32
    %c0_i32_0 = arith.constant 0 : i32
    %c0_i32_1 = arith.constant 0 : i32
    return %c0_i32, %c0_i32_0 : i32, i32
  }
  func.func @transform_3(%arg0: i32) -> (i32, i32) {
    %c0_i32 = arith.constant 0 : i32
    %c0_i32_0 = arith.constant 0 : i32
    %c0_i32_1 = arith.constant 0 : i32
    return %c0_i32, %c0_i32_0 : i32, i32
  }
  func.func @transform_4(%arg0: i32) -> (i32, i32) {
    %c0_i32 = arith.constant 0 : i32
    %c0_i32_0 = arith.constant 0 : i32
    %c0_i32_1 = arith.constant 0 : i32
    return %c0_i32, %c0_i32_0 : i32, i32
  }
  func.func @transform_5(%arg0: i32) -> (i32, i32) {
    %c0_i32 = arith.constant 0 : i32
    %c0_i32_0 = arith.constant 0 : i32
    %c0_i32_1 = arith.constant 0 : i32
    return %c0_i32, %c0_i32_0 : i32, i32
  }
  func.func @transform_6(%arg0: i32) -> (i32, i32) {
    %c0_i32 = arith.constant 0 : i32
    %c0_i32_0 = arith.constant 0 : i32
    return %arg0, %c0_i32 : i32, i32
  }
  func.func @transform_7(%arg0: i32) -> (i32, i32) {
    %c0_i32 = arith.constant 0 : i32
    %c0_i32_0 = arith.constant 0 : i32
    return %arg0, %c0_i32 : i32, i32
  }
  func.func @transform_8(%arg0: i32) -> (i32, i32) {
    %c0_i32 = arith.constant 0 : i32
    %c0_i32_0 = arith.constant 0 : i32
    return %arg0, %c0_i32 : i32, i32
  }
  func.func @transform_9(%arg0: i32) -> (i32, i32) {
    %c0_i32 = arith.constant 0 : i32
    %c0_i32_0 = arith.constant 0 : i32
    %c0_i32_1 = arith.constant 0 : i32
    return %c0_i32, %c0_i32_0 : i32, i32
  }
}

module attributes {stable_mosaic.version = 14 : i64} {
  func.func @_k6_body(%arg0: i32, %arg1: memref<1000x256xf32, #tpu.memory_space<vmem>>, %arg2: memref<8x256xf32, #tpu.memory_space<vmem>>, %arg3: memref<1x256xf32, #tpu.memory_space<vmem>>, %arg4: memref<1x256xf32, #tpu.memory_space<vmem>>, %arg5: memref<1000x256xf32, #tpu.memory_space<vmem>>, %arg6: memref<1000x256xf32, #tpu.memory_space<vmem>>, %arg7: memref<1000x1xf32, #tpu.memory_space<vmem>>, %arg8: memref<1000x256xf32, #tpu.memory_space<vmem>>) attributes {dimension_semantics = [#tpu.dimension_semantics<arbitrary>], iteration_bounds = array<i64: 10>, scalar_prefetch = 0 : i64, scratch_operands = 0 : i64, tpu.core_type = #tpu.core_type<tc>, window_params = [{transform_indices = @transform_0, window_bounds = array<i64: 1000, 256>}, {pipeline_mode = #tpu.pipeline_mode<synchronous>, transform_indices = @transform_1, window_bounds = array<i64: 8, 256>}, {pipeline_mode = #tpu.pipeline_mode<synchronous>, transform_indices = @transform_2, window_bounds = array<i64: 1, 256>}, {pipeline_mode = #tpu.pipeline_mode<synchronous>, transform_indices = @transform_3, window_bounds = array<i64: 1, 256>}, {transform_indices = @transform_4, window_bounds = array<i64: 1000, 256>}, {transform_indices = @transform_5, window_bounds = array<i64: 1000, 256>}, {transform_indices = @transform_6, window_bounds = array<i64: 1000, 1>}, {transform_indices = @transform_7, window_bounds = array<i64: 1000, 256>}]} {
    %get3A = arith.constant 0 : index
    %get3A_0 = arith.constant 0 : index
    %get3A_1 = vector.load %arg3[%get3A, %get3A_0] : memref<1x256xf32, #tpu.memory_space<vmem>>, vector<1x256xf32>
    %get3A_2 = arith.constant 0 : index
    %get3A_3 = arith.constant 0 : index
    %get3A_4 = vector.load %arg4[%get3A_2, %get3A_3] : memref<1x256xf32, #tpu.memory_space<vmem>>, vector<1x256xf32>
    %get3A_5 = arith.constant 0 : index
    %get3A_6 = arith.constant 0 : index
    %get3A_7 = vector.load %arg2[%get3A_5, %get3A_6] : memref<8x256xf32, #tpu.memory_space<vmem>>, vector<1x256xf32>
    %div3A = arith.constant 1.000000e+04 : f32
    %div3A_8 = vector.broadcast %div3A : f32 to vector<1x256xf32>
    %div3A_9 = arith.divf %get3A_7, %div3A_8 : vector<1x256xf32>
    %get3A_10 = arith.constant 1 : index
    %get3A_11 = arith.constant 0 : index
    %get3A_12 = vector.load %arg2[%get3A_10, %get3A_11] : memref<8x256xf32, #tpu.memory_space<vmem>>, vector<1x256xf32>
    %div3A_13 = arith.constant 1.000000e+04 : f32
    %div3A_14 = vector.broadcast %div3A_13 : f32 to vector<1x256xf32>
    %div3A_15 = arith.divf %get3A_12, %div3A_14 : vector<1x256xf32>
    %mul3A = arith.mulf %div3A_9, %div3A_9 : vector<1x256xf32>
    %sub3A = arith.subf %div3A_15, %mul3A : vector<1x256xf32>
    %add3A = arith.constant 1.000000e-03 : f32
    %add3A_16 = vector.broadcast %add3A : f32 to vector<1x256xf32>
    %add3A_17 = arith.addf %sub3A, %add3A_16 : vector<1x256xf32>
    %rsqrt3A = math.rsqrt %add3A_17 : vector<1x256xf32>
    %mul3A_18 = arith.mulf %get3A_1, %rsqrt3A : vector<1x256xf32>
    %mul3A_19 = arith.mulf %div3A_9, %mul3A_18 : vector<1x256xf32>
    %sub3A_20 = arith.subf %get3A_4, %mul3A_19 : vector<1x256xf32>
    %get3A_21 = arith.constant 0 : index
    %get3A_22 = arith.constant 0 : index
    %get3A_23 = vector.load %arg1[%get3A_21, %get3A_22] : memref<1000x256xf32, #tpu.memory_space<vmem>>, vector<1000x256xf32>
    %mul3A_24 = vector.broadcast %mul3A_18 : vector<1x256xf32> to vector<1000x256xf32>
    %mul3A_25 = arith.mulf %get3A_23, %mul3A_24 : vector<1000x256xf32>
    %add3A_26 = vector.broadcast %sub3A_20 : vector<1x256xf32> to vector<1000x256xf32>
    %add3A_27 = arith.addf %mul3A_25, %add3A_26 : vector<1000x256xf32>
    %max3A = arith.constant 0.000000e+00 : f32
    %max3A_28 = vector.broadcast %max3A : f32 to vector<1000x256xf32>
    %max3A_29 = arith.maximumf %add3A_27, %max3A_28 : vector<1000x256xf32>
    %get3A_30 = arith.constant 0 : index
    %get3A_31 = arith.constant 0 : index
    %get3A_32 = vector.load %arg7[%get3A_30, %get3A_31] : memref<1000x1xf32, #tpu.memory_space<vmem>>, vector<1000x1xf32>
    %gt3A = arith.constant 0.000000e+00 : f32
    %gt3A_33 = vector.broadcast %gt3A : f32 to vector<1000x1xf32>
    %gt3A_34 = arith.cmpf ogt, %get3A_32, %gt3A_33 : vector<1000x1xf32>
    %get3A_35 = arith.constant 0 : index
    %get3A_36 = arith.constant 0 : index
    %get3A_37 = vector.load %arg6[%get3A_35, %get3A_36] : memref<1000x256xf32, #tpu.memory_space<vmem>>, vector<1000x256xf32>
    %jit3A = arith.constant 0.000000e+00 : f32
    %broadcast_in_dim3A = vector.shape_cast %gt3A_34 : vector<1000x1xi1> to vector<1000x1xi1>
    %broadcast_in_dim3A_38 = vector.broadcast %broadcast_in_dim3A : vector<1000x1xi1> to vector<1000x256xi1>
    %broadcast_in_dim3A_39 = vector.broadcast %jit3A : f32 to vector<1000x256xf32>
    %select_n3A = arith.select %broadcast_in_dim3A_38, %get3A_37, %broadcast_in_dim3A_39 : vector<1000x256xi1>, vector<1000x256xf32>
    %get3A_40 = arith.constant 0 : index
    %get3A_41 = arith.constant 0 : index
    %get3A_42 = vector.load %arg5[%get3A_40, %get3A_41] : memref<1000x256xf32, #tpu.memory_space<vmem>>, vector<1000x256xf32>
    %add3A_43 = arith.addf %get3A_42, %max3A_29 : vector<1000x256xf32>
    %mul3A_44 = arith.constant 5.000000e-01 : f32
    %mul3A_45 = vector.broadcast %mul3A_44 : f32 to vector<1000x256xf32>
    %mul3A_46 = arith.mulf %add3A_43, %mul3A_45 : vector<1000x256xf32>
    %add3A_47 = arith.addf %mul3A_46, %select_n3A : vector<1000x256xf32>
    %mul3A_48 = arith.constant 5.000000e-01 : f32
    %mul3A_49 = vector.broadcast %mul3A_48 : f32 to vector<1000x256xf32>
    %mul3A_50 = arith.mulf %add3A_47, %mul3A_49 : vector<1000x256xf32>
    %swap3A = arith.constant 0 : index
    %swap3A_51 = arith.constant 0 : index
    %swap3A_52 = vector.load %arg8[%swap3A, %swap3A_51] : memref<1000x256xf32, #tpu.memory_space<vmem>>, vector<1000x256xf32>
    tpu.vector_store %arg8[%swap3A, %swap3A_51], %mul3A_50 {strides = array<i32>} : memref<1000x256xf32, #tpu.memory_space<vmem>>, vector<1000x256xf32>,
    return
  }
  func.func @transform_0(%arg0: i32) -> (i32, i32) {
    %c0_i32 = arith.constant 0 : i32
    %c0_i32_0 = arith.constant 0 : i32
    return %arg0, %c0_i32 : i32, i32
  }
  func.func @transform_1(%arg0: i32) -> (i32, i32) {
    %c0_i32 = arith.constant 0 : i32
    %c0_i32_0 = arith.constant 0 : i32
    %c0_i32_1 = arith.constant 0 : i32
    return %c0_i32, %c0_i32_0 : i32, i32
  }
  func.func @transform_2(%arg0: i32) -> (i32, i32) {
    %c0_i32 = arith.constant 0 : i32
    %c0_i32_0 = arith.constant 0 : i32
    %c0_i32_1 = arith.constant 0 : i32
    return %c0_i32, %c0_i32_0 : i32, i32
  }
  func.func @transform_3(%arg0: i32) -> (i32, i32) {
    %c0_i32 = arith.constant 0 : i32
    %c0_i32_0 = arith.constant 0 : i32
    %c0_i32_1 = arith.constant 0 : i32
    return %c0_i32, %c0_i32_0 : i32, i32
  }
  func.func @transform_4(%arg0: i32) -> (i32, i32) {
    %c0_i32 = arith.constant 0 : i32
    %c0_i32_0 = arith.constant 0 : i32
    return %arg0, %c0_i32 : i32, i32
  }
  func.func @transform_5(%arg0: i32) -> (i32, i32) {
    %c0_i32 = arith.constant 0 : i32
    %c0_i32_0 = arith.constant 0 : i32
    return %arg0, %c0_i32 : i32, i32
  }
  func.func @transform_6(%arg0: i32) -> (i32, i32) {
    %c0_i32 = arith.constant 0 : i32
    %c0_i32_0 = arith.constant 0 : i32
    return %arg0, %c0_i32 : i32, i32
  }
  func.func @transform_7(%arg0: i32) -> (i32, i32) {
    %c0_i32 = arith.constant 0 : i32
    %c0_i32_0 = arith.constant 0 : i32
    return %arg0, %c0_i32 : i32, i32
  }
}

</mosaic_0001>

<sc_bundles>
// kernel: scatter_offload_async_start
scs
__scs_entry_jumppad:
0x0: {  	(pc) =	sbr.rel $0x88, $3  }
0x1: {  	(tag) =	ssettag $0x0;
	lr =	simm.s32 $0x1  }
0x2: {  	[smem:$0x3F8D] =	sst lr;
	_ =	strace $0xD0000000  }
0x3: {  	_ = 	snop  }
0x4: {  	_ = 	snop  }
0x5: {  	_ = 	snop  }
0x6: {  	_ = 	snop  }
0x7: {  	_ = 	snop  }
__scs_overlays_trampoline_lowered:
0x8: {  	[smem:$0x3F9C] =	sst s0  }
0x9: {  	[smem:$0x3F9D] =	sst s1  }
0xa: {  	[smem:$0x3F9E] =	sst s2  }
0xb: {  	[smem:$0x3F9F] =	sst s3  }
0xc: {  	[smem:$0x3FA0] =	sst s4  }
0xd: {  	[smem:$0x3FA1] =	sst s5  }
0xe: {  	[smem:$0x3FA2] =	sst s6  }
0xf: {  	[smem:$0x3FA3] =	sst s7  }
0x10: {  	[smem:$0x3FA4] =	sst s8  }
0x11: {  	[smem:$0x3FA5] =	sst s9;
	s0 =	simm.s32 @!p0 $0x0  }
0x12: {  	s1 =	sld [smem:$0x3F8B];
	s0 =	simm.s32 @p0 $0x1  }
0x13: {  	[smem:$0x3FA6] =	sst s0;
	s0 =	simm.s32 @!p1 $0x0  }
0x14: {  	s2 =	sld [smem:$0x3F8A];
	s0 =	simm.s32 @p1 $0x1  }
0x15: {  	[smem:$0x3FA7] =	sst s0;
	s0 =	simm.s32 @!p2 $0x0  }
0x16: {  	s3 =	sld [smem:$0x3FDB];
	s0 =	simm.s32 @p2 $0x1  }
0x17: {  	s4 =	simm.s32 $0x1BF5;
	[smem:$0x3FA9] =	sst s0  }
0x18: {  	s0 =	sld [smem:$0x3F8C];
	_ =	swait.ge [sflag:s4], $0x0  }
0x19: {  	s7 =	sld [smem:$0x3F8D]  }
0x1a: {  	s8 =	sadd.s32 $0xFFFFE003, lr  }
0x1b: {  	s9 =	sadd.s32 $0xFFFFFEF7, lr;
	s5 =	simm.s32 $0xFFFFFFFF;
	p2 =	slt.u32 s8, $0xFFFFF086  }
0x1c: {  	p1 =	slt.u32 s9, $0xF7A;
	s5 =	simm.s32 @!p2 $0x0  }
0x1d: {  	s5 =	simm.s32 @p1 $0x1;
	p0 =	seq.s32 s7, s2  }
0x1e: {  	s7 =	smul.u32 @!p0 $0xF7A, s2;
	p2 =	seq.s32 @!p0 s5, $0x0  }
0x1f: {  	s9 =	smul.u32 $0xF7A, s1;
	s8 =	simm.s32 @!p0 $0x1BF5;
	p2 =	por !p2, p0  }
0x20: {  	[sflag:s8] =	ssyncset.s32 @!p0 $0xFFFFF086;
	s6 =	sadd.s32 @!p0 s3, s7;
	s7 =	simm.s32 @!p0 $0x108  }
0x21: {  	s3 =	sadd.s32 s3, s9;
	s6 =	sadd.s32 @!p0 $0x88, s6;
	s7 =	simm.s32 @p2 $0x1082  }
0x22: {  	[simem:s7], [sflag:s8] =	dma.local @!p0 [hbm:s6], $0xF7A  }
0x23: {  	s9 =	sor.u32 $0xD0000000, s2;
	s6 =	simm.s32 $0x108;
	_ =	swait.ge @!p0 [sflag:s8], $0x0  }
0x24: {  	s3 =	sadd.s32 $0x88, s3;
	s6 =	simm.s32 @!p1 $0x1082;
	[sflag:s4] =	ssyncset.s32 $0xFFFFF086  }
0x25: {  	[simem:s6], [sflag:s4] =	dma.local [hbm:s3], $0xF7A  }
0x26: {  	[smem:$0x3F8D] =	sst s1;
	(tag) =	ssettag s2;
	_ =	strace s9  }
0x27: {  	s1 =	sld [smem:$0x3F9D]  }
0x28: {  	s2 =	sld [smem:$0x3F9E]  }
0x29: {  	s4 =	sld [smem:$0x3FA0]  }
0x2a: {  	p0 =	seq.s32 s5, $0x0;
	s5 =	sld [smem:$0x3FA1]  }
0x2b: {  	s6 =	sld [smem:$0x3FA2]  }
0x2c: {  	s7 =	sld [smem:$0x3FA3]  }
0x2d: {  	s3 =	simm.s32 $0x108;
	s8 =	sld [smem:$0x3FA4]  }
0x2e: {  	s3 =	simm.s32 @!p0 $0x1082;
	s9 =	sld [smem:$0x3FA5]  }
0x2f: {  	lr =	sadd.s32 s0, s3;
	s0 =	sld [smem:$0x3F9C]  }
0x30: {  	s3 =	sld [smem:$0x3F9F]  }
0x31: {  	[smem:$0x3FA8] =	sst s10  }
0x32: {  	s10 =	sld [smem:$0x3FA6];
	_ =	sdelay $0x3  }
0x33: {  	p0 =	seq.s32 s10, $0x1;
	s10 =	sld [smem:$0x3FA8];
	_ =	sdelay $0x3  }
0x34: {  	[smem:$0x3FA8] =	sst s10  }
0x35: {  	s10 =	sld [smem:$0x3FA7];
	_ =	sdelay $0x3  }
0x36: {  	p1 =	seq.s32 s10, $0x1;
	s10 =	sld [smem:$0x3FA8];
	_ =	sdelay $0x3  }
0x37: {  	[smem:$0x3FA8] =	sst s10  }
0x38: {  	s10 =	sld [smem:$0x3FA9]  }
0x39: {  	_ = 	snop;
	(pc) =	sbr.ind lr, $3  }
0x3a: {  	_ = 	snop  }
0x3b: {  	_ = 	snop  }
0x3c: {  	p2 =	seq.s32 s10, $0x1;
	s10 =	sld [smem:$0x3FA8]  }
0x3d: {  	_ =	shalt  }
0x3e: {  	_ =	shalt  }
0x3f: {  	_ =	shalt  }
0x40: {  	_ =	shalt  }
0x41: {  	_ =	shalt  }
0x42: {  	_ =	shalt  }
0x43: {  	_ =	shalt  }
0x44: {  	_ =	shalt  }
0x45: {  	_ =	shalt  }
0x46: {  	_ =	shalt  }
0x47: {  	_ =	shalt  }
0x48: {  	_ =	shalt  }
0x49: {  	_ =	shalt  }
0x4a: {  	_ =	shalt  }
0x4b: {  	_ =	shalt  }
0x4c: {  	_ =	shalt  }
0x4d: {  	_ =	shalt  }
0x4e: {  	_ =	shalt  }
0x4f: {  	_ =	shalt  }
0x50: {  	_ =	shalt  }
0x51: {  	_ =	shalt  }
0x52: {  	_ =	shalt  }
0x53: {  	_ =	shalt  }
0x54: {  	_ =	shalt  }
0x55: {  	_ =	shalt  }
0x56: {  	_ =	shalt  }
0x57: {  	_ =	shalt  }
0x58: {  	_ =	shalt  }
0x59: {  	_ =	shalt  }
0x5a: {  	_ =	shalt  }
0x5b: {  	_ =	shalt  }
0x5c: {  	_ =	shalt  }
0x5d: {  	_ =	shalt  }
0x5e: {  	_ =	shalt  }
0x5f: {  	_ =	shalt  }
0x60: {  	_ =	shalt  }
0x61: {  	_ =	shalt  }
0x62: {  	_ =	shalt  }
0x63: {  	_ =	shalt  }
0x64: {  	_ =	shalt  }
0x65: {  	_ =	shalt  }
0x66: {  	_ =	shalt  }
0x67: {  	_ =	shalt  }
0x68: {  	_ =	shalt  }
0x69: {  	_ =	shalt  }
0x6a: {  	_ =	shalt  }
0x6b: {  	_ =	shalt  }
0x6c: {  	_ =	shalt  }
0x6d: {  	_ =	shalt  }
0x6e: {  	_ =	shalt  }
0x6f: {  	_ =	shalt  }
0x70: {  	_ =	shalt  }
0x71: {  	_ =	shalt  }
0x72: {  	_ =	shalt  }
0x73: {  	_ =	shalt  }
0x74: {  	_ =	shalt  }
0x75: {  	_ =	shalt  }
0x76: {  	_ =	shalt  }
0x77: {  	_ =	shalt  }
0x78: {  	_ =	shalt  }
0x79: {  	_ =	shalt  }
0x7a: {  	_ =	shalt  }
0x7b: {  	_ =	shalt  }
0x7c: {  	_ =	shalt  }
0x7d: {  	_ =	shalt  }
0x7e: {  	_ =	shalt  }
0x7f: {  	_ =	shalt  }
0x80: {  	_ =	shalt  }
0x81: {  	_ =	shalt  }
0x82: {  	_ =	shalt  }
0x83: {  	_ =	shalt  }
0x84: {  	_ =	shalt  }
0x85: {  	_ =	shalt  }
0x86: {  	_ =	shalt  }
0x87: {  	_ =	shalt  }
.Lfunc_end0:
.L_simem_size_0:
called_computation_lowered:
.L_overlay_start_0:
0x88: {  	s2 =	sld [smem:$0x3FD9]  }
0x89: {  	s3 =	sld [smem:$0x3FFE];
	_ =	sdelay $0x1  }
0x8a: {  	s1 =	srdreg.scid  }
0x8b: {  	s0 =	sand.u32 $0x1, s1  }
0x8c: {  	s15 =	sshll.u32 s0, $0xA;
	s2 =	sadd.s32 s3, s2  }
0x8d: {  	s2 =	sadd.s32 s2, s15  }
0x8e: {  	[smem:$0x3FB4] =	sst s2  }
0x8f: {  	_ = 	snop  }
0x90: {  	(tm) =	ssettm $0x1  }
0x91: {  	s16 =	sld [smem:$0x3FFB];
	_ =	sdelay $0x3  }
0x92: {  	_ =	strace s16  }
0x93: {  	s2 =	sld [smem:$0x3FFC];
	_ =	sdelay $0x3  }
0x94: {  	_ =	strace s2  }
0x95: {  	s2 =	sld [smem:$0x3FFD];
	_ =	sdelay $0x3  }
0x96: {  	_ =	strace s2  }
0x97: {  	_ =	strace $0x8FFFFFFF  }
0x98: {  	s17 =	sld [smem:$0x3FDB];
	_ =	sdelay $0x1  }
0x99: {  	s18 =	simm.s32 $_scs_section_size  }
0x9a: {  	s4 =	simm.s32 $_size__tile_overlayer_lowered;
	s5 =	simm.s32 $_tile_overlayer_lowered  }
0x9b: {  	s21 =	simm.s32 $0x1BFF;
	s20 =	sshll.u32 s5, $0x1;
	s2 =	sadd.s32 s18, s17  }
0x9c: {  	s6 =	simm.s32 $0x0;
	s19 =	sshll.u32 s4, $0x1;
	s4 =	sadd.s32 s20, s2  }
0x9d: {  	[timem:s6], [sflag:s21] =	dma.local [hbm:s4], s19  }
0x9e: {  	_ =	swait.ge [sflag:s21], s19  }
0x9f: {  	s3 =	ssub.s32 $0x0, s19;
	[sflag:s21] =	ssyncset.done $0x0  }
0xa0: {  	[sflag:s21] =	ssyncadd.s32 s3;
	_ =	sdelay $0x1  }
0xa1: {  	s22 =	simm.s32 $0x1B8B  }
0xa2: {  	_ =	swait.ge [sflag:s22], $0x1  }
0xa3: {  	[sflag:s22] =	ssyncset.done $0x0  }
0xa4: {  	s23 =	sld [smem:$0x3FFE];
	[sflag:s22] =	ssyncadd.s32 $0xFFFFFFFF  }
0xa5: {  	s25 =	simm.s32 $0x1B8E;
	s24 =	sld [smem:$0x0]  }
0xa6: {  	s26 =	simm.s32 $execute0_lowered;
	[smem:$0x3FD2] =	sst s25  }
0xa7: {  	s5 =	sshll.u32 s26, $0x1;
	_ =	strace $0x80000046;
	[dreg:$0x1] =	wrdreg $0xFFFFFFFF  }
0xa8: {  	s28 =	simm.s32 $_size_execute0_lowered;
	s2 =	sadd.s32 s2, s5;
	[dreg:$0x0] =	wrdreg $0x0  }
0xa9: {  	s5 =	sshll.u32 s28, $0x1;
	[dreg:$0x2] =	wrdreg s2  }
0xaa: {  	[dreg:$0x3] =	wrdreg s5  }
0xab: {  	[dreg:$0x4] =	wrdreg $0xC0  }
0xac: {  	_ =	task [dreg:s6], $0x5FFFF  }
0xad: {  	[dreg:$0x1] =	wrdreg $0xFFFFFFFF  }
0xae: {  	[dreg:$0x0] =	wrdreg $0x60  }
0xaf: {  	[dreg:$0x2] =	wrdreg s23  }
0xb0: {  	[dreg:$0x3] =	wrdreg s1  }
0xb1: {  	[dreg:$0x4] =	wrdreg s24  }
0xb2: {  	[dreg:$0x5] =	wrdreg $0x9  }
0xb3: {  	_ =	task.clear_ibuf [dreg:s6], $0x6FFFF;
	_ =	strace $0x90000046  }
0xb4: {  	s29 =	simm.s32 $0x9;
	_ =	strace $0x80000048  }
0xb5: {  	_ =	swait.ge [sflag:s29], $0x1  }
0xb6: {  	[sflag:s29] =	ssyncadd.s32 $0xFFFFFFFF  }
0xb7: {  	_ =	strace $0x90000048  }
0xb8: {  	_ =	sfence  }
0xb9: {  	s30 =	sld [smem:$0x0];
	_ =	sdelay $0x2  }
0xba: {  	s31 =	sshll.u32 s1, $0xD;
	s1 =	sshrl.u32 s1, $0x2  }
0xbb: {  	s3 =	sand.u32 $0x4000, s31;
	s1 =	sadd.s32 s1, s30  }
0xbc: {  	s0 =	sor.u32 s3, s0;
	s1 =	sshll.u32 s1, $0x11  }
0xbd: {  	s0 =	sor.u32 s1, s0  }
0xbe: {  	s0 =	sadd.s32 $0x8F2B, s0  }
0xbf: {  	[sflag:s0] =	ssyncadd.remote.s32 $0x1  }
0xc0: {  	_ =	sfence.sel $0xFFFF  }
0xc1: {  	[dreg:$0x0] =	wrdreg $0xFFFFFFFF;
	(pc) =	sbr.abs _section_cstart, $3  }
0xc2: {  	[dreg:$0x1] =	wrdreg $0xFFFFFFFF  }
0xc3: {  	_ =	task.clear_ibuf [dreg:s6], $0x2FFFF;
	_ =	strace $0x9FFFFFFF  }
0xc4: {  	(tm) =	ssettm $0x7FFFFFFF  }
0xc5: {  	_ =	shalt  }
tec
execute0_lowered:
.L_overlay_start_1:
0x0: {  	(tag) =	ssettag $0x1  }
0x1: {  	s2 =	rddreg [dreg:$0x0]  }
0x2: {  	s3 =	rddreg [dreg:$0x1];
	_ =	strace $0x80000047;
	s0 =	simm.s32 $0x1  }
0x3: {  	s5 =	simm.s32 $0x208;
	v0 =	vimm.s32 $0x0;
	[sflag:s0] =	ssyncpa.u1 $0x0  }
0x4: {  	[tilespmem:s5+$0x70] =	vst v0  }
0x5: {  	[tilespmem:s5+$0x60] =	vst v0  }
0x6: {  	[tilespmem:s5+$0x50] =	vst v0  }
0x7: {  	[tilespmem:s5+$0x40] =	vst v0  }
0x8: {  	[tilespmem:s5+$0x30] =	vst v0  }
0x9: {  	s1 =	sadd.s32 $0xF600, s2;
	s0 =	sadd.s32 $0x5400, s2;
	s6 =	sadd.s32 $0xEB5400, s2;
	[tilespmem:s5+$0x20] =	vst v0  }
0xa: {  	s4 =	sadd.s32 $0xA400, s2;
	s10 =	sand.u32 $0x1, s3;
	s2 =	simm.s32 $0x40;
	[tilespmem:s5+$0x10] =	vst v0  }
.LBB2_1:
0xb: {  	s2 =	sadd.s32 $0x40, s2;
	[tilespmem:s5+$0x0] =	vst v0;
	s5 =	sadd.s32 $0x80, s5  }
0xc: {  	p0 =	slt.u32 s2, $0x3880;
	[tilespmem:s5+$0x70] =	vst v0  }
0xd: {  	[tilespmem:s5+$0x60] =	vst v0  }
.Ltmp0:
0xe: {  	[tilespmem:s5+$0x50] =	vst v0;
	(pc) =	sbr.rel @p0 .LBB2_1-.Ltmp0, $4  }
0xf: {  	[tilespmem:s5+$0x40] =	vst v0  }
0x10: {  	[tilespmem:s5+$0x30] =	vst v0  }
0x11: {  	[tilespmem:s5+$0x20] =	vst v0  }
0x12: {  	[tilespmem:s5+$0x10] =	vst v0  }
0x13: {  	s11 =	stileid.u32  }
0x14: {  	s2 =	smul.u32 $0x2C, s11  }
0x15: {  	s3 =	smin.u32 s11, $0xB  }
0x16: {  	s2 =	sadd.s32 s3, s2  }
0x17: {  	p0 =	slt.u32 s11, $0xB;
	s20 =	smul.u32 $0x70, s2;
	s2 =	simm.s32 $0x13B0  }
0x18: {  	s2 =	simm.s32 @!p0 $0x1340  }
0x19: {  	s2 =	sadd.s32 s2, s20  }
0x1a: {  	s8 =	smin.u32 s2, $0x13880  }
0x1b: {  	s26 =	simm.s32 $0x2;
	s2 =	ssub.s32 s8, s20  }
0x1c: {  	s9 =	simm.s32 $0x9;
	s29 =	simm.s32 $0xA;
	p0 =	sgt.s32 s2, $0x0  }
0x1d: {  	s30 =	simm.s32 $0xB;
	s31 =	smul.u32 $0x2710, s10;
	s2 =	simm.s32 @!p0 $0x0  }
0x1e: {  	[dreg:$0x4] =	wrdreg s10;
	s12 =	simm.s32 $0x1;
	s25 =	smulhi.u32 $0x92492493, s2  }
0x1f: {  	p1 =	por $0x0, $0x0;
	s18 =	simm.s32 $0x80;
	s19 =	simm.s32 $0x400  }
0x20: {  	s17 =	simm.s32 $0xC;
	s21 =	simm.s32 $0x0;
	s3 =	sshrl.u32 s25, $0x6  }
0x21: {  	[tilespmem:s5+$0x0] =	vst v0;
	v0 =	vimm.s32 $0xFFFFFFFF;
	s23 =	simm.s32 $0x0;
	[sflag:s26] =	ssyncpa.u1 $0x0;
	s28 =	smul.u32 $0x70, s3  }
.Ltmp1:
0x22: {  	s16 =	sshll.u32 s11, $0x9;
	[tilespmem:$0xE408] =	vst v0;
	[sflag:s9] =	ssyncpa.u1 $0x0;
	(pc) =	sbr.rel .LBB2_3-.Ltmp1, $4  }
0x23: {  	s14 =	sadd.s32 s31, s4;
	p0 =	sne.s32 s2, s28;
	s2 =	simm.s32 $0x1  }
0x24: {  	s15 =	sadd.s32 s31, s0;
	[sflag:s29] =	ssyncpa.u1 $0x0;
	s2 =	simm.s32 @!p0 $0x0  }
0x25: {  	s0 =	simm.s32 $0x0;
	[sflag:s30] =	ssyncpa.u1 $0x0;
	s13 =	sadd.s32 s2, s3  }
0x26: {  	v0 =	vlaneseq.u32;
	s22 =	smov.u32 s20;
	p0 =	por $0x1, $0x1;
	s11 =	sadd.s32 $0x1, s13  }
.LBB2_24:
0x27: {  	s0 =	sshrl.u32 s0, $0x2  }
.LBB2_26:
0x28: {  	_ =	swait.ge [sflag:s17], s0  }
0x29: {  	s31 =	ssub.s32 $0x0, s0;
	v1 =	vmov s26;
	vm0 =	veq.s32 v0, $0x0;
	[sflag:s17] =	ssyncset.done $0x0  }
0x2a: {  	vm15 =	veq.s32 v0, $0x2;
	v1 =	vsel vm0, s4, v1;
	[sflag:s17] =	ssyncadd.s32 s31  }
0x2b: {  	v1 =	vsel vm15, s24, v1;
	[sflag:s17] =	ssyncpa.u1 $0x1  }
0x2c: {  	[tilespmem:$0xE408] =	vst v1  }
.LBB2_27:
0x2d: {  	s2 =	sadd.s32 $0x70, s22  }
0x2e: {  	s3 =	smov.u32 s20;
	p2 =	slt.s32 s2, s8  }
0x2f: {  	s3 =	smov.u32 @p2 s2;
	p2 =	sne.s32 s23, s11  }
.Ltmp2:
0x30: {  	_ = 	snop;
	(pc) =	sbr.rel @!p2 .LBB2_28-.Ltmp2, $4  }
0x31: {  	_ = 	snop  }
0x32: {  	s0 =	smov.u32 s21  }
0x33: {  	s31 =	sadd.s32 $0x1, s23;
	s21 =	smov.u32 s22;
	p0 =	por !p0, !p0  }
0x34: {  	p1 =	por !p1, !p1;
	s23 =	smov.u32 s31;
	s22 =	smov.u32 s3  }
.LBB2_3:
0x35: {  	p2 =	sge.u32 s23, s13  }
0x36: {  	s2 =	smulhi.u32 @!p2 $0xAAAAAAAB, s23  }
0x37: {  	s3 =	smov.u32 s22;
	p3 =	sgt.s32 @!p2 s22, $0x13810  }
0x38: {  	s4 =	sshra.s32 @!p2 s22, $0x1F;
	p3 =	por !p3, p2;
	s2 =	sshrl.u32 @!p2 s2, $0x1  }
0x39: {  	s4 =	sand.u32 @!p2 s4, s22;
	s3 =	simm.s32 @p3 $0x13810;
	s2 =	smul.u32 @!p2 $0x3, s2  }
0x3a: {  	s3 =	ssub.s32 @!p2 s3, s4  }
0x3b: {  	s3 =	sadd.s32 @!p2 $0xFFFEC7F0, s3;
	s2 =	ssub.s32 @!p2 s23, s2  }
0x3c: {  	s4 =	sshll.u32 @!p2 s3, $0x2;
	p3 =	sgt.s32 @!p2 s3, $0x6F;
	s2 =	smul.u32 @!p2 $0x1C0, s2  }
0x3d: {  	s5 =	sand.u32 @!p2 $0x7, s22;
	s3 =	ssub.s32 @!p2 $0x1C0, s4;
	p3 =	por !p3, p2  }
0x3e: {  	s4 =	sshrl.u32 @!p2 s22, $0x3;
	s3 =	sshrl.u32 @!p2 s3, $0x2;
	s2 =	sshrl.u32 @!p2 s2, $0x2  }
0x3f: {  	s4 =	sadd.s32 @!p2 s4, s14;
	s3 =	simm.s32 @!p3 $0x0;
	s2 =	sadd.s32 @!p2 $0x10448, s2  }
0x40: {  	[tilespmem:s2], [sflag:$0xA] =	stream.linear.gather @!p2 [hbm4b:s4+s5], s3, $0x38;
	[tilespmem:$0x1E678] =	vst v63  }
0x41: {  	s2 =	sadd.s32 $0xFFFFFFFF, s23  }
0x42: {  	p2 =	sge.u32 s2, s13  }
0x43: {  	p3 =	sgt.s32 @!p2 s21, $0x13810  }
0x44: {  	s3 =	smov.u32 s21;
	s4 =	sshra.s32 @!p2 s21, $0x1F;
	p3 =	por !p3, p2  }
0x45: {  	s4 =	sand.u32 @!p2 s4, s21;
	s3 =	simm.s32 @p3 $0x13810  }
0x46: {  	s3 =	ssub.s32 @!p2 s3, s4  }
0x47: {  	s3 =	sadd.s32 @!p2 $0xFFFEC7F0, s3  }
0x48: {  	s4 =	sshll.u32 @!p2 s3, $0x2  }
0x49: {  	p3 =	sgt.s32 @!p2 s3, $0x6F;
	s3 =	ssub.s32 @!p2 $0x1C0, s4  }
0x4a: {  	p3 =	por !p3, p2;
	s3 =	sshrl.u32 @!p2 s3, $0x2  }
0x4b: {  	s5 =	simm.s32 @!p2 $0xA;
	s4 =	sand.u32 @!p2 $0x1, s2;
	s3 =	simm.s32 @!p3 $0x0  }
0x4c: {  	s4 =	smul.u32 @!p2 $0x1C0, s4;
	_ =	swait.ge @!p2 [sflag:s5], s3  }
0x4d: {  	s9 =	ssub.s32 @!p2 $0x0, s3;
	[sflag:s5] =	ssyncset.done @!p2 $0x0  }
0x4e: {  	s4 =	sshrl.u32 @!p2 s4, $0x2;
	[sflag:s5] =	ssyncadd.s32 @!p2 s9;
	s5 =	sshrl.u32 @!p2 s21, $0x3  }
0x4f: {  	s4 =	sadd.s32 @!p2 $0x10598, s4;
	s9 =	sand.u32 @!p2 $0x7, s21;
	s5 =	sadd.s32 @!p2 s5, s15  }
0x50: {  	[tilespmem:s4], [sflag:$0xB] =	stream.linear.gather @!p2 [hbm4b:s5+s9], s3, $0x38;
	[tilespmem:$0x1E678] =	vst v63  }
0x51: {  	s4 =	ssub.s32 @!p2 $0x13880, s21  }
0x52: {  	p3 =	slt.s32 @!p2 s4, $0x1  }
0x53: {  	p3 =	por p2, p3  }
.Ltmp3:
0x54: {  	_ = 	snop;
	(pc) =	sbr.rel @p3 .LBB2_9-.Ltmp3, $1  }
0x55: {  	_ =	sdelay $0x3  }
0x56: {  	s3 =	smulhi.u32 $0xAAAAAAAB, s2;
	_ =	sdelay $0x1  }
0x57: {  	s3 =	sshrl.u32 s3, $0x1  }
0x58: {  	s3 =	smul.u32 $0x3, s3;
	_ =	sdelay $0x1  }
0x59: {  	s30 =	ssub.s32 s2, s3  }
0x5a: {  	s5 =	simm.s32 $0x1;
	s2 =	smul.u32 $0x1C0, s30  }
.Ltmp4:
0x5b: {  	s5 =	simm.s32 @!p0 $0x0;
	(pc) =	sbr.rel .LBB2_6-.Ltmp4, $4  }
0x5c: {  	s31 =	smul.u32 $0x1C000, s5  }
0x5d: {  	p3 =	slt.s32 @!p2 s4, $0x70;
	s2 =	sshrl.u32 s2, $0x2  }
0x5e: {  	p2 =	por !p3, p2;
	s3 =	sshrl.u32 s31, $0x2;
	s9 =	sadd.s32 $0x10448, s2  }
0x5f: {  	s4 =	simm.s32 @p2 $0x70;
	s5 =	sor.u32 $0x10678, s3;
	s2 =	simm.s32 $0x0;
	v1 =	vmov s9  }
.LBB2_5:
0x60: {  	p2 =	sge.s32 s2, s4  }
.Ltmp5:
0x61: {  	_ = 	snop;
	(pc) =	sbr.rel @p2 .LBB2_9-.Ltmp5, $2  }
0x62: {  	_ =	sdelay $0x2  }
0x63: {  	s5 =	sadd.s32 $0x1000, s5  }
.LBB2_6:
0x64: {  	p2 =	sle.s32 s4, s2  }
.Ltmp6:
0x65: {  	_ = 	snop;
	(pc) =	sbr.rel @p2 .LBB2_5-.Ltmp6, $2  }
0x66: {  	_ =	sdelay $0x2  }
0x67: {  	s24 =	smov.u32 s2;
	s2 =	sadd.s32 $0x10, s2  }
0x68: {  	s3 =	ssub.s32 s4, s24  }
0x69: {  	p2 =	slt.s32 s3, $0x10  }
0x6a: {  	s3 =	simm.s32 @!p2 $0x10  }
0x6b: {  	v2 =	vmov s3  }
0x6c: {  	vm0 =	vgt.s32 v2, v0;
	_ =	sdelay $0x5  }
0x6d: {  	v2 =	vld.idx.msk [tilespmem:v1+s24+$0x0 ss:$0x1], vm0;
	_ =	sdelay $0x2  }
0x6e: {  	p2 =	slt.s32 s2, s4;
	s3 =	smov.u32 s4  }
0x6f: {  	s9 =	smov.u32 s5;
	s25 =	simm.s32 $0x0;
	s3 =	smov.u32 @p2 s2  }
.LBB2_8:
0x70: {  	(v2sf) =	vpush v2, s25;
	_ =	sdelay $0xe  }
0x71: {  	s25 =	sadd.s32 $0x1, s25;
	s10 =	spop (v2sf)  }
0x72: {  	s31 =	sadd.s32 s25, s24;
	s26 =	sshll.u32 s10, $0x8;
	s10 =	sshll.u32 s10, $0x7  }
0x73: {  	p2 =	slt.s32 s31, s3;
	s26 =	sand.u32 $0xFFFFF800, s26;
	s10 =	sand.u32 $0x380, s10  }
.Ltmp7:
0x74: {  	s10 =	sor.u32 s10, s26;
	(pc) =	sbr.rel @p2 .LBB2_8-.Ltmp7, $4  }
0x75: {  	s10 =	sshrl.u32 s10, $0x3  }
0x76: {  	s10 =	sadd.s32 s6, s10  }
0x77: {  	[tilespmem:s9], [sflag:$0x9] =	stream.strided.gather [hbm4b:s10+s18], $0x100, s19, s18, $0x38;
	[tilespmem:$0x1E678] =	vst v63  }
0x78: {  	s9 =	sadd.s32 $0x100, s9  }
.Ltmp8:
0x79: {  	_ = 	snop;
	(pc) =	sbr.rel .LBB2_5-.Ltmp8, $1  }
0x7a: {  	_ =	sdelay $0x3  }
.LBB2_9:
0x7b: {  	p2 =	slt.u32 s23, $0x2  }
.Ltmp9:
0x7c: {  	_ = 	snop;
	(pc) =	sbr.rel @p2 .LBB2_27-.Ltmp9, $1  }
0x7d: {  	_ =	sdelay $0x3  }
0x7e: {  	p2 =	sgt.s32 s0, $0x13810  }
0x7f: {  	s2 =	smov.u32 s0;
	s3 =	sshra.s32 s0, $0x1F;
	s4 =	ssub.s32 $0x13880, s0  }
0x80: {  	s2 =	simm.s32 @!p2 $0x13810;
	s3 =	sand.u32 s3, s0;
	p2 =	slt.s32 s4, $0x70  }
0x81: {  	s2 =	ssub.s32 s2, s3;
	s4 =	simm.s32 @!p2 $0x70  }
0x82: {  	s2 =	sadd.s32 $0xFFFEC7F0, s2;
	s24 =	sshll.u32 s4, $0x8  }
0x83: {  	s29 =	simm.s32 $0x9;
	s25 =	sshll.u32 s2, $0x2;
	s3 =	sand.u32 $0x3FFFFF00, s24  }
0x84: {  	p2 =	sgt.s32 s2, $0x6F;
	s26 =	ssub.s32 $0x1C0, s25;
	_ =	swait.ge [sflag:s29], s3  }
0x85: {  	s3 =	ssub.s32 $0x0, s3;
	[sflag:s29] =	ssyncset.done $0x0;
	s2 =	sshrl.u32 s26, $0x2  }
0x86: {  	s30 =	simm.s32 $0xB;
	[sflag:s29] =	ssyncadd.s32 s3;
	s2 =	simm.s32 @p2 $0x0  }
0x87: {  	_ =	swait.ge [sflag:s30], s2  }
0x88: {  	s2 =	ssub.s32 $0x0, s2;
	[sflag:s30] =	ssyncset.done $0x0  }
0x89: {  	[sflag:s30] =	ssyncadd.s32 s2  }
0x8a: {  	v1 =	vld [tilespmem:$0xE408];
	_ =	sdelay $0x4  }
0x8b: {  	(v2sf) =	vpush v1, $0x0  }
0x8c: {  	(v2sf) =	vpush v1, $0x1  }
0x8d: {  	(v2sf) =	vpush v1, $0x2;
	_ =	sdelay $0x3  }
0x8e: {  	s2 =	sadd.s32 $0x70, s0  }
0x8f: {  	s3 =	ssub.s32 $0x27100, s0;
	p2 =	slt.s32 s8, s2  }
0x90: {  	s2 =	smov.u32 @p2 s8;
	p2 =	sgt.s32 s3, $0x0  }
0x91: {  	s0 =	ssub.s32 s2, s0;
	s3 =	simm.s32 @!p2 $0x0  }
0x92: {  	p2 =	slt.s32 s3, s0  }
0x93: {  	s0 =	smov.u32 @p2 s3  }
0x94: {  	s4 =	simm.s32 $0x1;
	p2 =	slt.s32 s0, $0x1  }
.Ltmp10:
0x95: {  	s4 =	simm.s32 @!p1 $0x0;
	(pc) =	sbr.rel @p2 .LBB2_14-.Ltmp10, $4  }
0x96: {  	s31 =	smul.u32 $0x1C0, s4  }
0x97: {  	s5 =	spop (v2sf)  }
0x98: {  	s2 =	sshrl.u32 s31, $0x2;
	s28 =	spop (v2sf)  }
0x99: {  	s25 =	sadd.s32 $0x10598, s2;
	s24 =	spop (v2sf)  }
0x9a: {  	s2 =	smin.u32 s0, $0x10  }
0x9b: {  	v1 =	vmov s2  }
0x9c: {  	vm1 =	vgt.u32 v1, v0  }
0x9d: {  	p3 =	sgt.s32 s0, $0x10  }
.Ltmp11:
0x9e: {  	_ = 	snop;
	(pc) =	sbr.rel @!p3 .LBB2_13-.Ltmp11, $2  }
0x9f: {  	_ =	sdelay $0x2  }
0xa0: {  	s26 =	simm.s32 $0x10;
	s29 =	sadd.s32 $0xFFFFFFF0, s0;
	s2 =	smov.u32 s25;
	vm0 =	vmmov vm1;
	v1 =	vld.msk [tilespmem:s25+$0x0 ss:$0x1], vm1  }
.LBB2_12:
0xa1: {  	s3 =	smin.u32 s29, $0x10;
	s26 =	sadd.s32 $0x10, s26  }
0xa2: {  	v2 =	vmov s3;
	p3 =	slt.s32 s26, s0  }
0xa3: {  	vm1 =	vgt.u32 v2, v0;
	_ =	sdelay $0x1  }
0xa4: {  	v2 =	vshll.u32 v1, $0x5;
	v1 =	vshll.u32 v1, $0x4  }
.Ltmp12:
0xa5: {  	v2 =	vand.u32 $0xFFFFFF00, v2;
	v1 =	vand.u32 $0x70, v1;
	(pc) =	sbr.rel @p3 .LBB2_12-.Ltmp12, $4  }
0xa6: {  	v1 =	vor.u32 v1, v2  }
0xa7: {  	[tilespmem:s2+$0x0] =	vst.msk vm0, v1;
	s2 =	sadd.s32 $0x10, s2;
	vm0 =	vmmov vm1  }
0xa8: {  	v1 =	vld.msk [tilespmem:s2+$0x0 ss:$0x1], vm1  }
0xa9: {  	s29 =	sadd.s32 $0xFFFFFFF0, s29  }
.LBB2_13:
0xaa: {  	_ =	sdelay $0x3  }
0xab: {  	v2 =	vshll.u32 v1, $0x5;
	v1 =	vshll.u32 v1, $0x4  }
0xac: {  	v2 =	vand.u32 $0xFFFFFF00, v2;
	v1 =	vand.u32 $0x70, v1  }
0xad: {  	v1 =	vor.u32 v1, v2  }
0xae: {  	[tilespmem:s2+$0x0] =	vst.msk vm0, v1  }
.LBB2_14:
0xaf: {  	s2 =	sand.u32 $0x1, s23  }
0xb0: {  	s3 =	smul.u32 $0x7000, s2  }
0xb1: {  	p3 =	sne.s32 s28, $0xFFFFFFFF  }
0xb2: {  	v1 =	vld @!p3 [tilespmem:s3+$0x10678];
	_ =	sdelay $0x2  }
0xb3: {  	s2 =	smul.u32 $0x70, s2;
	_ =	sdelay $0x1  }
0xb4: {  	v2 =	vld.msk @!p3 [tilespmem:s2+$0x10598], $0x1;
	[tilespmem:$0x208] =	vst @!p3 v1  }
0xb5: {  	v1 =	vld @!p3 [tilespmem:s3+$0x10688];
	_ =	sdelay $0x4  }
0xb6: {  	[tilespmem:$0x218] =	vst @!p3 v1  }
0xb7: {  	v1 =	vld @!p3 [tilespmem:s3+$0x10698];
	_ =	sdelay $0x4  }
0xb8: {  	[tilespmem:$0x228] =	vst @!p3 v1  }
0xb9: {  	v1 =	vld @!p3 [tilespmem:s3+$0x106A8];
	_ =	sdelay $0x4  }
0xba: {  	[tilespmem:$0x238] =	vst @!p3 v1  }
0xbb: {  	v1 =	vld @!p3 [tilespmem:s3+$0x106B8];
	_ =	sdelay $0x4  }
0xbc: {  	[tilespmem:$0x248] =	vst @!p3 v1  }
0xbd: {  	v1 =	vld @!p3 [tilespmem:s3+$0x106C8];
	_ =	sdelay $0x4  }
0xbe: {  	[tilespmem:$0x258] =	vst @!p3 v1  }
0xbf: {  	v1 =	vld @!p3 [tilespmem:s3+$0x106D8];
	_ =	sdelay $0x4  }
0xc0: {  	[tilespmem:$0x268] =	vst @!p3 v1  }
0xc1: {  	v1 =	vld @!p3 [tilespmem:s3+$0x106E8];
	_ =	sdelay $0x4  }
0xc2: {  	[tilespmem:$0x278] =	vst @!p3 v1  }
0xc3: {  	v1 =	vld @!p3 [tilespmem:s3+$0x106F8];
	_ =	sdelay $0x4  }
0xc4: {  	[tilespmem:$0x288] =	vst @!p3 v1  }
0xc5: {  	v1 =	vld @!p3 [tilespmem:s3+$0x10708];
	_ =	sdelay $0x4  }
0xc6: {  	[tilespmem:$0x298] =	vst @!p3 v1  }
0xc7: {  	v1 =	vld @!p3 [tilespmem:s3+$0x10718];
	_ =	sdelay $0x4  }
0xc8: {  	[tilespmem:$0x2A8] =	vst @!p3 v1  }
0xc9: {  	v1 =	vld @!p3 [tilespmem:s3+$0x10728];
	_ =	sdelay $0x4  }
0xca: {  	[tilespmem:$0x2B8] =	vst @!p3 v1  }
0xcb: {  	v1 =	vld @!p3 [tilespmem:s3+$0x10738];
	_ =	sdelay $0x4  }
0xcc: {  	[tilespmem:$0x2C8] =	vst @!p3 v1  }
0xcd: {  	(v2sf) =	vpush @!p3 v2, $0x0;
	v1 =	vld @!p3 [tilespmem:s3+$0x10748];
	_ =	sdelay $0x4  }
0xce: {  	[tilespmem:$0x2D8] =	vst @!p3 v1  }
0xcf: {  	v1 =	vld @!p3 [tilespmem:s3+$0x10758];
	_ =	sdelay $0x4  }
0xd0: {  	[tilespmem:$0x2E8] =	vst @!p3 v1  }
0xd1: {  	v1 =	vld @!p3 [tilespmem:s3+$0x10768]  }
.Ltmp13:
0xd2: {  	_ = 	snop;
	(pc) =	sbr.rel @p2 .LBB2_25-.Ltmp13, $4  }
0xd3: {  	_ = 	snop  }
0xd4: {  	s31 =	spop @!p3 (v2sf)  }
0xd5: {  	s24 =	simm.s32 @!p3 $0x0;
	s26 =	smov.u32 s31  }
0xd6: {  	s31 =	smov.u32 @p3 s5;
	s26 =	smov.u32 @p3 s28;
	[tilespmem:$0x2F8] =	vst @!p3 v1;
	[sflag:s17] =	ssyncpa.u1 $0x0  }
0xd7: {  	v1 =	vld.msk [tilespmem:s25+$0x0], $0x1;
	_ =	sdelay $0x4  }
0xd8: {  	(v2sf) =	vpush v1, $0x0;
	_ =	sdelay $0xe  }
0xd9: {  	s7 =	smov.u32 s11;
	s5 =	spop (v2sf)  }
0xda: {  	s17 =	smov.u32 s15;
	s2 =	smul.u32 $0x1C000, s4;
	p2 =	seq.s32 s31, s5  }
0xdb: {  	s3 =	smov.u32 s31;
	s29 =	ssub.s32 $0x0, s0;
	p3 =	sgt.s32 @!p2 s31, $0x0  }
0xdc: {  	s30 =	simm.s32 $0x0;
	s2 =	sshrl.u32 s2, $0x2;
	p3 =	por !p3, p2  }
0xdd: {  	s0 =	sadd.s32 $0x1, s29;
	s28 =	sor.u32 $0x106F8, s2;
	s3 =	simm.s32 @p3 $0x0  }
0xde: {  	s2 =	simm.s32 @!p2 $0x1;
	p3 =	seq.s32 s0, $0x0;
	s3 =	smin.u32 @!p2 s3, $0x4E170  }
.Ltmp14:
0xdf: {  	s4 =	simm.s32 @!p2 $0x7308;
	s9 =	sand.u32 @!p2 $0x7FFF8, s3;
	(pc) =	sbr.rel @p3 .LBB2_17-.Ltmp14, $4  }
0xe0: {  	s10 =	sadd.s32 @!p2 $0x80, s3;
	s11 =	sadd.s32 @!p2 s1, s9;
	s9 =	sand.u32 @!p2 $0x7, s3  }
0xe1: {  	[tilespmem:s4], [sflag:$0x2] =	stream.linear.gather @!p2 [hbm4b:s11+s9], $0x80, $0x38;
	[tilespmem:$0x1E678] =	vst v63  }
0xe2: {  	s15 =	smov.u32 s14;
	s2 =	smov.u32 @p2 s30;
	s4 =	sand.u32 @!p2 $0xFFFF8, s10  }
0xe3: {  	s3 =	simm.s32 @!p2 $0x7388;
	s10 =	sadd.s32 @!p2 s1, s4;
	s4 =	sadd.s32 $0x1, s25  }
.LBB2_16:
0xe4: {  	s11 =	smov.u32 s2  }
0xe5: {  	[tilespmem:s3], [sflag:$0x2] =	stream.linear.gather @!p2 [hbm4b:s10+s9], $0x80, $0x38;
	[tilespmem:$0x1E678] =	vst v63  }
0xe6: {  	s0 =	sadd.s32 $0x1, s0;
	s9 =	smov.u32 s5;
	v1 =	vld.msk [tilespmem:s4+$0x0], $0x1  }
0xe7: {  	p3 =	seq.s32 s0, $0x0;
	_ =	sdelay $0x3  }
0xe8: {  	(v2sf) =	vpush v1, $0x0;
	_ =	sdelay $0xe  }
0xe9: {  	s5 =	spop (v2sf)  }
0xea: {  	p2 =	seq.s32 s9, s5  }
0xeb: {  	p4 =	sgt.s32 @!p2 s9, $0x0;
	s3 =	sshll.u32 @!p2 s2, $0xA;
	s2 =	sadd.s32 @!p2 $0x1, s2  }
0xec: {  	p4 =	por !p4, p2;
	s3 =	sshra.s32 @!p2 s3, $0x2;
	s2 =	smov.u32 @p2 s11  }
0xed: {  	s9 =	simm.s32 @p4 $0x0;
	s10 =	sadd.s32 @!p2 $0x7308, s3;
	s3 =	sadd.s32 @!p2 $0x7388, s3  }
.Ltmp15:
0xee: {  	s9 =	smin.u32 @!p2 s9, $0x4E170;
	(pc) =	sbr.rel @!p3 .LBB2_16-.Ltmp15, $4  }
0xef: {  	s11 =	sand.u32 @!p2 $0x7FFF8, s9;
	s14 =	sadd.s32 @!p2 $0x80, s9  }
0xf0: {  	s9 =	sand.u32 @!p2 $0x7, s9;
	s11 =	sadd.s32 @!p2 s1, s11;
	s14 =	sand.u32 @!p2 $0xFFFF8, s14  }
0xf1: {  	[tilespmem:s10], [sflag:$0x2] =	stream.linear.gather @!p2 [hbm4b:s11+s9], $0x80, $0x38;
	[tilespmem:$0x1E678] =	vst v63  }
0xf2: {  	s4 =	sadd.s32 $0x1, s4;
	s10 =	sadd.s32 @!p2 s1, s14  }
.LBB2_17:
0xf3: {  	[tilespmem:s3], [sflag:$0x2] =	stream.linear.gather @!p2 [hbm4b:s10+s9], $0x80, $0x38;
	[tilespmem:$0x1E678] =	vst v63  }
0xf4: {  	s0 =	sshll.u32 s2, $0x8  }
.Ltmp16:
0xf5: {  	s14 =	simm.s32 $0x2;
	s0 =	sand.u32 $0x3FFFFF00, s0;
	(pc) =	sbr.rel .LBB2_18-.Ltmp16, $4  }
0xf6: {  	_ =	swait.ge [sflag:s14], s0  }
0xf7: {  	s0 =	ssub.s32 $0x0, s0;
	[sflag:s14] =	ssyncset.done $0x0  }
0xf8: {  	s11 =	smov.u32 s7;
	[sflag:s14] =	ssyncadd.s32 s0;
	s0 =	simm.s32 $0x0  }
0xf9: {  	s14 =	smov.u32 s15;
	s15 =	smov.u32 s17;
	s17 =	simm.s32 $0xC  }
.LBB2_19:
0xfa: {  	v1 =	vld [tilespmem:s28+$0xFFFFFF80]  }
0xfb: {  	v2 =	vld [tilespmem:s5+$0x208];
	_ =	sdelay $0x4  }
0xfc: {  	v1 =	vmax.f32 v1, v2  }
0xfd: {  	v2 =	vld [tilespmem:s5+$0x218];
	[tilespmem:s5+$0x208] =	vst v1  }
0xfe: {  	v1 =	vld [tilespmem:s28+$0xFFFFFF90];
	_ =	sdelay $0x4  }
0xff: {  	v1 =	vmax.f32 v1, v2  }
0x100: {  	v2 =	vld [tilespmem:s5+$0x228];
	[tilespmem:s5+$0x218] =	vst v1  }
0x101: {  	v1 =	vld [tilespmem:s28+$0xFFFFFFA0];
	_ =	sdelay $0x4  }
0x102: {  	v1 =	vmax.f32 v1, v2  }
0x103: {  	v2 =	vld [tilespmem:s5+$0x238];
	[tilespmem:s5+$0x228] =	vst v1  }
0x104: {  	v1 =	vld [tilespmem:s28+$0xFFFFFFB0];
	_ =	sdelay $0x4  }
0x105: {  	v1 =	vmax.f32 v1, v2  }
0x106: {  	v2 =	vld [tilespmem:s5+$0x248];
	[tilespmem:s5+$0x238] =	vst v1  }
0x107: {  	v1 =	vld [tilespmem:s28+$0xFFFFFFC0];
	_ =	sdelay $0x4  }
0x108: {  	v1 =	vmax.f32 v1, v2  }
0x109: {  	v2 =	vld [tilespmem:s5+$0x258];
	[tilespmem:s5+$0x248] =	vst v1  }
0x10a: {  	v1 =	vld [tilespmem:s28+$0xFFFFFFD0];
	_ =	sdelay $0x4  }
0x10b: {  	v1 =	vmax.f32 v1, v2  }
0x10c: {  	v2 =	vld [tilespmem:s5+$0x268];
	[tilespmem:s5+$0x258] =	vst v1  }
0x10d: {  	v1 =	vld [tilespmem:s28+$0xFFFFFFE0];
	_ =	sdelay $0x4  }
0x10e: {  	v1 =	vmax.f32 v1, v2  }
0x10f: {  	v2 =	vld [tilespmem:s5+$0x278];
	[tilespmem:s5+$0x268] =	vst v1  }
0x110: {  	v1 =	vld [tilespmem:s28+$0xFFFFFFF0];
	_ =	sdelay $0x4  }
0x111: {  	v1 =	vmax.f32 v1, v2  }
0x112: {  	v2 =	vld [tilespmem:s5+$0x288];
	[tilespmem:s5+$0x278] =	vst v1  }
0x113: {  	v1 =	vld [tilespmem:s28+$0x0];
	_ =	sdelay $0x4  }
0x114: {  	v1 =	vmax.f32 v1, v2  }
0x115: {  	v2 =	vld [tilespmem:s5+$0x298];
	[tilespmem:s5+$0x288] =	vst v1  }
0x116: {  	v1 =	vld [tilespmem:s28+$0x10];
	_ =	sdelay $0x4  }
0x117: {  	v1 =	vmax.f32 v1, v2  }
0x118: {  	v2 =	vld [tilespmem:s5+$0x2A8];
	[tilespmem:s5+$0x298] =	vst v1  }
0x119: {  	v1 =	vld [tilespmem:s28+$0x20];
	_ =	sdelay $0x4  }
0x11a: {  	v1 =	vmax.f32 v1, v2  }
0x11b: {  	v2 =	vld [tilespmem:s5+$0x2B8];
	[tilespmem:s5+$0x2A8] =	vst v1  }
0x11c: {  	v1 =	vld [tilespmem:s28+$0x30];
	_ =	sdelay $0x4  }
0x11d: {  	v1 =	vmax.f32 v1, v2  }
0x11e: {  	v2 =	vld [tilespmem:s5+$0x2C8];
	[tilespmem:s5+$0x2B8] =	vst v1  }
0x11f: {  	v1 =	vld [tilespmem:s28+$0x40];
	_ =	sdelay $0x4  }
0x120: {  	v1 =	vmax.f32 v1, v2  }
0x121: {  	v2 =	vld [tilespmem:s5+$0x2D8];
	[tilespmem:s5+$0x2C8] =	vst v1  }
0x122: {  	v1 =	vld [tilespmem:s28+$0x50];
	_ =	sdelay $0x4  }
0x123: {  	v1 =	vmax.f32 v1, v2  }
0x124: {  	v2 =	vld [tilespmem:s5+$0x2E8];
	[tilespmem:s5+$0x2D8] =	vst v1  }
0x125: {  	v1 =	vld [tilespmem:s28+$0x60];
	_ =	sdelay $0x4  }
0x126: {  	v1 =	vmax.f32 v1, v2  }
0x127: {  	v2 =	vld [tilespmem:s5+$0x2F8];
	[tilespmem:s5+$0x2E8] =	vst v1  }
0x128: {  	v1 =	vld [tilespmem:s28+$0x70];
	_ =	sdelay $0x4  }
0x129: {  	v1 =	vmax.f32 v1, v2  }
0x12a: {  	[tilespmem:s5+$0x2F8] =	vst v1  }
.LBB2_23:
0x12b: {  	s29 =	sadd.s32 $0x1, s29  }
0x12c: {  	p2 =	seq.s32 s29, $0x0  }
.Ltmp17:
0x12d: {  	_ = 	snop;
	(pc) =	sbr.rel @p2 .LBB2_24-.Ltmp17, $2  }
0x12e: {  	_ =	sdelay $0x2  }
0x12f: {  	s25 =	sadd.s32 $0x1, s25;
	s28 =	sadd.s32 $0x100, s28;
	s31 =	smov.u32 s4  }
.LBB2_18:
0x130: {  	v1 =	vld.msk [tilespmem:s25+$0x0], $0x1;
	_ =	sdelay $0x4  }
0x131: {  	(v2sf) =	vpush v1, $0x0;
	_ =	sdelay $0xe  }
0x132: {  	s4 =	spop (v2sf)  }
0x133: {  	p2 =	sne.s32 s31, s4  }
.Ltmp18:
0x134: {  	_ = 	snop;
	(pc) =	sbr.rel @!p2 .LBB2_19-.Ltmp18, $3  }
0x135: {  	_ =	sdelay $0x1  }
0x136: {  	s2 =	sshll.u32 s24, $0xA  }
0x137: {  	s5 =	sshra.s32 s2, $0x2  }
0x138: {  	p2 =	seq.s32 s31, s26  }
.Ltmp19:
0x139: {  	_ = 	snop;
	(pc) =	sbr.rel @!p2 .LBB2_21-.Ltmp19, $1  }
0x13a: {  	_ =	sdelay $0x3  }
.Ltmp20:
0x13b: {  	s2 =	sadd.s32 $0x208, s5;
	(pc) =	sbr.rel .LBB2_22-.Ltmp20, $4  }
0x13c: {  	[spmem:s16] =	stream.linear.scatter [tilespmem:s2], [sflag:$0x1], $0x100, $0x38;
	[tilespmem:$0x1E678] =	vst v63  }
0x13d: {  	_ =	swait.ge [sflag:s12], $0x100  }
0x13e: {  	[sflag:s12] =	ssyncset.done $0x0  }
0x13f: {  	[sflag:s12] =	ssyncadd.s32 $0xFFFFFF00  }
.LBB2_21:
0x140: {  	s2 =	sshll.u32 s30, $0xA  }
0x141: {  	v2 =	vld [tilespmem:s5+$0x208];
	s2 =	sshra.s32 s2, $0x2  }
0x142: {  	v1 =	vld [tilespmem:s2+$0x7308];
	_ =	sdelay $0x4  }
0x143: {  	v1 =	vmax.f32 v1, v2  }
0x144: {  	v2 =	vld [tilespmem:s5+$0x218];
	[tilespmem:s5+$0x208] =	vst v1  }
0x145: {  	v1 =	vld [tilespmem:s2+$0x7318];
	_ =	sdelay $0x4  }
0x146: {  	v1 =	vmax.f32 v1, v2  }
0x147: {  	v2 =	vld [tilespmem:s5+$0x228];
	[tilespmem:s5+$0x218] =	vst v1  }
0x148: {  	v1 =	vld [tilespmem:s2+$0x7328];
	_ =	sdelay $0x4  }
0x149: {  	v1 =	vmax.f32 v1, v2  }
0x14a: {  	v2 =	vld [tilespmem:s5+$0x238];
	[tilespmem:s5+$0x228] =	vst v1  }
0x14b: {  	v1 =	vld [tilespmem:s2+$0x7338];
	_ =	sdelay $0x4  }
0x14c: {  	v1 =	vmax.f32 v1, v2  }
0x14d: {  	v2 =	vld [tilespmem:s5+$0x248];
	[tilespmem:s5+$0x238] =	vst v1  }
0x14e: {  	v1 =	vld [tilespmem:s2+$0x7348];
	_ =	sdelay $0x4  }
0x14f: {  	v1 =	vmax.f32 v1, v2  }
0x150: {  	v2 =	vld [tilespmem:s5+$0x258];
	[tilespmem:s5+$0x248] =	vst v1  }
0x151: {  	v1 =	vld [tilespmem:s2+$0x7358];
	_ =	sdelay $0x4  }
0x152: {  	v1 =	vmax.f32 v1, v2  }
0x153: {  	v2 =	vld [tilespmem:s5+$0x268];
	[tilespmem:s5+$0x258] =	vst v1  }
0x154: {  	v1 =	vld [tilespmem:s2+$0x7368];
	_ =	sdelay $0x4  }
0x155: {  	v1 =	vmax.f32 v1, v2  }
0x156: {  	v2 =	vld [tilespmem:s5+$0x278];
	[tilespmem:s5+$0x268] =	vst v1  }
0x157: {  	v1 =	vld [tilespmem:s2+$0x7378];
	_ =	sdelay $0x4  }
0x158: {  	v1 =	vmax.f32 v1, v2  }
0x159: {  	v2 =	vld [tilespmem:s5+$0x288];
	[tilespmem:s5+$0x278] =	vst v1  }
0x15a: {  	v1 =	vld [tilespmem:s2+$0x7388];
	_ =	sdelay $0x4  }
0x15b: {  	v1 =	vmax.f32 v1, v2  }
0x15c: {  	v2 =	vld [tilespmem:s5+$0x298];
	[tilespmem:s5+$0x288] =	vst v1  }
0x15d: {  	v1 =	vld [tilespmem:s2+$0x7398];
	_ =	sdelay $0x4  }
0x15e: {  	v1 =	vmax.f32 v1, v2  }
0x15f: {  	v2 =	vld [tilespmem:s5+$0x2A8];
	[tilespmem:s5+$0x298] =	vst v1  }
0x160: {  	v1 =	vld [tilespmem:s2+$0x73A8];
	_ =	sdelay $0x4  }
0x161: {  	v1 =	vmax.f32 v1, v2  }
0x162: {  	v2 =	vld [tilespmem:s5+$0x2B8];
	[tilespmem:s5+$0x2A8] =	vst v1  }
0x163: {  	v1 =	vld [tilespmem:s2+$0x73B8];
	_ =	sdelay $0x4  }
0x164: {  	v1 =	vmax.f32 v1, v2  }
0x165: {  	v2 =	vld [tilespmem:s5+$0x2C8];
	[tilespmem:s5+$0x2B8] =	vst v1  }
0x166: {  	v1 =	vld [tilespmem:s2+$0x73C8];
	_ =	sdelay $0x4  }
0x167: {  	v1 =	vmax.f32 v1, v2  }
0x168: {  	v2 =	vld [tilespmem:s5+$0x2D8];
	[tilespmem:s5+$0x2C8] =	vst v1  }
0x169: {  	v1 =	vld [tilespmem:s2+$0x73D8];
	_ =	sdelay $0x4  }
0x16a: {  	v1 =	vmax.f32 v1, v2  }
0x16b: {  	v2 =	vld [tilespmem:s5+$0x2E8];
	[tilespmem:s5+$0x2D8] =	vst v1  }
0x16c: {  	v1 =	vld [tilespmem:s2+$0x73E8];
	_ =	sdelay $0x4  }
0x16d: {  	v1 =	vmax.f32 v1, v2  }
0x16e: {  	v2 =	vld [tilespmem:s5+$0x2F8];
	[tilespmem:s5+$0x2E8] =	vst v1  }
0x16f: {  	v1 =	vld [tilespmem:s2+$0x73F8];
	_ =	sdelay $0x3  }
0x170: {  	p2 =	sgt.u32 s31, $0x4E170  }
0x171: {  	s2 =	sand.u32 @!p2 $0x7FFF8, s31;
	v1 =	vmax.f32 v1, v2  }
0x172: {  	s3 =	sadd.s32 $0x208, s5;
	s9 =	sand.u32 @!p2 $0x7, s31;
	s2 =	sadd.s32 @!p2 s1, s2;
	[tilespmem:s5+$0x2F8] =	vst v1  }
0x173: {  	[hbm4b:s2+s9] =	stream.linear.scatter @!p2 [tilespmem:s3], [sflag:$0xC], $0x80, $0x38;
	[tilespmem:$0x1E678] =	vst v63  }
0x174: {  	s2 =	sadd.s32 @!p2 $0x80, s31  }
0x175: {  	s2 =	sand.u32 @!p2 $0xFFFF8, s2  }
0x176: {  	s3 =	sadd.s32 $0x288, s5;
	s2 =	sadd.s32 @!p2 s1, s2  }
0x177: {  	[hbm4b:s2+s9] =	stream.linear.scatter @!p2 [tilespmem:s3], [sflag:$0xC], $0x80, $0x38;
	[tilespmem:$0x1E678] =	vst v63  }
0x178: {  	s2 =	simm.s32 $0x0  }
0x179: {  	s2 =	simm.s32 @!p2 $0x400  }
0x17a: {  	s0 =	sadd.s32 s2, s0  }
.LBB2_22:
0x17b: {  	s2 =	sadd.s32 $0x1, s24  }
0x17c: {  	s3 =	sshrl.u32 s2, $0x4  }
0x17d: {  	s3 =	smulhi.u32 $0x24924925, s3  }
0x17e: {  	v1 =	vld [tilespmem:s28+$0xFFFFFF80]  }
0x17f: {  	s3 =	smul.u32 $0x70, s3;
	_ =	sdelay $0x1  }
0x180: {  	s24 =	ssub.s32 s2, s3  }
0x181: {  	s2 =	sshll.u32 s24, $0x8  }
0x182: {  	[tilespmem:s2+$0x208] =	vst v1  }
0x183: {  	v1 =	vld [tilespmem:s28+$0xFFFFFF90];
	_ =	sdelay $0x4  }
0x184: {  	[tilespmem:s2+$0x218] =	vst v1  }
0x185: {  	v1 =	vld [tilespmem:s28+$0xFFFFFFA0];
	_ =	sdelay $0x4  }
0x186: {  	[tilespmem:s2+$0x228] =	vst v1  }
0x187: {  	v1 =	vld [tilespmem:s28+$0xFFFFFFB0];
	_ =	sdelay $0x4  }
0x188: {  	[tilespmem:s2+$0x238] =	vst v1  }
0x189: {  	v1 =	vld [tilespmem:s28+$0xFFFFFFC0];
	_ =	sdelay $0x4  }
0x18a: {  	[tilespmem:s2+$0x248] =	vst v1  }
0x18b: {  	v1 =	vld [tilespmem:s28+$0xFFFFFFD0];
	_ =	sdelay $0x4  }
0x18c: {  	[tilespmem:s2+$0x258] =	vst v1  }
0x18d: {  	v1 =	vld [tilespmem:s28+$0xFFFFFFE0];
	_ =	sdelay $0x4  }
0x18e: {  	[tilespmem:s2+$0x268] =	vst v1  }
0x18f: {  	v1 =	vld [tilespmem:s28+$0xFFFFFFF0];
	_ =	sdelay $0x4  }
0x190: {  	[tilespmem:s2+$0x278] =	vst v1  }
0x191: {  	v1 =	vld [tilespmem:s28+$0x0];
	_ =	sdelay $0x4  }
0x192: {  	[tilespmem:s2+$0x288] =	vst v1  }
0x193: {  	v1 =	vld [tilespmem:s28+$0x10];
	_ =	sdelay $0x4  }
0x194: {  	[tilespmem:s2+$0x298] =	vst v1  }
0x195: {  	v1 =	vld [tilespmem:s28+$0x20];
	_ =	sdelay $0x4  }
0x196: {  	[tilespmem:s2+$0x2A8] =	vst v1  }
0x197: {  	v1 =	vld [tilespmem:s28+$0x30];
	_ =	sdelay $0x4  }
0x198: {  	[tilespmem:s2+$0x2B8] =	vst v1  }
0x199: {  	v1 =	vld [tilespmem:s28+$0x40];
	_ =	sdelay $0x4  }
0x19a: {  	[tilespmem:s2+$0x2C8] =	vst v1  }
0x19b: {  	v1 =	vld [tilespmem:s28+$0x50];
	_ =	sdelay $0x4  }
0x19c: {  	[tilespmem:s2+$0x2D8] =	vst v1  }
0x19d: {  	v1 =	vld [tilespmem:s28+$0x60];
	_ =	sdelay $0x4  }
0x19e: {  	[tilespmem:s2+$0x2E8] =	vst v1  }
0x19f: {  	v1 =	vld [tilespmem:s28+$0x70]  }
.Ltmp21:
0x1a0: {  	_ = 	snop;
	(pc) =	sbr.rel .LBB2_23-.Ltmp21, $2  }
0x1a1: {  	_ =	sdelay $0x2  }
0x1a2: {  	s30 =	sadd.s32 $0x1, s30;
	[tilespmem:s2+$0x2F8] =	vst v1  }
.LBB2_25:
.Ltmp22:
0x1a3: {  	(pc) =	sbr.rel .LBB2_26-.Ltmp22, $4  }
0x1a4: {  	_ = 	snop  }
0x1a5: {  	s0 =	simm.s32 $0x2  }
0x1a6: {  	_ =	swait.ge [sflag:s0], $0x0  }
0x1a7: {  	s4 =	smov.u32 s31;
	[sflag:s0] =	ssyncset.done $0x0;
	s0 =	simm.s32 $0x0  }
.LBB2_28:
0x1a8: {  	_ =	sfence.sel $0x180000  }
0x1a9: {  	s0 =	simm.s32 $0x9;
	[bflag:$0x0] =	sbarrier.arrive $0xFFFF  }
0x1aa: {  	s24 =	simm.s32 $0xA;
	[sflag:s0] =	ssyncpa.u1 $0x1  }
0x1ab: {  	s25 =	simm.s32 $0xB;
	[sflag:s24] =	ssyncpa.u1 $0x1  }
0x1ac: {  	s26 =	simm.s32 $0x2;
	[sflag:s25] =	ssyncpa.u1 $0x1  }
0x1ad: {  	[sflag:s26] =	ssyncpa.u1 $0x1  }
0x1ae: {  	v0 =	vld [tilespmem:$0xE408];
	_ =	sdelay $0x4  }
0x1af: {  	(v2sf) =	vpush v0, $0x0  }
0x1b0: {  	(v2sf) =	vpush v0, $0x1;
	_ =	sdelay $0x1  }
0x1b1: {  	(v2sf) =	vpush v0, $0x2;
	_ =	sdelay $0xb  }
0x1b2: {  	s0 =	spop (v2sf)  }
0x1b3: {  	s2 =	spop (v2sf)  }
0x1b4: {  	s3 =	smov.u32 s0;
	p0 =	sne.s32 s0, s2  }
0x1b5: {  	s4 =	spop (v2sf);
	s3 =	simm.s32 @!p0 $0xFFFFFFFF  }
0x1b6: {  	v2 =	vimm.s32 $0x1;
	v3 =	vlaneseq.u32;
	p0 =	seq.s32 s4, $0xFFFFFFFF;
	v1 =	vmov s3  }
0x1b7: {  	s15 =	stileid.u32;
	v0 =	vperm.xlane v0, v2;
	p1 =	sne.s32 @!p0 s0, s2;
	v1 =	vperm.xlane v1, v3  }
0x1b8: {  	vm0 =	vcmask $0x3F04;
	s6 =	simm.s32 $0xE408;
	s0 =	simm.s32 @!p0 $0x1;
	p1 =	por !p1, p0  }
0x1b9: {  	s3 =	sshll.u32 s15, $0x1;
	s2 =	sshll.u32 @!p0 s4, $0xA;
	s0 =	simm.s32 @p1 $0x0;
	v0 =	vsel vm0, v1, v0  }
0x1ba: {  	s5 =	sor.u32 $0x2000, s3;
	s2 =	sshra.s32 @!p0 s2, $0x2;
	s0 =	sor.u32 @!p0 s0, s3;
	[tilespmem:$0xE408] =	vst v0  }
0x1bb: {  	[spmem:s5] =	stream.linear.scatter [tilespmem:s6], [sflag:$0x1], $0x2, $0x38;
	[tilespmem:$0x1E678] =	vst v63  }
0x1bc: {  	s2 =	sadd.s32 @!p0 $0x208, s2;
	s0 =	sshll.u32 @!p0 s0, $0x8  }
0x1bd: {  	[spmem:s0] =	stream.linear.scatter @!p0 [tilespmem:s2], [sflag:$0x1], $0x100, $0x38;
	[tilespmem:$0x1E678] =	vst v63  }
0x1be: {  	s0 =	simm.s32 @!p0 $0x102  }
0x1bf: {  	s28 =	simm.s32 $0x1;
	s0 =	simm.s32 @p0 $0x2  }
0x1c0: {  	_ =	swait.ge [sflag:s28], s0  }
0x1c1: {  	s0 =	ssub.s32 $0x0, s0;
	[sflag:s28] =	ssyncset.done $0x0  }
0x1c2: {  	p0 =	sne.s32 s15, $0x0;
	[sflag:s28] =	ssyncadd.s32 s0  }
.Ltmp23:
0x1c3: {  	_ =	sfence.stream.spmem;
	(pc) =	sbr.rel @p0 .LBB2_48-.Ltmp23, $4  }
0x1c4: {  	s29 =	simm.s32 $0x3;
	[bflag:$0x0] =	sbarrier.arrive $0xFFFF  }
0x1c5: {  	s30 =	simm.s32 $0x4;
	[sflag:s29] =	ssyncpa.u1 $0x1  }
0x1c6: {  	s31 =	simm.s32 $0x3C;
	[sflag:s30] =	ssyncpa.u1 $0x1  }
0x1c7: {  	s14 =	rddreg [dreg:$0x4];
	[sflag:s31] =	ssyncpa.u1 $0x1  }
0x1c8: {  	_ =	sfence.stream.spmem;
	s0 =	simm.s32 $0x5  }
0x1c9: {  	s2 =	simm.s32 $0x2000;
	s3 =	simm.s32 $0xE418;
	[sflag:s0] =	ssyncpa.u1 $0x0  }
0x1ca: {  	[tilespmem:s3], [sflag:$0x5] =	stream.linear.gather [spmem:s2], $0x20, $0x38;
	[tilespmem:$0x1E678] =	vst v63  }
0x1cb: {  	s26 =	simm.s32 $0x0;
	s28 =	simm.s32 $0xE438  }
0x1cc: {  	[tilespmem:s28], [sflag:$0x5] =	stream.linear.gather [spmem:s26], $0x2000, $0x38;
	[tilespmem:$0x1E678] =	vst v63  }
0x1cd: {  	_ =	swait.ge [sflag:s0], $0x2020  }
0x1ce: {  	[sflag:s0] =	ssyncset.done $0x0  }
0x1cf: {  	s29 =	simm.s32 $0x0;
	[sflag:s0] =	ssyncadd.s32 $0xFFFFDFE0  }
0x1d0: {  	v0 =	vld.msk [tilespmem:s29+$0xE418], $0x1;
	_ =	sdelay $0x1  }
0x1d1: {  	s30 =	simm.s32 $0x1  }
0x1d2: {  	v1 =	vld.msk [tilespmem:s30+$0xE418], $0x1;
	_ =	sdelay $0x1  }
0x1d3: {  	(v2sf) =	vpush v0, $0x0;
	_ =	sdelay $0x2  }
0x1d4: {  	(v2sf) =	vpush v1, $0x0;
	_ =	sdelay $0x2  }
0x1d5: {  	s31 =	simm.s32 $0x2  }
0x1d6: {  	v0 =	vld.msk [tilespmem:s31+$0xE418], $0x1;
	_ =	sdelay $0x2  }
0x1d7: {  	s2 =	simm.s32 $0xFFFFFFFF;
	s3 =	simm.s32 $0xFFFFFFFF;
	s0 =	simm.s32 $0xC  }
.LBB2_30:
0x1d8: {  	s4 =	smov.u32 s3;
	s5 =	smov.u32 s2  }
0x1d9: {  	s2 =	sshra.s32 s0, $0x2;
	p1 =	sne.s32 s0, $0x7C;
	s0 =	sadd.s32 $0x4, s0;
	(v2sf) =	vpush v0, $0x0  }
0x1da: {  	v0 =	vld.msk [tilespmem:s2+$0xE418], $0x1  }
.Ltmp24:
0x1db: {  	(pc) =	sbr.rel @p1 .LBB2_30-.Ltmp24, $4  }
0x1dc: {  	s3 =	spop (v2sf)  }
0x1dd: {  	p2 =	sne.s32 s5, $0xFFFFFFFF;
	s2 =	smov.u32 s3  }
0x1de: {  	p3 =	seq.s32 s3, $0xFFFFFFFF;
	s2 =	smov.u32 @p2 s5  }
0x1df: {  	s3 =	smov.u32 @p3 s4;
	s2 =	smov.u32 @p3 s5  }
0x1e0: {  	(v2sf) =	vpush v0, $0x0;
	_ =	sdelay $0x8  }
0x1e1: {  	s0 =	spop (v2sf)  }
0x1e2: {  	p1 =	sne.s32 s2, $0xFFFFFFFF;
	s9 =	simm.s32 $0x6;
	s4 =	smov.u32 s0  }
0x1e3: {  	s6 =	simm.s32 $0x0;
	p2 =	seq.s32 s0, $0xFFFFFFFF;
	s4 =	smov.u32 @p1 s2  }
0x1e4: {  	s10 =	simm.s32 $0xE308;
	s4 =	smov.u32 @p2 s2;
	s2 =	spop (v2sf)  }
0x1e5: {  	s0 =	smov.u32 @p2 s3;
	p1 =	sne.s32 s4, $0xFFFFFFFF;
	s5 =	smov.u32 s2  }
.Ltmp25:
0x1e6: {  	p2 =	seq.s32 s2, $0xFFFFFFFF;
	s5 =	smov.u32 @p1 s4;
	(pc) =	sbr.rel .LBB2_32-.Ltmp25, $4  }
0x1e7: {  	s11 =	simm.s32 $0xE388;
	s5 =	smov.u32 @p2 s4;
	s7 =	spop (v2sf)  }
0x1e8: {  	s12 =	simm.s32 $0x0;
	p1 =	sne.s32 s5, $0xFFFFFFFF;
	s8 =	smov.u32 s7  }
0x1e9: {  	s2 =	smov.u32 @p2 s0;
	p2 =	seq.s32 s7, $0xFFFFFFFF;
	s8 =	smov.u32 @p1 s5  }
0x1ea: {  	[sflag:s9] =	ssyncpa.u1 $0x0;
	s7 =	smov.u32 @p2 s2;
	s8 =	smov.u32 @p2 s5  }
.LBB2_37:
0x1eb: {  	s0 =	sshll.u32 s12, $0x8  }
0x1ec: {  	s31 =	sshll.u32 s5, $0xA;
	s4 =	sand.u32 $0x3FFFFF00, s0  }
0x1ed: {  	s0 =	sshra.s32 s31, $0x2;
	v0 =	vld [tilespmem:s4+$0xE438]  }
0x1ee: {  	v1 =	vld [tilespmem:s0+$0xE438];
	_ =	sdelay $0x4  }
0x1ef: {  	v0 =	vmax.f32 v0, v1  }
0x1f0: {  	v49 =	vld [tilespmem:s0+$0xE448];
	[tilespmem:s0+$0xE438] =	vst v0  }
0x1f1: {  	v0 =	vld [tilespmem:s4+$0xE448];
	_ =	sdelay $0x4  }
0x1f2: {  	v0 =	vmax.f32 v0, v49  }
0x1f3: {  	v50 =	vld [tilespmem:s0+$0xE458];
	[tilespmem:s0+$0xE448] =	vst v0  }
0x1f4: {  	v0 =	vld [tilespmem:s4+$0xE458];
	_ =	sdelay $0x4  }
0x1f5: {  	v0 =	vmax.f32 v0, v50  }
0x1f6: {  	v51 =	vld [tilespmem:s0+$0xE468];
	[tilespmem:s0+$0xE458] =	vst v0  }
0x1f7: {  	v0 =	vld [tilespmem:s4+$0xE468];
	_ =	sdelay $0x4  }
0x1f8: {  	v0 =	vmax.f32 v0, v51  }
0x1f9: {  	v52 =	vld [tilespmem:s0+$0xE478];
	[tilespmem:s0+$0xE468] =	vst v0  }
0x1fa: {  	v0 =	vld [tilespmem:s4+$0xE478];
	_ =	sdelay $0x4  }
0x1fb: {  	v0 =	vmax.f32 v0, v52  }
0x1fc: {  	v53 =	vld [tilespmem:s0+$0xE488];
	[tilespmem:s0+$0xE478] =	vst v0  }
0x1fd: {  	v0 =	vld [tilespmem:s4+$0xE488];
	_ =	sdelay $0x4  }
0x1fe: {  	v0 =	vmax.f32 v0, v53  }
0x1ff: {  	v54 =	vld [tilespmem:s0+$0xE498];
	[tilespmem:s0+$0xE488] =	vst v0  }
0x200: {  	v0 =	vld [tilespmem:s4+$0xE498];
	_ =	sdelay $0x4  }
0x201: {  	v0 =	vmax.f32 v0, v54  }
0x202: {  	v55 =	vld [tilespmem:s0+$0xE4A8];
	[tilespmem:s0+$0xE498] =	vst v0  }
0x203: {  	v0 =	vld [tilespmem:s4+$0xE4A8];
	_ =	sdelay $0x4  }
0x204: {  	v0 =	vmax.f32 v0, v55  }
0x205: {  	v56 =	vld [tilespmem:s0+$0xE4B8];
	[tilespmem:s0+$0xE4A8] =	vst v0  }
0x206: {  	v0 =	vld [tilespmem:s4+$0xE4B8];
	_ =	sdelay $0x4  }
0x207: {  	v0 =	vmax.f32 v0, v56  }
0x208: {  	v57 =	vld [tilespmem:s0+$0xE4C8];
	[tilespmem:s0+$0xE4B8] =	vst v0  }
0x209: {  	v0 =	vld [tilespmem:s4+$0xE4C8];
	_ =	sdelay $0x4  }
0x20a: {  	v0 =	vmax.f32 v0, v57  }
0x20b: {  	v58 =	vld [tilespmem:s0+$0xE4D8];
	[tilespmem:s0+$0xE4C8] =	vst v0  }
0x20c: {  	v0 =	vld [tilespmem:s4+$0xE4D8];
	_ =	sdelay $0x4  }
0x20d: {  	v0 =	vmax.f32 v0, v58  }
0x20e: {  	v59 =	vld [tilespmem:s0+$0xE4E8];
	[tilespmem:s0+$0xE4D8] =	vst v0  }
0x20f: {  	v0 =	vld [tilespmem:s4+$0xE4E8];
	_ =	sdelay $0x4  }
0x210: {  	v0 =	vmax.f32 v0, v59  }
0x211: {  	v60 =	vld [tilespmem:s0+$0xE4F8];
	[tilespmem:s0+$0xE4E8] =	vst v0  }
0x212: {  	v0 =	vld [tilespmem:s4+$0xE4F8];
	_ =	sdelay $0x4  }
0x213: {  	v0 =	vmax.f32 v0, v60  }
0x214: {  	v61 =	vld [tilespmem:s0+$0xE508];
	[tilespmem:s0+$0xE4F8] =	vst v0  }
0x215: {  	v0 =	vld [tilespmem:s4+$0xE508];
	_ =	sdelay $0x4  }
0x216: {  	v0 =	vmax.f32 v0, v61  }
0x217: {  	v62 =	vld [tilespmem:s0+$0xE518];
	[tilespmem:s0+$0xE508] =	vst v0  }
0x218: {  	v0 =	vld [tilespmem:s4+$0xE518];
	_ =	sdelay $0x4  }
0x219: {  	v0 =	vmax.f32 v0, v62  }
0x21a: {  	v63 =	vld [tilespmem:s0+$0xE528];
	[tilespmem:s0+$0xE518] =	vst v0  }
0x21b: {  	v0 =	vld [tilespmem:s4+$0xE528];
	_ =	sdelay $0x4  }
0x21c: {  	v0 =	vmax.f32 v0, v63  }
0x21d: {  	[tilespmem:s0+$0xE528] =	vst v0  }
.LBB2_42:
0x21e: {  	s12 =	sadd.s32 $0x1, s12  }
0x21f: {  	p1 =	sne.s32 s12, $0x20  }
.Ltmp26:
0x220: {  	_ = 	snop;
	(pc) =	sbr.rel @!p1 .LBB2_43-.Ltmp26, $1  }
0x221: {  	_ =	sdelay $0x3  }
.LBB2_32:
0x222: {  	v0 =	vld.msk [tilespmem:s12+$0xE418], $0x1;
	_ =	sdelay $0x4  }
0x223: {  	(v2sf) =	vpush v0, $0x0;
	_ =	sdelay $0xe  }
0x224: {  	s0 =	spop (v2sf)  }
0x225: {  	p1 =	seq.s32 s0, $0xFFFFFFFF  }
.Ltmp27:
0x226: {  	_ = 	snop;
	(pc) =	sbr.rel @p1 .LBB2_42-.Ltmp27, $1  }
0x227: {  	_ =	sdelay $0x3  }
0x228: {  	p1 =	slt.s32 s6, $0x1  }
.Ltmp28:
0x229: {  	_ = 	snop;
	(pc) =	sbr.rel @p1 .LBB2_38-.Ltmp28, $1  }
0x22a: {  	_ =	sdelay $0x3  }
0x22b: {  	s4 =	simm.s32 $0xE418;
	p1 =	por $0x0, $0x0  }
0x22c: {  	v1 =	vld.msk @!p1 [tilespmem:s4+$0x0], $0x1;
	_ =	sdelay $0x4  }
0x22d: {  	(v2sf) =	vpush @!p1 v1, $0x0;
	_ =	sdelay $0xd  }
0x22e: {  	p3 =	sne.s32 s6, $0x1  }
.Ltmp29:
0x22f: {  	s2 =	spop @!p1 (v2sf);
	(pc) =	sbr.rel @!p3 .LBB2_36-.Ltmp29, $4  }
0x230: {  	p2 =	seq.s32 @!p1 s0, s2  }
0x231: {  	s5 =	simm.s32 $0x0;
	p2 =	por !p2, p1  }
0x232: {  	s2 =	simm.s32 $0xFFFFFFFF;
	s5 =	simm.s32 @p2 $0xFFFFFFFF  }
0x233: {  	s13 =	simm.s32 $0x1;
	s5 =	smov.u32 @p1 s2  }
.LBB2_35:
0x234: {  	s2 =	smov.u32 s5;
	p1 =	sne.s32 s5, $0xFFFFFFFF  }
0x235: {  	s4 =	sadd.s32 $0x1, s4;
	s5 =	smov.u32 s13;
	s13 =	sadd.s32 $0x1, s13  }
0x236: {  	p2 =	sne.s32 s6, s13;
	v1 =	vld.msk @!p1 [tilespmem:s4+$0x0], $0x1;
	_ =	sdelay $0x4  }
0x237: {  	(v2sf) =	vpush @!p1 v1, $0x0;
	_ =	sdelay $0xe  }
.Ltmp30:
0x238: {  	s3 =	spop @!p1 (v2sf);
	(pc) =	sbr.rel @p2 .LBB2_35-.Ltmp30, $4  }
0x239: {  	p3 =	seq.s32 @!p1 s0, s3  }
0x23a: {  	p3 =	por !p3, p1  }
0x23b: {  	s5 =	simm.s32 @p3 $0xFFFFFFFF  }
0x23c: {  	s5 =	smov.u32 @p1 s2  }
.LBB2_36:
0x23d: {  	p1 =	seq.s32 s5, $0xFFFFFFFF  }
.Ltmp31:
0x23e: {  	_ = 	snop;
	(pc) =	sbr.rel @!p1 .LBB2_37-.Ltmp31, $1  }
0x23f: {  	_ =	sdelay $0x3  }
.LBB2_38:
0x240: {  	p1 =	sgt.u32 s0, $0x4E170  }
0x241: {  	p2 =	seq.s32 @!p1 s0, s8  }
0x242: {  	p1 =	por p1, p2  }
0x243: {  	p2 =	sne.s32 @!p1 s0, s7  }
0x244: {  	p1 =	por p1, !p2  }
.Ltmp32:
0x245: {  	_ = 	snop;
	(pc) =	sbr.rel @p1 .LBB2_39-.Ltmp32, $1  }
0x246: {  	_ =	sdelay $0x3  }
0x247: {  	s2 =	sand.u32 $0x7FFF8, s0;
	s31 =	sadd.s32 $0x80, s0  }
0x248: {  	s3 =	sand.u32 $0x7, s0;
	s2 =	sadd.s32 s1, s2;
	s0 =	sand.u32 $0xFFFF8, s31  }
0x249: {  	[tilespmem:s10], [sflag:$0x6] =	stream.linear.gather [hbm4b:s2+s3], $0x80, $0x38;
	[tilespmem:$0x1E678] =	vst v63  }
0x24a: {  	s0 =	sadd.s32 s1, s0  }
0x24b: {  	[tilespmem:s11], [sflag:$0x6] =	stream.linear.gather [hbm4b:s0+s3], $0x80, $0x38;
	[tilespmem:$0x1E678] =	vst v63  }
0x24c: {  	_ =	swait.ge [sflag:s9], $0x100  }
0x24d: {  	[sflag:s9] =	ssyncset.done $0x0  }
0x24e: {  	s0 =	sshll.u32 s12, $0xA;
	[sflag:s9] =	ssyncadd.s32 $0xFFFFFF00  }
0x24f: {  	s4 =	sshrl.u32 s0, $0x2;
	v1 =	vld [tilespmem:$0xE308]  }
0x250: {  	v2 =	vld [tilespmem:s4+$0xE438];
	_ =	sdelay $0x4  }
0x251: {  	v1 =	vmax.f32 v1, v2  }
0x252: {  	v2 =	vld [tilespmem:s4+$0xE448];
	[tilespmem:s4+$0xE438] =	vst v1  }
0x253: {  	v1 =	vld [tilespmem:$0xE318];
	_ =	sdelay $0x4  }
0x254: {  	v1 =	vmax.f32 v1, v2  }
0x255: {  	v2 =	vld [tilespmem:s4+$0xE458];
	[tilespmem:s4+$0xE448] =	vst v1  }
0x256: {  	v1 =	vld [tilespmem:$0xE328];
	_ =	sdelay $0x4  }
0x257: {  	v1 =	vmax.f32 v1, v2  }
0x258: {  	v2 =	vld [tilespmem:s4+$0xE468];
	[tilespmem:s4+$0xE458] =	vst v1  }
0x259: {  	v1 =	vld [tilespmem:$0xE338];
	_ =	sdelay $0x4  }
0x25a: {  	v1 =	vmax.f32 v1, v2  }
0x25b: {  	v2 =	vld [tilespmem:s4+$0xE478];
	[tilespmem:s4+$0xE468] =	vst v1  }
0x25c: {  	v1 =	vld [tilespmem:$0xE348];
	_ =	sdelay $0x4  }
0x25d: {  	v1 =	vmax.f32 v1, v2  }
0x25e: {  	v2 =	vld [tilespmem:s4+$0xE488];
	[tilespmem:s4+$0xE478] =	vst v1  }
0x25f: {  	v1 =	vld [tilespmem:$0xE358];
	_ =	sdelay $0x4  }
0x260: {  	v1 =	vmax.f32 v1, v2  }
0x261: {  	v2 =	vld [tilespmem:s4+$0xE498];
	[tilespmem:s4+$0xE488] =	vst v1  }
0x262: {  	v1 =	vld [tilespmem:$0xE368];
	_ =	sdelay $0x4  }
0x263: {  	v1 =	vmax.f32 v1, v2  }
0x264: {  	v2 =	vld [tilespmem:s4+$0xE4A8];
	[tilespmem:s4+$0xE498] =	vst v1  }
0x265: {  	v1 =	vld [tilespmem:$0xE378];
	_ =	sdelay $0x4  }
0x266: {  	v1 =	vmax.f32 v1, v2  }
0x267: {  	v2 =	vld [tilespmem:s4+$0xE4B8];
	[tilespmem:s4+$0xE4A8] =	vst v1  }
0x268: {  	v1 =	vld [tilespmem:$0xE388];
	_ =	sdelay $0x4  }
0x269: {  	v1 =	vmax.f32 v1, v2  }
0x26a: {  	v2 =	vld [tilespmem:s4+$0xE4C8];
	[tilespmem:s4+$0xE4B8] =	vst v1  }
0x26b: {  	v1 =	vld [tilespmem:$0xE398];
	_ =	sdelay $0x4  }
0x26c: {  	v1 =	vmax.f32 v1, v2  }
0x26d: {  	v2 =	vld [tilespmem:s4+$0xE4D8];
	[tilespmem:s4+$0xE4C8] =	vst v1  }
0x26e: {  	v1 =	vld [tilespmem:$0xE3A8];
	_ =	sdelay $0x4  }
0x26f: {  	v1 =	vmax.f32 v1, v2  }
0x270: {  	v2 =	vld [tilespmem:s4+$0xE4E8];
	[tilespmem:s4+$0xE4D8] =	vst v1  }
0x271: {  	v1 =	vld [tilespmem:$0xE3B8];
	_ =	sdelay $0x4  }
0x272: {  	v1 =	vmax.f32 v1, v2  }
0x273: {  	v2 =	vld [tilespmem:s4+$0xE4F8];
	[tilespmem:s4+$0xE4E8] =	vst v1  }
0x274: {  	v1 =	vld [tilespmem:$0xE3C8];
	_ =	sdelay $0x4  }
0x275: {  	v1 =	vmax.f32 v1, v2  }
0x276: {  	v2 =	vld [tilespmem:s4+$0xE508];
	[tilespmem:s4+$0xE4F8] =	vst v1  }
0x277: {  	v1 =	vld [tilespmem:$0xE3D8];
	_ =	sdelay $0x4  }
0x278: {  	v1 =	vmax.f32 v1, v2  }
0x279: {  	v2 =	vld [tilespmem:s4+$0xE518];
	[tilespmem:s4+$0xE508] =	vst v1  }
0x27a: {  	v1 =	vld [tilespmem:$0xE3E8];
	_ =	sdelay $0x4  }
0x27b: {  	v1 =	vmax.f32 v1, v2  }
0x27c: {  	v2 =	vld [tilespmem:s4+$0xE528];
	[tilespmem:s4+$0xE518] =	vst v1  }
0x27d: {  	v1 =	vld [tilespmem:$0xE3F8];
	_ =	sdelay $0x4  }
0x27e: {  	v1 =	vmax.f32 v1, v2  }
0x27f: {  	[tilespmem:s4+$0xE528] =	vst v1  }
.LBB2_41:
0x280: {  	[tilespmem:s6+$0xE418] =	vst.msk $0x1, v0;
	s0 =	sshrl.u32 s0, $0x2  }
0x281: {  	v0 =	vld [tilespmem:s0+$0xE438];
	_ =	sdelay $0x2  }
0x282: {  	s2 =	sshll.u32 s6, $0xA  }
0x283: {  	s2 =	sshra.s32 s2, $0x2  }
0x284: {  	[tilespmem:s2+$0xE438] =	vst v0  }
0x285: {  	v0 =	vld [tilespmem:s0+$0xE448];
	_ =	sdelay $0x4  }
0x286: {  	[tilespmem:s2+$0xE448] =	vst v0  }
0x287: {  	v0 =	vld [tilespmem:s0+$0xE458];
	_ =	sdelay $0x4  }
0x288: {  	[tilespmem:s2+$0xE458] =	vst v0  }
0x289: {  	v0 =	vld [tilespmem:s0+$0xE468];
	_ =	sdelay $0x4  }
0x28a: {  	[tilespmem:s2+$0xE468] =	vst v0  }
0x28b: {  	v0 =	vld [tilespmem:s0+$0xE478];
	_ =	sdelay $0x4  }
0x28c: {  	[tilespmem:s2+$0xE478] =	vst v0  }
0x28d: {  	v0 =	vld [tilespmem:s0+$0xE488];
	_ =	sdelay $0x4  }
0x28e: {  	[tilespmem:s2+$0xE488] =	vst v0  }
0x28f: {  	v0 =	vld [tilespmem:s0+$0xE498];
	_ =	sdelay $0x4  }
0x290: {  	[tilespmem:s2+$0xE498] =	vst v0  }
0x291: {  	v0 =	vld [tilespmem:s0+$0xE4A8];
	_ =	sdelay $0x4  }
0x292: {  	[tilespmem:s2+$0xE4A8] =	vst v0  }
0x293: {  	v0 =	vld [tilespmem:s0+$0xE4B8];
	_ =	sdelay $0x4  }
0x294: {  	[tilespmem:s2+$0xE4B8] =	vst v0  }
0x295: {  	v0 =	vld [tilespmem:s0+$0xE4C8];
	_ =	sdelay $0x4  }
0x296: {  	[tilespmem:s2+$0xE4C8] =	vst v0  }
0x297: {  	v0 =	vld [tilespmem:s0+$0xE4D8];
	_ =	sdelay $0x4  }
0x298: {  	[tilespmem:s2+$0xE4D8] =	vst v0  }
0x299: {  	v0 =	vld [tilespmem:s0+$0xE4E8];
	_ =	sdelay $0x4  }
0x29a: {  	[tilespmem:s2+$0xE4E8] =	vst v0  }
0x29b: {  	v0 =	vld [tilespmem:s0+$0xE4F8];
	_ =	sdelay $0x4  }
0x29c: {  	[tilespmem:s2+$0xE4F8] =	vst v0  }
0x29d: {  	v0 =	vld [tilespmem:s0+$0xE508];
	_ =	sdelay $0x4  }
0x29e: {  	[tilespmem:s2+$0xE508] =	vst v0  }
0x29f: {  	v0 =	vld [tilespmem:s0+$0xE518];
	_ =	sdelay $0x4  }
0x2a0: {  	[tilespmem:s2+$0xE518] =	vst v0  }
0x2a1: {  	v0 =	vld [tilespmem:s0+$0xE528]  }
.Ltmp33:
0x2a2: {  	_ = 	snop;
	(pc) =	sbr.rel .LBB2_42-.Ltmp33, $2  }
0x2a3: {  	_ =	sdelay $0x2  }
0x2a4: {  	s6 =	sadd.s32 $0x1, s6;
	[tilespmem:s2+$0xE528] =	vst v0  }
.LBB2_39:
.Ltmp34:
0x2a5: {  	(pc) =	sbr.rel .LBB2_41-.Ltmp34, $2  }
0x2a6: {  	_ =	sdelay $0x2  }
0x2a7: {  	s0 =	sshll.u32 s12, $0xA  }
.LBB2_43:
0x2a8: {  	s0 =	simm.s32 $0x6;
	p1 =	seq.s32 s6, $0x0  }
0x2a9: {  	[sflag:s0] =	ssyncpa.u1 $0x1;
	v0 =	vimm.s32 @p1 $0xFFFFFFFF  }
0x2aa: {  	s0 =	sadd.s32 $0xFFFFFFFF, s6;
	[tilespmem:$0x10438] =	vst @p1 v0  }
0x2ab: {  	v0 =	vld.msk @!p1 [tilespmem:s0+$0xE418], $0x1;
	_ =	sdelay $0x1  }
0x2ac: {  	v1 =	vld.msk @!p1 [tilespmem:$0xE418], $0x1;
	_ =	sdelay $0x2  }
0x2ad: {  	p2 =	seq.s32 @!p1 s0, $0x0;
	v0 =	vbroadcast @!p1 v0, $0x0  }
0x2ae: {  	vm0 =	vmmov @!p1 $0x1;
	p2 =	por !p2, p1  }
0x2af: {  	v1 =	vnsel @!p1 vm0, $0xFFFFFFFF, v1;
	vm0 =	vcmask @!p1 $0x308;
	v0 =	vpsel !p2, $0xFFFFFFFF, v0  }
0x2b0: {  	p2 =	sne.s32 @!p1 s8, s7;
	v0 =	vsel @!p1 vm0, v1, v0  }
0x2b1: {  	s2 =	simm.s32 @!p1 $0xE438;
	s3 =	simm.s32 @!p1 $0x0;
	p3 =	por !p2, p1;
	[tilespmem:$0x10438] =	vst @!p1 v0  }
0x2b2: {  	[spmem:s3] =	stream.linear.scatter @!p1 [tilespmem:s2], [sflag:$0x1], $0x100, $0x38;
	[tilespmem:$0x1E678] =	vst v63  }
0x2b3: {  	s2 =	sshll.u32 @!p3 s0, $0xA  }
0x2b4: {  	s2 =	sshra.s32 @!p3 s2, $0x2  }
0x2b5: {  	s3 =	simm.s32 @!p3 $0x100;
	s2 =	sadd.s32 @!p3 $0xE438, s2  }
0x2b6: {  	[spmem:s3] =	stream.linear.scatter @!p3 [tilespmem:s2], [sflag:$0x1], $0x100, $0x38;
	[tilespmem:$0x1E678] =	vst v63  }
0x2b7: {  	s2 =	simm.s32 @!p3 $0x1  }
0x2b8: {  	_ =	swait.ge @!p3 [sflag:s2], $0x200  }
0x2b9: {  	p1 =	por p2, p1;
	[sflag:s2] =	ssyncset.done @!p3 $0x0  }
0x2ba: {  	[sflag:s2] =	ssyncadd.s32 @!p3 $0xFFFFFE00;
	s2 =	simm.s32 @!p1 $0x1  }
0x2bb: {  	_ =	swait.ge @!p1 [sflag:s2], $0x100  }
0x2bc: {  	s29 =	simm.s32 $0x10438;
	[sflag:s2] =	ssyncset.done @!p1 $0x0  }
0x2bd: {  	s30 =	simm.s32 $0x2000;
	s31 =	simm.s32 $0x1;
	[sflag:s2] =	ssyncadd.s32 @!p1 $0xFFFFFF00  }
0x2be: {  	[spmem:s30] =	stream.linear.scatter [tilespmem:s29], [sflag:$0x1], $0x10, $0x38;
	[tilespmem:$0x1E678] =	vst v63  }
0x2bf: {  	_ =	swait.ge [sflag:s31], $0x10  }
0x2c0: {  	[sflag:s31] =	ssyncset.done $0x0  }
0x2c1: {  	p1 =	seq.s32 s14, $0x0;
	s9 =	rddreg [dreg:$0x1];
	[sflag:s31] =	ssyncadd.s32 $0xFFFFFFF0  }
0x2c2: {  	s3 =	sshll.u32 @p1 s9, $0xE;
	s8 =	rddreg [dreg:$0x2]  }
0x2c3: {  	s2 =	sadd.s32 @p1 $0x15C3C, s3;
	s3 =	sshll.u32 @p1 s8, $0x11  }
0x2c4: {  	_ =	sfence.stream.spmem;
	s2 =	sor.u32 @p1 s3, s2  }
0x2c5: {  	[sflag:s2] =	ssyncadd.remote.s32 @p1 $0x1;
	s2 =	simm.s32 @p1 $0x4  }
0x2c6: {  	s4 =	simm.s32 @!p1 $0x3C;
	s3 =	sand.u32 $0xFFFFFFFE, s9;
	_ =	swait.ge @p1 [sflag:s2], $0x42  }
0x2c7: {  	s5 =	simm.s32 @!p1 $0x0;
	s3 =	sadd.s32 @!p1 $0x4, s3;
	[sflag:s2] =	ssyncset.done @p1 $0x0  }
0x2c8: {  	s7 =	simm.s32 @!p1 $0x200;
	[sflag:s2] =	ssyncadd.s32 @p1 $0xFFFFFFBE;
	s2 =	sshll.u32 @!p1 s3, $0x1A  }
0x2c9: {  	s3 =	sshll.u32 @!p1 s3, $0xD;
	s2 =	sor.u32 @!p1 s2, s8;
	_ =	swait.eq @!p1 [sflag:s4], $0x1  }
0x2ca: {  	s3 =	sor.u32 @!p1 $0x1C04, s3;
	s4 =	simm.s32 @!p1 $0x1C03;
	s2 =	sor.u32 @!p1 $0x80004000, s2  }
0x2cb: {  	[spmem:s7], [sflag:s3] =	dma.general @!p1 [spmem:s5], [sflag:s4], length:$0x40, [dreg:$0x0], stride_count:$0x0, ici_dest:s2, dma_misc:DstOpCode:WRITE  }
0x2cc: {  	p2 =	slt.s32 s0, $0x2;
	s5 =	simm.s32 @!p1 $0x400;
	s7 =	simm.s32 @!p1 $0x402  }
0x2cd: {  	[spmem:s7], [sflag:s3] =	dma.general @!p1 [spmem:s5], [sflag:s4], length:$0x2, [dreg:$0x0], stride_count:$0x0, ici_dest:s2, dma_misc:DstOpCode:WRITE  }
.Ltmp35:
0x2ce: {  	s2 =	simm.s32 @!p1 $0x3;
	(pc) =	sbr.rel @p2 .LBB2_47-.Ltmp35, $4  }
0x2cf: {  	s3 =	sshll.u32 @!p1 s9, $0xE;
	_ =	swait.ge @!p1 [sflag:s2], $0x42  }
0x2d0: {  	s4 =	sshll.u32 @!p1 s8, $0x11;
	s3 =	sadd.s32 @!p1 $0x11C3C, s3;
	[sflag:s2] =	ssyncset.done @!p1 $0x0  }
0x2d1: {  	[sflag:s2] =	ssyncadd.s32 @!p1 $0xFFFFFFBE;
	s2 =	sor.u32 @!p1 s4, s3  }
0x2d2: {  	s0 =	simm.s32 $0x0;
	[sflag:s2] =	ssyncadd.remote.s32 @!p1 $0xFFFFFFFF  }
0x2d3: {  	s0 =	simm.s32 $0xE419  }
0x2d4: {  	v0 =	vld.msk [tilespmem:s0+$0x0], $0x1;
	_ =	sdelay $0x4  }
0x2d5: {  	(v2sf) =	vpush v0, $0x0;
	_ =	sdelay $0xd  }
0x2d6: {  	s31 =	sadd.s32 $0xFFFFFFFE, s6  }
0x2d7: {  	s6 =	simm.s32 $0x0;
	s0 =	sadd.s32 $0xFFFFFFFF, s31;
	s2 =	spop (v2sf)  }
0x2d8: {  	s3 =	simm.s32 $0xE538;
	p1 =	sne.s32 s0, $0x0;
	p2 =	sgt.u32 s2, $0x4E170  }
.Ltmp36:
0x2d9: {  	s4 =	simm.s32 $0xE638;
	s5 =	sand.u32 @!p2 $0x7FFF8, s2;
	(pc) =	sbr.rel @!p1 .LBB2_46-.Ltmp36, $4  }
0x2da: {  	s7 =	sadd.s32 @!p2 $0x80, s2;
	s2 =	sand.u32 @!p2 $0x7, s2;
	s6 =	simm.s32 @!p2 $0x400  }
0x2db: {  	s5 =	sadd.s32 @!p2 s1, s5;
	s7 =	sand.u32 @!p2 $0xFFFF8, s7;
	s6 =	sadd.s32 $0x0, s6  }
0x2dc: {  	[hbm4b:s5+s2] =	stream.linear.scatter @!p2 [tilespmem:s3], [sflag:$0x5], $0x80, $0x38;
	[tilespmem:$0x1E678] =	vst v63  }
0x2dd: {  	s5 =	simm.s32 $0xE41A;
	s3 =	simm.s32 @!p2 $0xE5B8;
	s7 =	sadd.s32 @!p2 s1, s7  }
.LBB2_45:
0x2de: {  	[hbm4b:s7+s2] =	stream.linear.scatter @!p2 [tilespmem:s3], [sflag:$0x5], $0x80, $0x38;
	[tilespmem:$0x1E678] =	vst v63  }
0x2df: {  	s0 =	sadd.s32 $0xFFFFFFFF, s0;
	s3 =	smov.u32 s4;
	v0 =	vld.msk [tilespmem:s5+$0x0], $0x1  }
0x2e0: {  	p1 =	sne.s32 s0, $0x0;
	_ =	sdelay $0x3  }
0x2e1: {  	(v2sf) =	vpush v0, $0x0;
	_ =	sdelay $0xe  }
0x2e2: {  	s4 =	sadd.s32 $0x100, s4;
	s8 =	simm.s32 $0x0;
	s2 =	spop (v2sf)  }
.Ltmp37:
0x2e3: {  	s5 =	sadd.s32 $0x1, s5;
	p2 =	sgt.u32 s2, $0x4E170;
	(pc) =	sbr.rel @p1 .LBB2_45-.Ltmp37, $4  }
0x2e4: {  	s8 =	simm.s32 @!p2 $0x400;
	s7 =	sand.u32 @!p2 $0x7FFF8, s2;
	s9 =	sadd.s32 @!p2 $0x80, s2  }
0x2e5: {  	s2 =	sand.u32 @!p2 $0x7, s2;
	s7 =	sadd.s32 @!p2 s1, s7;
	s9 =	sand.u32 @!p2 $0xFFFF8, s9  }
0x2e6: {  	[hbm4b:s7+s2] =	stream.linear.scatter @!p2 [tilespmem:s3], [sflag:$0x5], $0x80, $0x38;
	[tilespmem:$0x1E678] =	vst v63  }
0x2e7: {  	s6 =	sadd.s32 s6, s8;
	s3 =	sadd.s32 @!p2 $0x80, s3;
	s7 =	sadd.s32 @!p2 s1, s9  }
.LBB2_46:
0x2e8: {  	[hbm4b:s7+s2] =	stream.linear.scatter @!p2 [tilespmem:s3], [sflag:$0x5], $0x80, $0x38;
	[tilespmem:$0x1E678] =	vst v63  }
0x2e9: {  	s0 =	sshrl.u32 s6, $0x2  }
.LBB2_47:
0x2ea: {  	s2 =	simm.s32 $0x5  }
0x2eb: {  	_ =	swait.ge [sflag:s2], s0  }
0x2ec: {  	s31 =	ssub.s32 $0x0, s0;
	[sflag:s2] =	ssyncset.done $0x0  }
0x2ed: {  	[sflag:s2] =	ssyncadd.s32 s31  }
0x2ee: {  	[sflag:s2] =	ssyncpa.u1 $0x1  }
.LBB2_48:
0x2ef: {  	s0 =	sor.u32 s14, s15  }
0x2f0: {  	p1 =	sne.s32 s0, $0x0  }
.Ltmp38:
0x2f1: {  	_ = 	snop;
	(pc) =	sbr.rel @p1 .LBB2_66-.Ltmp38, $3  }
0x2f2: {  	_ =	sdelay $0x1  }
0x2f3: {  	[bflag:$0x0] =	sbarrier.arrive $0xFFFF  }
0x2f4: {  	_ =	sfence  }
0x2f5: {  	s0 =	simm.s32 $0x7  }
0x2f6: {  	s2 =	simm.s32 $0x2000;
	s3 =	simm.s32 $0xE418;
	[sflag:s0] =	ssyncpa.u1 $0x0  }
0x2f7: {  	[tilespmem:s3], [sflag:$0x7] =	stream.linear.gather [spmem:s2], $0x20, $0x38;
	[tilespmem:$0x1E678] =	vst v63  }
0x2f8: {  	s31 =	simm.s32 $0xE438;
	s2 =	simm.s32 $0x0  }
0x2f9: {  	[tilespmem:s31], [sflag:$0x7] =	stream.linear.gather [spmem:s2], $0x2000, $0x38;
	[tilespmem:$0x1E678] =	vst v63  }
.Ltmp39:
0x2fa: {  	_ = 	snop;
	(pc) =	sbr.rel .LBB2_50-.Ltmp39, $4  }
0x2fb: {  	_ =	swait.ge [sflag:s0], $0x2020  }
0x2fc: {  	[sflag:s0] =	ssyncset.done $0x0  }
0x2fd: {  	s4 =	simm.s32 $0xE308;
	s3 =	simm.s32 $0x8;
	[sflag:s0] =	ssyncadd.s32 $0xFFFFDFE0  }
0x2fe: {  	s5 =	simm.s32 $0xE388;
	s6 =	simm.s32 $0x0;
	[sflag:s3] =	ssyncpa.u1 $0x0  }
.LBB2_58:
0x2ff: {  	s7 =	sand.u32 $0x7FFF8, s0;
	s30 =	sadd.s32 $0x80, s0  }
0x300: {  	s8 =	sand.u32 $0x7, s0;
	s7 =	sadd.s32 s1, s7;
	s0 =	sand.u32 $0xFFFF8, s30  }
0x301: {  	[tilespmem:s4], [sflag:$0x8] =	stream.linear.gather [hbm4b:s7+s8], $0x80, $0x38;
	[tilespmem:$0x1E678] =	vst v63  }
0x302: {  	s0 =	sadd.s32 s1, s0  }
0x303: {  	[tilespmem:s5], [sflag:$0x8] =	stream.linear.gather [hbm4b:s0+s8], $0x80, $0x38;
	[tilespmem:$0x1E678] =	vst v63  }
0x304: {  	_ =	swait.ge [sflag:s3], $0x100  }
0x305: {  	[sflag:s3] =	ssyncset.done $0x0  }
0x306: {  	s0 =	sshll.u32 s6, $0xA;
	[sflag:s3] =	ssyncadd.s32 $0xFFFFFF00  }
0x307: {  	s31 =	sshrl.u32 s0, $0x2;
	v1 =	vld [tilespmem:$0xE308]  }
0x308: {  	v2 =	vld [tilespmem:s31+$0xE438];
	_ =	sdelay $0x4  }
0x309: {  	v1 =	vmax.f32 v1, v2  }
0x30a: {  	v2 =	vld [tilespmem:s31+$0xE448];
	[tilespmem:s31+$0xE438] =	vst v1  }
0x30b: {  	v1 =	vld [tilespmem:$0xE318];
	_ =	sdelay $0x4  }
0x30c: {  	v1 =	vmax.f32 v1, v2  }
0x30d: {  	v2 =	vld [tilespmem:s31+$0xE458];
	[tilespmem:s31+$0xE448] =	vst v1  }
0x30e: {  	v1 =	vld [tilespmem:$0xE328];
	_ =	sdelay $0x4  }
0x30f: {  	v1 =	vmax.f32 v1, v2  }
0x310: {  	v2 =	vld [tilespmem:s31+$0xE468];
	[tilespmem:s31+$0xE458] =	vst v1  }
0x311: {  	v1 =	vld [tilespmem:$0xE338];
	_ =	sdelay $0x4  }
0x312: {  	v1 =	vmax.f32 v1, v2  }
0x313: {  	v2 =	vld [tilespmem:s31+$0xE478];
	[tilespmem:s31+$0xE468] =	vst v1  }
0x314: {  	v1 =	vld [tilespmem:$0xE348];
	_ =	sdelay $0x4  }
0x315: {  	v1 =	vmax.f32 v1, v2  }
0x316: {  	v2 =	vld [tilespmem:s31+$0xE488];
	[tilespmem:s31+$0xE478] =	vst v1  }
0x317: {  	v1 =	vld [tilespmem:$0xE358];
	_ =	sdelay $0x4  }
0x318: {  	v1 =	vmax.f32 v1, v2  }
0x319: {  	v2 =	vld [tilespmem:s31+$0xE498];
	[tilespmem:s31+$0xE488] =	vst v1  }
0x31a: {  	v1 =	vld [tilespmem:$0xE368];
	_ =	sdelay $0x4  }
0x31b: {  	v1 =	vmax.f32 v1, v2  }
0x31c: {  	v2 =	vld [tilespmem:s31+$0xE4A8];
	[tilespmem:s31+$0xE498] =	vst v1  }
0x31d: {  	v1 =	vld [tilespmem:$0xE378];
	_ =	sdelay $0x4  }
0x31e: {  	v1 =	vmax.f32 v1, v2  }
0x31f: {  	v2 =	vld [tilespmem:s31+$0xE4B8];
	[tilespmem:s31+$0xE4A8] =	vst v1  }
0x320: {  	v1 =	vld [tilespmem:$0xE388];
	_ =	sdelay $0x4  }
0x321: {  	v1 =	vmax.f32 v1, v2  }
0x322: {  	v2 =	vld [tilespmem:s31+$0xE4C8];
	[tilespmem:s31+$0xE4B8] =	vst v1  }
0x323: {  	v1 =	vld [tilespmem:$0xE398];
	_ =	sdelay $0x4  }
0x324: {  	v1 =	vmax.f32 v1, v2  }
0x325: {  	v2 =	vld [tilespmem:s31+$0xE4D8];
	[tilespmem:s31+$0xE4C8] =	vst v1  }
0x326: {  	v1 =	vld [tilespmem:$0xE3A8];
	_ =	sdelay $0x4  }
0x327: {  	v1 =	vmax.f32 v1, v2  }
0x328: {  	v2 =	vld [tilespmem:s31+$0xE4E8];
	[tilespmem:s31+$0xE4D8] =	vst v1  }
0x329: {  	v1 =	vld [tilespmem:$0xE3B8];
	_ =	sdelay $0x4  }
0x32a: {  	v1 =	vmax.f32 v1, v2  }
0x32b: {  	v2 =	vld [tilespmem:s31+$0xE4F8];
	[tilespmem:s31+$0xE4E8] =	vst v1  }
0x32c: {  	v1 =	vld [tilespmem:$0xE3C8];
	_ =	sdelay $0x4  }
0x32d: {  	v1 =	vmax.f32 v1, v2  }
0x32e: {  	v2 =	vld [tilespmem:s31+$0xE508];
	[tilespmem:s31+$0xE4F8] =	vst v1  }
0x32f: {  	v1 =	vld [tilespmem:$0xE3D8];
	_ =	sdelay $0x4  }
0x330: {  	v1 =	vmax.f32 v1, v2  }
0x331: {  	v2 =	vld [tilespmem:s31+$0xE518];
	[tilespmem:s31+$0xE508] =	vst v1  }
0x332: {  	v1 =	vld [tilespmem:$0xE3E8];
	_ =	sdelay $0x4  }
0x333: {  	v1 =	vmax.f32 v1, v2  }
0x334: {  	v2 =	vld [tilespmem:s31+$0xE528];
	[tilespmem:s31+$0xE518] =	vst v1  }
0x335: {  	v1 =	vld [tilespmem:$0xE3F8];
	_ =	sdelay $0x4  }
0x336: {  	v1 =	vmax.f32 v1, v2  }
0x337: {  	[tilespmem:s31+$0xE528] =	vst v1  }
.LBB2_59:
0x338: {  	[tilespmem:s2+$0xE418] =	vst.msk $0x1, v0;
	s0 =	sshrl.u32 s0, $0x2  }
0x339: {  	v0 =	vld [tilespmem:s0+$0xE438];
	_ =	sdelay $0x2  }
0x33a: {  	s7 =	sshll.u32 s2, $0xA  }
0x33b: {  	s7 =	sshra.s32 s7, $0x2  }
0x33c: {  	[tilespmem:s7+$0xE438] =	vst v0  }
0x33d: {  	v0 =	vld [tilespmem:s0+$0xE448];
	_ =	sdelay $0x4  }
0x33e: {  	[tilespmem:s7+$0xE448] =	vst v0  }
0x33f: {  	v0 =	vld [tilespmem:s0+$0xE458];
	_ =	sdelay $0x4  }
0x340: {  	[tilespmem:s7+$0xE458] =	vst v0  }
0x341: {  	v0 =	vld [tilespmem:s0+$0xE468];
	_ =	sdelay $0x4  }
0x342: {  	[tilespmem:s7+$0xE468] =	vst v0  }
0x343: {  	v0 =	vld [tilespmem:s0+$0xE478];
	_ =	sdelay $0x4  }
0x344: {  	[tilespmem:s7+$0xE478] =	vst v0  }
0x345: {  	v0 =	vld [tilespmem:s0+$0xE488];
	_ =	sdelay $0x4  }
0x346: {  	[tilespmem:s7+$0xE488] =	vst v0  }
0x347: {  	v0 =	vld [tilespmem:s0+$0xE498];
	_ =	sdelay $0x4  }
0x348: {  	[tilespmem:s7+$0xE498] =	vst v0  }
0x349: {  	v0 =	vld [tilespmem:s0+$0xE4A8];
	_ =	sdelay $0x4  }
0x34a: {  	[tilespmem:s7+$0xE4A8] =	vst v0  }
0x34b: {  	v0 =	vld [tilespmem:s0+$0xE4B8];
	_ =	sdelay $0x4  }
0x34c: {  	[tilespmem:s7+$0xE4B8] =	vst v0  }
0x34d: {  	v0 =	vld [tilespmem:s0+$0xE4C8];
	_ =	sdelay $0x4  }
0x34e: {  	[tilespmem:s7+$0xE4C8] =	vst v0  }
0x34f: {  	v0 =	vld [tilespmem:s0+$0xE4D8];
	_ =	sdelay $0x4  }
0x350: {  	[tilespmem:s7+$0xE4D8] =	vst v0  }
0x351: {  	v0 =	vld [tilespmem:s0+$0xE4E8];
	_ =	sdelay $0x4  }
0x352: {  	[tilespmem:s7+$0xE4E8] =	vst v0  }
0x353: {  	v0 =	vld [tilespmem:s0+$0xE4F8];
	_ =	sdelay $0x4  }
0x354: {  	[tilespmem:s7+$0xE4F8] =	vst v0  }
0x355: {  	v0 =	vld [tilespmem:s0+$0xE508];
	_ =	sdelay $0x4  }
0x356: {  	[tilespmem:s7+$0xE508] =	vst v0  }
0x357: {  	v0 =	vld [tilespmem:s0+$0xE518];
	_ =	sdelay $0x4  }
0x358: {  	[tilespmem:s7+$0xE518] =	vst v0  }
0x359: {  	v0 =	vld [tilespmem:s0+$0xE528];
	_ =	sdelay $0x4  }
0x35a: {  	s2 =	sadd.s32 $0x1, s2;
	[tilespmem:s7+$0xE528] =	vst v0  }
.LBB2_60:
0x35b: {  	s6 =	sadd.s32 $0x1, s6  }
0x35c: {  	p1 =	sne.s32 s6, $0x20  }
.Ltmp40:
0x35d: {  	_ = 	snop;
	(pc) =	sbr.rel @!p1 .LBB2_61-.Ltmp40, $1  }
0x35e: {  	_ =	sdelay $0x3  }
.LBB2_50:
0x35f: {  	v0 =	vld.msk [tilespmem:s6+$0xE418], $0x1;
	_ =	sdelay $0x4  }
0x360: {  	(v2sf) =	vpush v0, $0x0;
	_ =	sdelay $0xe  }
0x361: {  	s0 =	spop (v2sf)  }
0x362: {  	p1 =	seq.s32 s0, $0xFFFFFFFF  }
.Ltmp41:
0x363: {  	_ = 	snop;
	(pc) =	sbr.rel @p1 .LBB2_60-.Ltmp41, $1  }
0x364: {  	_ =	sdelay $0x3  }
0x365: {  	p1 =	slt.s32 s2, $0x1  }
.Ltmp42:
0x366: {  	_ = 	snop;
	(pc) =	sbr.rel @p1 .LBB2_56-.Ltmp42, $1  }
0x367: {  	_ =	sdelay $0x3  }
0x368: {  	s7 =	simm.s32 $0xE418;
	p1 =	por $0x0, $0x0  }
0x369: {  	v1 =	vld.msk @!p1 [tilespmem:s7+$0x0], $0x1;
	_ =	sdelay $0x4  }
0x36a: {  	(v2sf) =	vpush @!p1 v1, $0x0;
	_ =	sdelay $0xd  }
0x36b: {  	p3 =	sne.s32 s2, $0x1  }
.Ltmp43:
0x36c: {  	s8 =	spop @!p1 (v2sf);
	(pc) =	sbr.rel @!p3 .LBB2_54-.Ltmp43, $4  }
0x36d: {  	p2 =	seq.s32 @!p1 s0, s8  }
0x36e: {  	s8 =	simm.s32 $0x0;
	p2 =	por !p2, p1  }
0x36f: {  	s10 =	simm.s32 $0xFFFFFFFF;
	s8 =	simm.s32 @p2 $0xFFFFFFFF  }
0x370: {  	s9 =	simm.s32 $0x1;
	s8 =	smov.u32 @p1 s10  }
.LBB2_53:
0x371: {  	s10 =	smov.u32 s8;
	p1 =	sne.s32 s8, $0xFFFFFFFF  }
0x372: {  	s7 =	sadd.s32 $0x1, s7;
	s8 =	smov.u32 s9;
	s9 =	sadd.s32 $0x1, s9  }
0x373: {  	p2 =	sne.s32 s2, s9;
	v1 =	vld.msk @!p1 [tilespmem:s7+$0x0], $0x1;
	_ =	sdelay $0x4  }
0x374: {  	(v2sf) =	vpush @!p1 v1, $0x0;
	_ =	sdelay $0xe  }
.Ltmp44:
0x375: {  	s11 =	spop @!p1 (v2sf);
	(pc) =	sbr.rel @p2 .LBB2_53-.Ltmp44, $4  }
0x376: {  	p3 =	seq.s32 @!p1 s0, s11  }
0x377: {  	p3 =	por !p3, p1  }
0x378: {  	s8 =	simm.s32 @p3 $0xFFFFFFFF  }
0x379: {  	s8 =	smov.u32 @p1 s10  }
.LBB2_54:
0x37a: {  	p1 =	seq.s32 s8, $0xFFFFFFFF  }
.Ltmp45:
0x37b: {  	_ = 	snop;
	(pc) =	sbr.rel @p1 .LBB2_56-.Ltmp45, $1  }
0x37c: {  	_ =	sdelay $0x3  }
0x37d: {  	s0 =	sshll.u32 s6, $0x8  }
0x37e: {  	s31 =	sshll.u32 s8, $0xA;
	s7 =	sand.u32 $0x3FFFFF00, s0  }
0x37f: {  	s0 =	sshra.s32 s31, $0x2;
	v0 =	vld [tilespmem:s7+$0xE438]  }
0x380: {  	v1 =	vld [tilespmem:s0+$0xE438];
	_ =	sdelay $0x4  }
0x381: {  	v0 =	vmax.f32 v0, v1  }
0x382: {  	v49 =	vld [tilespmem:s0+$0xE448];
	[tilespmem:s0+$0xE438] =	vst v0  }
0x383: {  	v0 =	vld [tilespmem:s7+$0xE448];
	_ =	sdelay $0x4  }
0x384: {  	v0 =	vmax.f32 v0, v49  }
0x385: {  	v50 =	vld [tilespmem:s0+$0xE458];
	[tilespmem:s0+$0xE448] =	vst v0  }
0x386: {  	v0 =	vld [tilespmem:s7+$0xE458];
	_ =	sdelay $0x4  }
0x387: {  	v0 =	vmax.f32 v0, v50  }
0x388: {  	v51 =	vld [tilespmem:s0+$0xE468];
	[tilespmem:s0+$0xE458] =	vst v0  }
0x389: {  	v0 =	vld [tilespmem:s7+$0xE468];
	_ =	sdelay $0x4  }
0x38a: {  	v0 =	vmax.f32 v0, v51  }
0x38b: {  	v52 =	vld [tilespmem:s0+$0xE478];
	[tilespmem:s0+$0xE468] =	vst v0  }
0x38c: {  	v0 =	vld [tilespmem:s7+$0xE478];
	_ =	sdelay $0x4  }
0x38d: {  	v0 =	vmax.f32 v0, v52  }
0x38e: {  	v53 =	vld [tilespmem:s0+$0xE488];
	[tilespmem:s0+$0xE478] =	vst v0  }
0x38f: {  	v0 =	vld [tilespmem:s7+$0xE488];
	_ =	sdelay $0x4  }
0x390: {  	v0 =	vmax.f32 v0, v53  }
0x391: {  	v54 =	vld [tilespmem:s0+$0xE498];
	[tilespmem:s0+$0xE488] =	vst v0  }
0x392: {  	v0 =	vld [tilespmem:s7+$0xE498];
	_ =	sdelay $0x4  }
0x393: {  	v0 =	vmax.f32 v0, v54  }
0x394: {  	v55 =	vld [tilespmem:s0+$0xE4A8];
	[tilespmem:s0+$0xE498] =	vst v0  }
0x395: {  	v0 =	vld [tilespmem:s7+$0xE4A8];
	_ =	sdelay $0x4  }
0x396: {  	v0 =	vmax.f32 v0, v55  }
0x397: {  	v56 =	vld [tilespmem:s0+$0xE4B8];
	[tilespmem:s0+$0xE4A8] =	vst v0  }
0x398: {  	v0 =	vld [tilespmem:s7+$0xE4B8];
	_ =	sdelay $0x4  }
0x399: {  	v0 =	vmax.f32 v0, v56  }
0x39a: {  	v57 =	vld [tilespmem:s0+$0xE4C8];
	[tilespmem:s0+$0xE4B8] =	vst v0  }
0x39b: {  	v0 =	vld [tilespmem:s7+$0xE4C8];
	_ =	sdelay $0x4  }
0x39c: {  	v0 =	vmax.f32 v0, v57  }
0x39d: {  	v58 =	vld [tilespmem:s0+$0xE4D8];
	[tilespmem:s0+$0xE4C8] =	vst v0  }
0x39e: {  	v0 =	vld [tilespmem:s7+$0xE4D8];
	_ =	sdelay $0x4  }
0x39f: {  	v0 =	vmax.f32 v0, v58  }
0x3a0: {  	v59 =	vld [tilespmem:s0+$0xE4E8];
	[tilespmem:s0+$0xE4D8] =	vst v0  }
0x3a1: {  	v0 =	vld [tilespmem:s7+$0xE4E8];
	_ =	sdelay $0x4  }
0x3a2: {  	v0 =	vmax.f32 v0, v59  }
0x3a3: {  	v60 =	vld [tilespmem:s0+$0xE4F8];
	[tilespmem:s0+$0xE4E8] =	vst v0  }
0x3a4: {  	v0 =	vld [tilespmem:s7+$0xE4F8];
	_ =	sdelay $0x4  }
0x3a5: {  	v0 =	vmax.f32 v0, v60  }
0x3a6: {  	v61 =	vld [tilespmem:s0+$0xE508];
	[tilespmem:s0+$0xE4F8] =	vst v0  }
0x3a7: {  	v0 =	vld [tilespmem:s7+$0xE508];
	_ =	sdelay $0x4  }
0x3a8: {  	v0 =	vmax.f32 v0, v61  }
0x3a9: {  	v62 =	vld [tilespmem:s0+$0xE518];
	[tilespmem:s0+$0xE508] =	vst v0  }
0x3aa: {  	v0 =	vld [tilespmem:s7+$0xE518];
	_ =	sdelay $0x4  }
0x3ab: {  	v0 =	vmax.f32 v0, v62  }
0x3ac: {  	v63 =	vld [tilespmem:s0+$0xE528];
	[tilespmem:s0+$0xE518] =	vst v0  }
0x3ad: {  	v0 =	vld [tilespmem:s7+$0xE528];
	_ =	sdelay $0x1  }
.Ltmp46:
0x3ae: {  	_ = 	snop;
	(pc) =	sbr.rel .LBB2_60-.Ltmp46, $3  }
0x3af: {  	_ =	sdelay $0x1  }
0x3b0: {  	v0 =	vmax.f32 v0, v63  }
0x3b1: {  	[tilespmem:s0+$0xE528] =	vst v0  }
.LBB2_56:
0x3b2: {  	p1 =	slt.u32 s0, $0x4E171  }
.Ltmp47:
0x3b3: {  	_ = 	snop;
	(pc) =	sbr.rel @p1 .LBB2_58-.Ltmp47, $1  }
0x3b4: {  	_ =	sdelay $0x3  }
.Ltmp48:
0x3b5: {  	(pc) =	sbr.rel .LBB2_59-.Ltmp48, $2  }
0x3b6: {  	_ =	sdelay $0x2  }
0x3b7: {  	s0 =	sshll.u32 s6, $0xA  }
.LBB2_61:
0x3b8: {  	p1 =	slt.s32 s2, $0x1  }
.Ltmp49:
0x3b9: {  	_ = 	snop;
	(pc) =	sbr.rel @p1 .LBB2_65-.Ltmp49, $3  }
0x3ba: {  	_ =	sdelay $0x1  }
0x3bb: {  	s0 =	simm.s32 $0x8  }
0x3bc: {  	s4 =	simm.s32 $0x0;
	[sflag:s0] =	ssyncpa.u1 $0x1  }
0x3bd: {  	s0 =	simm.s32 $0xE418  }
0x3be: {  	v0 =	vld.msk [tilespmem:s0+$0x0], $0x1;
	_ =	sdelay $0x4  }
0x3bf: {  	(v2sf) =	vpush v0, $0x0;
	_ =	sdelay $0xe  }
0x3c0: {  	s0 =	sadd.s32 $0xFFFFFFFF, s2;
	s3 =	spop (v2sf)  }
0x3c1: {  	s6 =	simm.s32 $0xE438;
	p1 =	sne.s32 s0, $0x0;
	p2 =	sgt.u32 s3, $0x4E170  }
.Ltmp50:
0x3c2: {  	s2 =	simm.s32 $0xE538;
	s5 =	sand.u32 @!p2 $0x7FFF8, s3;
	(pc) =	sbr.rel @!p1 .LBB2_64-.Ltmp50, $4  }
0x3c3: {  	s7 =	sadd.s32 @!p2 $0x80, s3;
	s4 =	simm.s32 @!p2 $0x400;
	s8 =	sadd.s32 @!p2 s1, s5  }
0x3c4: {  	s5 =	sand.u32 @!p2 $0x7, s3;
	s3 =	simm.s32 $0xE419;
	s7 =	sand.u32 @!p2 $0xFFFF8, s7  }
0x3c5: {  	[hbm4b:s8+s5] =	stream.linear.scatter @!p2 [tilespmem:s6], [sflag:$0x7], $0x80, $0x38;
	[tilespmem:$0x1E678] =	vst v63  }
0x3c6: {  	s4 =	sadd.s32 $0x0, s4;
	s6 =	simm.s32 @!p2 $0xE4B8;
	s7 =	sadd.s32 @!p2 s1, s7  }
.LBB2_63:
0x3c7: {  	[hbm4b:s7+s5] =	stream.linear.scatter @!p2 [tilespmem:s6], [sflag:$0x7], $0x80, $0x38;
	[tilespmem:$0x1E678] =	vst v63  }
0x3c8: {  	s0 =	sadd.s32 $0xFFFFFFFF, s0;
	s6 =	smov.u32 s2;
	v0 =	vld.msk [tilespmem:s3+$0x0], $0x1  }
0x3c9: {  	p1 =	sne.s32 s0, $0x0;
	_ =	sdelay $0x3  }
0x3ca: {  	(v2sf) =	vpush v0, $0x0;
	_ =	sdelay $0xe  }
0x3cb: {  	s2 =	sadd.s32 $0x100, s2;
	s8 =	simm.s32 $0x0;
	s5 =	spop (v2sf)  }
.Ltmp51:
0x3cc: {  	s3 =	sadd.s32 $0x1, s3;
	p2 =	sgt.u32 s5, $0x4E170;
	(pc) =	sbr.rel @p1 .LBB2_63-.Ltmp51, $4  }
0x3cd: {  	s8 =	simm.s32 @!p2 $0x400;
	s7 =	sand.u32 @!p2 $0x7FFF8, s5;
	s9 =	sadd.s32 @!p2 $0x80, s5  }
0x3ce: {  	s5 =	sand.u32 @!p2 $0x7, s5;
	s7 =	sadd.s32 @!p2 s1, s7;
	s9 =	sand.u32 @!p2 $0xFFFF8, s9  }
0x3cf: {  	[hbm4b:s7+s5] =	stream.linear.scatter @!p2 [tilespmem:s6], [sflag:$0x7], $0x80, $0x38;
	[tilespmem:$0x1E678] =	vst v63  }
0x3d0: {  	s4 =	sadd.s32 s4, s8;
	s6 =	sadd.s32 @!p2 $0x80, s6;
	s7 =	sadd.s32 @!p2 s1, s9  }
.LBB2_64:
0x3d1: {  	[hbm4b:s7+s5] =	stream.linear.scatter @!p2 [tilespmem:s6], [sflag:$0x7], $0x80, $0x38;
	[tilespmem:$0x1E678] =	vst v63  }
0x3d2: {  	s4 =	sshrl.u32 s4, $0x2  }
.LBB2_65:
0x3d3: {  	s0 =	simm.s32 $0x7  }
0x3d4: {  	_ =	swait.ge [sflag:s0], s4  }
0x3d5: {  	s1 =	ssub.s32 $0x0, s4;
	[sflag:s0] =	ssyncset.done $0x0  }
0x3d6: {  	[sflag:s0] =	ssyncadd.s32 s1  }
0x3d7: {  	[sflag:s0] =	ssyncpa.u1 $0x1  }
.LBB2_66:
0x3d8: {  	_ =	sfence;
	s0 =	simm.s32 $0x1  }
0x3d9: {  	[sflag:s0] =	ssyncpa.u1 $0x1  }
0x3da: {  	_ =	strace $0x90000047  }
0x3db: {  	[bflag:$0x2] =	sbarrier.arrive $0xFFFF  }
0x3dc: {  	s0 =	rddreg [dreg:$0x3]  }
0x3dd: {  	s0 =	sadd.s32 @!p0 $0x100000, s0  }
0x3de: {  	[sflag:s0] =	ssyncadd.tile.s32 @!p0 $0x1;
	_ =	shalt  }
.Lfunc_end2:
_tile_overlayer_lowered:
.L_overlay_start_2:
0x3df: {  	(tag) =	ssettag $0x2  }
0x3e0: {  	s0 =	rddreg [dreg:$0x0];
	s2 =	stileid.u32  }
0x3e1: {  	s1 =	rddreg [dreg:$0x1];
	p0 =	sne.s32 s2, $0x0  }
0x3e2: {  	s3 =	rddreg [dreg:$0x2];
	[bflag:$0x3] =	sbarrier.arrive $0xFFFF;
	s2 =	simm.s32 @!p0 $0x1C01  }
0x3e3: {  	[timem:s3], [sflag:s2] =	dma.local @!p0 [hbm:s0], s1  }
0x3e4: {  	s0 =	simm.s32 @!p0 $0x1  }
0x3e5: {  	_ =	swait.ge @!p0 [sflag:s0], s1  }
0x3e6: {  	s1 =	ssub.s32 @!p0 $0x0, s1;
	[sflag:s0] =	ssyncset.done @!p0 $0x0  }
0x3e7: {  	[sflag:s0] =	ssyncadd.s32 @!p0 s1  }
0x3e8: {  	[bflag:$0x3] =	sbarrier.arrive $0xFFFF  }
0x3e9: {  	_ =	shalt  }

</sc_bundles>
